<compile_context>
chip_gen: v7x
topology: tpu7x:2x2x1
jax: 0.10.2.dev20260603
libtpu: 0.0.44.dev20260713+nightly
codegen_flags: <defaults>
</compile_context>

<pallas_src>
import functools

import jax
import jax.numpy as jnp
import numpy as np
from jax import lax
from jax.experimental import pallas as pl
from jax.experimental.pallas import tpu as pltpu
from jax.experimental.pallas import tpu_sc as plsc

_MASK = np.concatenate(
    [np.ones(25, dtype=bool), np.zeros(70, dtype=bool), np.ones(42, dtype=bool)]
)
_KEPT = np.nonzero(_MASK)[0].astype(np.int32)
_NKEPT = len(_KEPT)

_FRAMES, _PEOPLE, _KP, _DIMS = 8192, 4, 137, 3
_FT = _FRAMES // 128
_NW = 32

_NQ = 2
_QT = _FT // _NQ
_NUNITS = _NKEPT * _NQ
_MAXJ = -(-_NUNITS // _NW)


_NBUF = 3


def _body(in_hbm, out_hbm, *scratch):
    wid = lax.axis_index("s") * 2 + lax.axis_index("c")
    bufs = scratch[:_NBUF]
    lsems = scratch[_NBUF:2 * _NBUF]
    ssems = scratch[2 * _NBUF:]

    units = []
    for j in range(_MAXJ):
        u = wid + _NW * j
        k_out = u // _NQ
        q = u % _NQ
        kp = jnp.where(k_out >= 25, k_out + 70, k_out)
        b = j % _NBUF
        lds = [
            pltpu.make_async_copy(
                in_hbm.at[3 * kp + d, pl.ds(q * _QT, _QT)],
                bufs[b].at[:, d],
                lsems[b],
            )
            for d in (0, 1)
        ]
        sts = [
            pltpu.make_async_copy(
                bufs[b].at[:, :, p, :],
                out_hbm.at[p, k_out, pl.ds(q * _QT, _QT)],
                ssems[b],
            )
            for p in range(_PEOPLE)
        ]
        units.append((u, lds, sts))

    def guarded(j, fn):
        @pl.when(units[j][0] < _NUNITS)
        def _():
            fn()

    def start_loads(j):
        guarded(j, lambda: [c.start() for c in units[j][1]])

    for j in range(min(_NBUF - 1, _MAXJ)):
        start_loads(j)
    for j in range(_MAXJ):
        nxt = j + _NBUF - 1
        if nxt < _MAXJ:
            if j - 1 >= 0:
                guarded(j - 1, lambda j=j: [c.wait() for c in units[j - 1][2]])
            start_loads(nxt)
        guarded(j, lambda j=j: ([c.wait() for c in units[j][1]],
                                [c.start() for c in units[j][2]]))

    for j in range(max(0, _MAXJ - _NBUF), _MAXJ):
        guarded(j, lambda j=j: [c.wait() for c in units[j][2]])


_sc_filter = functools.partial(
    pl.kernel,
    mesh=plsc.VectorSubcoreMesh(core_axis_name="c", subcore_axis_name="s"),
    out_type=jax.ShapeDtypeStruct((_PEOPLE, _NKEPT, _FT, 2, 128), jnp.float32),
    scratch_types=(
        [pltpu.VMEM((_QT, 2, _PEOPLE, 128), jnp.float32)] * _NBUF
        + [pltpu.SemaphoreType.DMA] * (2 * _NBUF)
    ),
    compiler_params=pltpu.CompilerParams(skip_device_barrier=True),
)(_body)


def kernel(pose):
    phys_in = jnp.transpose(
        pose.reshape(_FT, 128, _PEOPLE, _KP, _DIMS), (3, 4, 0, 2, 1)
    ).reshape(_KP * _DIMS, _FT, _PEOPLE, 128)
    out_phys = _sc_filter(phys_in)
    return jnp.transpose(out_phys, (2, 4, 0, 1, 3)).reshape(
        _FRAMES, _PEOPLE, _NKEPT, 2
    )

# --- scband reference (transcript-rebuilt; emitter-appended) ---
"""Pipeline reference for scband-filter-landmarks-46832323396063 (READ-ONLY COPY).

The authoritative reference and input builder live on the scoring server;
editing this copy changes nothing except your own understanding.
"""

import jax, jax.numpy as jnp
import numpy as np

# mask: 25 body landmarks kept, 70 face landmarks dropped, 42 hand landmarks kept (L=137)
MASK_NP = np.concatenate([np.ones(25, dtype=bool), np.zeros(70, dtype=bool), np.ones(42, dtype=bool)])
# precompute integer indices of kept landmarks (jit-friendly static gather indices)
IDX_NP = np.nonzero(MASK_NP)[0].astype(np.int32)
USE_3D = False


def setup_inputs(seed: int = 0) -> dict:
    key = jax.random.key(seed)
    pose = jax.random.normal(key, (8192, 4, 137, 3), dtype=jnp.float32)
    return {"pose": pose}


def reference(pose):
    # pose: (frames, people, keypoints, dims) -> permute to (keypoints, people, frames, dims)
    p = jnp.transpose(pose, (2, 1, 0, 3))
    # boolean-mask select along keypoint axis (as static integer gather)
    p = jnp.take(p, jnp.asarray(IDX_NP), axis=0)
    if not USE_3D:
        p = p[:, :, :, :2]
    # permute back to (frames, people, keypoints', dims')
    return jnp.transpose(p, (2, 1, 0, 3))

if __name__ == "__main__":
    import jax
    _d = setup_inputs()
    print(jax.jit(kernel)(*tuple(_d.values())))

</pallas_src>

<mosaic_0001>
#map = affine_map<(d0, d1) -> (0, 0, 0, 0)>
#map1 = affine_map<(d0, d1) -> (0, 0, 0, 0, 0)>
module attributes {stable_mosaic.version = 14 : i64} {
  func.func @_body(%arg0: i32, %arg1: i32, %arg2: memref<411x64x4x128xf32, #tpu.memory_space<hbm>>, %arg3: memref<4x67x64x2x128xf32, #tpu.memory_space<hbm>>, %arg4: memref<32x2x4x128xf32, #tpu.memory_space<vmem>>, %arg5: memref<32x2x4x128xf32, #tpu.memory_space<vmem>>, %arg6: memref<32x2x4x128xf32, #tpu.memory_space<vmem>>, %arg7: memref<!tpu.dma_semaphore, #tpu.memory_space<semaphore_mem>>, %arg8: memref<!tpu.dma_semaphore, #tpu.memory_space<semaphore_mem>>, %arg9: memref<!tpu.dma_semaphore, #tpu.memory_space<semaphore_mem>>, %arg10: memref<!tpu.dma_semaphore, #tpu.memory_space<semaphore_mem>>, %arg11: memref<!tpu.dma_semaphore, #tpu.memory_space<semaphore_mem>>, %arg12: memref<!tpu.dma_semaphore, #tpu.memory_space<semaphore_mem>>) attributes {dimension_semantics = [#tpu.dimension_semantics<core_parallel>, #tpu.dimension_semantics<subcore_parallel>], iteration_bounds = array<i64: 2, 16>, scalar_prefetch = 0 : i64, scratch_operands = 9 : i64, tpu.core_type = #tpu.core_type<sc_vector_subcore>, window_params = [{transform_indices = #map}, {transform_indices = #map1}]} {
    %mul3A = arith.constant 2 : i32
    %mul3A_0 = arith.muli %arg1, %mul3A : i32
    %add3A = arith.addi %mul3A_0, %arg0 : i32
    %add3A_1 = arith.constant 0 : i32
    %add3A_2 = arith.addi %add3A, %add3A_1 : i32
    %jit3A = arith.constant 2 : i32
    %div3A = arith.divsi %add3A_2, %jit3A : i32
    %sign3A = arith.constant 0 : i32
    %sign3A_3 = arith.cmpi sgt, %add3A_2, %sign3A : i32
    %sign3A_4 = arith.extui %sign3A_3 : i1 to i32
    %sign3A_5 = arith.constant 0 : i32
    %sign3A_6 = arith.cmpi slt, %add3A_2, %sign3A_5 : i32
    %sign3A_7 = arith.extui %sign3A_6 : i1 to i32
    %sign3A_8 = arith.subi %sign3A_4, %sign3A_7 : i32
    %sign3A_9 = arith.constant 0 : i32
    %sign3A_10 = arith.cmpi sgt, %jit3A, %sign3A_9 : i32
    %sign3A_11 = arith.extui %sign3A_10 : i1 to i32
    %sign3A_12 = arith.constant 0 : i32
    %sign3A_13 = arith.cmpi slt, %jit3A, %sign3A_12 : i32
    %sign3A_14 = arith.extui %sign3A_13 : i1 to i32
    %sign3A_15 = arith.subi %sign3A_11, %sign3A_14 : i32
    %ne3A = arith.cmpi ne, %sign3A_8, %sign3A_15 : i32
    %rem3A = arith.remsi %add3A_2, %jit3A : i32
    %ne3A_16 = arith.constant 0 : i32
    %ne3A_17 = arith.cmpi ne, %rem3A, %ne3A_16 : i32
    %and3A = arith.andi %ne3A, %ne3A_17 : i1
    %sub3A = arith.constant 1 : i32
    %sub3A_18 = arith.subi %div3A, %sub3A : i32
    %select_n3A = arith.select %and3A, %sub3A_18, %div3A : i32
    %jit3A_19 = arith.constant 2 : i32
    %eq3A = arith.constant 0 : i32
    %eq3A_20 = arith.cmpi eq, %jit3A_19, %eq3A : i32
    %jit3A_21 = arith.constant 1 : i32
    %select_n3A_22 = arith.select %eq3A_20, %jit3A_21, %jit3A_19 : i32
    %rem3A_23 = arith.remsi %add3A_2, %select_n3A_22 : i32
    %ne3A_24 = arith.constant 0 : i32
    %ne3A_25 = arith.cmpi ne, %rem3A_23, %ne3A_24 : i32
    %lt3A = arith.constant 0 : i32
    %lt3A_26 = arith.cmpi slt, %rem3A_23, %lt3A : i32
    %lt3A_27 = arith.constant 0 : i32
    %lt3A_28 = arith.cmpi slt, %select_n3A_22, %lt3A_27 : i32
    %ne3A_29 = arith.xori %lt3A_26, %lt3A_28 : i1
    %and3A_30 = arith.andi %ne3A_29, %ne3A_25 : i1
    %add3A_31 = arith.addi %rem3A_23, %select_n3A_22 : i32
    %select_n3A_32 = arith.select %and3A_30, %add3A_31, %rem3A_23 : i32
    %ge3A = arith.constant 25 : i32
    %ge3A_33 = arith.cmpi sge, %select_n3A, %ge3A : i32
    %add3A_34 = arith.constant 70 : i32
    %add3A_35 = arith.addi %select_n3A, %add3A_34 : i32
    %select_n3A_36 = arith.select %ge3A_33, %add3A_35, %select_n3A : i32
    %mul3A_37 = arith.constant 3 : i32
    %mul3A_38 = arith.muli %mul3A_37, %select_n3A_36 : i32
    %add3A_39 = arith.constant 0 : i32
    %add3A_40 = arith.addi %mul3A_38, %add3A_39 : i32
    %mul3A_41 = arith.constant 32 : i32
    %mul3A_42 = arith.muli %select_n3A_32, %mul3A_41 : i32
    %mul3A_43 = arith.constant 3 : i32
    %mul3A_44 = arith.muli %mul3A_43, %select_n3A_36 : i32
    %add3A_45 = arith.constant 1 : i32
    %add3A_46 = arith.addi %mul3A_44, %add3A_45 : i32
    %mul3A_47 = arith.constant 32 : i32
    %mul3A_48 = arith.muli %select_n3A_32, %mul3A_47 : i32
    %mul3A_49 = arith.constant 32 : i32
    %mul3A_50 = arith.muli %select_n3A_32, %mul3A_49 : i32
    %mul3A_51 = arith.constant 32 : i32
    %mul3A_52 = arith.muli %select_n3A_32, %mul3A_51 : i32
    %mul3A_53 = arith.constant 32 : i32
    %mul3A_54 = arith.muli %select_n3A_32, %mul3A_53 : i32
    %mul3A_55 = arith.constant 32 : i32
    %mul3A_56 = arith.muli %select_n3A_32, %mul3A_55 : i32
    %add3A_57 = arith.constant 32 : i32
    %add3A_58 = arith.addi %add3A, %add3A_57 : i32
    %jit3A_59 = arith.constant 2 : i32
    %div3A_60 = arith.divsi %add3A_58, %jit3A_59 : i32
    %sign3A_61 = arith.constant 0 : i32
    %sign3A_62 = arith.cmpi sgt, %add3A_58, %sign3A_61 : i32
    %sign3A_63 = arith.extui %sign3A_62 : i1 to i32
    %sign3A_64 = arith.constant 0 : i32
    %sign3A_65 = arith.cmpi slt, %add3A_58, %sign3A_64 : i32
    %sign3A_66 = arith.extui %sign3A_65 : i1 to i32
    %sign3A_67 = arith.subi %sign3A_63, %sign3A_66 : i32
    %sign3A_68 = arith.constant 0 : i32
    %sign3A_69 = arith.cmpi sgt, %jit3A_59, %sign3A_68 : i32
    %sign3A_70 = arith.extui %sign3A_69 : i1 to i32
    %sign3A_71 = arith.constant 0 : i32
    %sign3A_72 = arith.cmpi slt, %jit3A_59, %sign3A_71 : i32
    %sign3A_73 = arith.extui %sign3A_72 : i1 to i32
    %sign3A_74 = arith.subi %sign3A_70, %sign3A_73 : i32
    %ne3A_75 = arith.cmpi ne, %sign3A_67, %sign3A_74 : i32
    %rem3A_76 = arith.remsi %add3A_58, %jit3A_59 : i32
    %ne3A_77 = arith.constant 0 : i32
    %ne3A_78 = arith.cmpi ne, %rem3A_76, %ne3A_77 : i32
    %and3A_79 = arith.andi %ne3A_75, %ne3A_78 : i1
    %sub3A_80 = arith.constant 1 : i32
    %sub3A_81 = arith.subi %div3A_60, %sub3A_80 : i32
    %select_n3A_82 = arith.select %and3A_79, %sub3A_81, %div3A_60 : i32
    %jit3A_83 = arith.constant 2 : i32
    %eq3A_84 = arith.constant 0 : i32
    %eq3A_85 = arith.cmpi eq, %jit3A_83, %eq3A_84 : i32
    %jit3A_86 = arith.constant 1 : i32
    %select_n3A_87 = arith.select %eq3A_85, %jit3A_86, %jit3A_83 : i32
    %rem3A_88 = arith.remsi %add3A_58, %select_n3A_87 : i32
    %ne3A_89 = arith.constant 0 : i32
    %ne3A_90 = arith.cmpi ne, %rem3A_88, %ne3A_89 : i32
    %lt3A_91 = arith.constant 0 : i32
    %lt3A_92 = arith.cmpi slt, %rem3A_88, %lt3A_91 : i32
    %lt3A_93 = arith.constant 0 : i32
    %lt3A_94 = arith.cmpi slt, %select_n3A_87, %lt3A_93 : i32
    %ne3A_95 = arith.xori %lt3A_92, %lt3A_94 : i1
    %and3A_96 = arith.andi %ne3A_95, %ne3A_90 : i1
    %add3A_97 = arith.addi %rem3A_88, %select_n3A_87 : i32
    %select_n3A_98 = arith.select %and3A_96, %add3A_97, %rem3A_88 : i32
    %ge3A_99 = arith.constant 25 : i32
    %ge3A_100 = arith.cmpi sge, %select_n3A_82, %ge3A_99 : i32
    %add3A_101 = arith.constant 70 : i32
    %add3A_102 = arith.addi %select_n3A_82, %add3A_101 : i32
    %select_n3A_103 = arith.select %ge3A_100, %add3A_102, %select_n3A_82 : i32
    %mul3A_104 = arith.constant 3 : i32
    %mul3A_105 = arith.muli %mul3A_104, %select_n3A_103 : i32
    %add3A_106 = arith.constant 0 : i32
    %add3A_107 = arith.addi %mul3A_105, %add3A_106 : i32
    %mul3A_108 = arith.constant 32 : i32
    %mul3A_109 = arith.muli %select_n3A_98, %mul3A_108 : i32
    %mul3A_110 = arith.constant 3 : i32
    %mul3A_111 = arith.muli %mul3A_110, %select_n3A_103 : i32
    %add3A_112 = arith.constant 1 : i32
    %add3A_113 = arith.addi %mul3A_111, %add3A_112 : i32
    %mul3A_114 = arith.constant 32 : i32
    %mul3A_115 = arith.muli %select_n3A_98, %mul3A_114 : i32
    %mul3A_116 = arith.constant 32 : i32
    %mul3A_117 = arith.muli %select_n3A_98, %mul3A_116 : i32
    %mul3A_118 = arith.constant 32 : i32
    %mul3A_119 = arith.muli %select_n3A_98, %mul3A_118 : i32
    %mul3A_120 = arith.constant 32 : i32
    %mul3A_121 = arith.muli %select_n3A_98, %mul3A_120 : i32
    %mul3A_122 = arith.constant 32 : i32
    %mul3A_123 = arith.muli %select_n3A_98, %mul3A_122 : i32
    %add3A_124 = arith.constant 64 : i32
    %add3A_125 = arith.addi %add3A, %add3A_124 : i32
    %jit3A_126 = arith.constant 2 : i32
    %div3A_127 = arith.divsi %add3A_125, %jit3A_126 : i32
    %sign3A_128 = arith.constant 0 : i32
    %sign3A_129 = arith.cmpi sgt, %add3A_125, %sign3A_128 : i32
    %sign3A_130 = arith.extui %sign3A_129 : i1 to i32
    %sign3A_131 = arith.constant 0 : i32
    %sign3A_132 = arith.cmpi slt, %add3A_125, %sign3A_131 : i32
    %sign3A_133 = arith.extui %sign3A_132 : i1 to i32
    %sign3A_134 = arith.subi %sign3A_130, %sign3A_133 : i32
    %sign3A_135 = arith.constant 0 : i32
    %sign3A_136 = arith.cmpi sgt, %jit3A_126, %sign3A_135 : i32
    %sign3A_137 = arith.extui %sign3A_136 : i1 to i32
    %sign3A_138 = arith.constant 0 : i32
    %sign3A_139 = arith.cmpi slt, %jit3A_126, %sign3A_138 : i32
    %sign3A_140 = arith.extui %sign3A_139 : i1 to i32
    %sign3A_141 = arith.subi %sign3A_137, %sign3A_140 : i32
    %ne3A_142 = arith.cmpi ne, %sign3A_134, %sign3A_141 : i32
    %rem3A_143 = arith.remsi %add3A_125, %jit3A_126 : i32
    %ne3A_144 = arith.constant 0 : i32
    %ne3A_145 = arith.cmpi ne, %rem3A_143, %ne3A_144 : i32
    %and3A_146 = arith.andi %ne3A_142, %ne3A_145 : i1
    %sub3A_147 = arith.constant 1 : i32
    %sub3A_148 = arith.subi %div3A_127, %sub3A_147 : i32
    %select_n3A_149 = arith.select %and3A_146, %sub3A_148, %div3A_127 : i32
    %jit3A_150 = arith.constant 2 : i32
    %eq3A_151 = arith.constant 0 : i32
    %eq3A_152 = arith.cmpi eq, %jit3A_150, %eq3A_151 : i32
    %jit3A_153 = arith.constant 1 : i32
    %select_n3A_154 = arith.select %eq3A_152, %jit3A_153, %jit3A_150 : i32
    %rem3A_155 = arith.remsi %add3A_125, %select_n3A_154 : i32
    %ne3A_156 = arith.constant 0 : i32
    %ne3A_157 = arith.cmpi ne, %rem3A_155, %ne3A_156 : i32
    %lt3A_158 = arith.constant 0 : i32
    %lt3A_159 = arith.cmpi slt, %rem3A_155, %lt3A_158 : i32
    %lt3A_160 = arith.constant 0 : i32
    %lt3A_161 = arith.cmpi slt, %select_n3A_154, %lt3A_160 : i32
    %ne3A_162 = arith.xori %lt3A_159, %lt3A_161 : i1
    %and3A_163 = arith.andi %ne3A_162, %ne3A_157 : i1
    %add3A_164 = arith.addi %rem3A_155, %select_n3A_154 : i32
    %select_n3A_165 = arith.select %and3A_163, %add3A_164, %rem3A_155 : i32
    %ge3A_166 = arith.constant 25 : i32
    %ge3A_167 = arith.cmpi sge, %select_n3A_149, %ge3A_166 : i32
    %add3A_168 = arith.constant 70 : i32
    %add3A_169 = arith.addi %select_n3A_149, %add3A_168 : i32
    %select_n3A_170 = arith.select %ge3A_167, %add3A_169, %select_n3A_149 : i32
    %mul3A_171 = arith.constant 3 : i32
    %mul3A_172 = arith.muli %mul3A_171, %select_n3A_170 : i32
    %add3A_173 = arith.constant 0 : i32
    %add3A_174 = arith.addi %mul3A_172, %add3A_173 : i32
    %mul3A_175 = arith.constant 32 : i32
    %mul3A_176 = arith.muli %select_n3A_165, %mul3A_175 : i32
    %mul3A_177 = arith.constant 3 : i32
    %mul3A_178 = arith.muli %mul3A_177, %select_n3A_170 : i32
    %add3A_179 = arith.constant 1 : i32
    %add3A_180 = arith.addi %mul3A_178, %add3A_179 : i32
    %mul3A_181 = arith.constant 32 : i32
    %mul3A_182 = arith.muli %select_n3A_165, %mul3A_181 : i32
    %mul3A_183 = arith.constant 32 : i32
    %mul3A_184 = arith.muli %select_n3A_165, %mul3A_183 : i32
    %mul3A_185 = arith.constant 32 : i32
    %mul3A_186 = arith.muli %select_n3A_165, %mul3A_185 : i32
    %mul3A_187 = arith.constant 32 : i32
    %mul3A_188 = arith.muli %select_n3A_165, %mul3A_187 : i32
    %mul3A_189 = arith.constant 32 : i32
    %mul3A_190 = arith.muli %select_n3A_165, %mul3A_189 : i32
    %add3A_191 = arith.constant 96 : i32
    %add3A_192 = arith.addi %add3A, %add3A_191 : i32
    %jit3A_193 = arith.constant 2 : i32
    %div3A_194 = arith.divsi %add3A_192, %jit3A_193 : i32
    %sign3A_195 = arith.constant 0 : i32
    %sign3A_196 = arith.cmpi sgt, %add3A_192, %sign3A_195 : i32
    %sign3A_197 = arith.extui %sign3A_196 : i1 to i32
    %sign3A_198 = arith.constant 0 : i32
    %sign3A_199 = arith.cmpi slt, %add3A_192, %sign3A_198 : i32
    %sign3A_200 = arith.extui %sign3A_199 : i1 to i32
    %sign3A_201 = arith.subi %sign3A_197, %sign3A_200 : i32
    %sign3A_202 = arith.constant 0 : i32
    %sign3A_203 = arith.cmpi sgt, %jit3A_193, %sign3A_202 : i32
    %sign3A_204 = arith.extui %sign3A_203 : i1 to i32
    %sign3A_205 = arith.constant 0 : i32
    %sign3A_206 = arith.cmpi slt, %jit3A_193, %sign3A_205 : i32
    %sign3A_207 = arith.extui %sign3A_206 : i1 to i32
    %sign3A_208 = arith.subi %sign3A_204, %sign3A_207 : i32
    %ne3A_209 = arith.cmpi ne, %sign3A_201, %sign3A_208 : i32
    %rem3A_210 = arith.remsi %add3A_192, %jit3A_193 : i32
    %ne3A_211 = arith.constant 0 : i32
    %ne3A_212 = arith.cmpi ne, %rem3A_210, %ne3A_211 : i32
    %and3A_213 = arith.andi %ne3A_209, %ne3A_212 : i1
    %sub3A_214 = arith.constant 1 : i32
    %sub3A_215 = arith.subi %div3A_194, %sub3A_214 : i32
    %select_n3A_216 = arith.select %and3A_213, %sub3A_215, %div3A_194 : i32
    %jit3A_217 = arith.constant 2 : i32
    %eq3A_218 = arith.constant 0 : i32
    %eq3A_219 = arith.cmpi eq, %jit3A_217, %eq3A_218 : i32
    %jit3A_220 = arith.constant 1 : i32
    %select_n3A_221 = arith.select %eq3A_219, %jit3A_220, %jit3A_217 : i32
    %rem3A_222 = arith.remsi %add3A_192, %select_n3A_221 : i32
    %ne3A_223 = arith.constant 0 : i32
    %ne3A_224 = arith.cmpi ne, %rem3A_222, %ne3A_223 : i32
    %lt3A_225 = arith.constant 0 : i32
    %lt3A_226 = arith.cmpi slt, %rem3A_222, %lt3A_225 : i32
    %lt3A_227 = arith.constant 0 : i32
    %lt3A_228 = arith.cmpi slt, %select_n3A_221, %lt3A_227 : i32
    %ne3A_229 = arith.xori %lt3A_226, %lt3A_228 : i1
    %and3A_230 = arith.andi %ne3A_229, %ne3A_224 : i1
    %add3A_231 = arith.addi %rem3A_222, %select_n3A_221 : i32
    %select_n3A_232 = arith.select %and3A_230, %add3A_231, %rem3A_222 : i32
    %ge3A_233 = arith.constant 25 : i32
    %ge3A_234 = arith.cmpi sge, %select_n3A_216, %ge3A_233 : i32
    %add3A_235 = arith.constant 70 : i32
    %add3A_236 = arith.addi %select_n3A_216, %add3A_235 : i32
    %select_n3A_237 = arith.select %ge3A_234, %add3A_236, %select_n3A_216 : i32
    %mul3A_238 = arith.constant 3 : i32
    %mul3A_239 = arith.muli %mul3A_238, %select_n3A_237 : i32
    %add3A_240 = arith.constant 0 : i32
    %add3A_241 = arith.addi %mul3A_239, %add3A_240 : i32
    %mul3A_242 = arith.constant 32 : i32
    %mul3A_243 = arith.muli %select_n3A_232, %mul3A_242 : i32
    %mul3A_244 = arith.constant 3 : i32
    %mul3A_245 = arith.muli %mul3A_244, %select_n3A_237 : i32
    %add3A_246 = arith.constant 1 : i32
    %add3A_247 = arith.addi %mul3A_245, %add3A_246 : i32
    %mul3A_248 = arith.constant 32 : i32
    %mul3A_249 = arith.muli %select_n3A_232, %mul3A_248 : i32
    %mul3A_250 = arith.constant 32 : i32
    %mul3A_251 = arith.muli %select_n3A_232, %mul3A_250 : i32
    %mul3A_252 = arith.constant 32 : i32
    %mul3A_253 = arith.muli %select_n3A_232, %mul3A_252 : i32
    %mul3A_254 = arith.constant 32 : i32
    %mul3A_255 = arith.muli %select_n3A_232, %mul3A_254 : i32
    %mul3A_256 = arith.constant 32 : i32
    %mul3A_257 = arith.muli %select_n3A_232, %mul3A_256 : i32
    %add3A_258 = arith.constant 128 : i32
    %add3A_259 = arith.addi %add3A, %add3A_258 : i32
    %jit3A_260 = arith.constant 2 : i32
    %div3A_261 = arith.divsi %add3A_259, %jit3A_260 : i32
    %sign3A_262 = arith.constant 0 : i32
    %sign3A_263 = arith.cmpi sgt, %add3A_259, %sign3A_262 : i32
    %sign3A_264 = arith.extui %sign3A_263 : i1 to i32
    %sign3A_265 = arith.constant 0 : i32
    %sign3A_266 = arith.cmpi slt, %add3A_259, %sign3A_265 : i32
    %sign3A_267 = arith.extui %sign3A_266 : i1 to i32
    %sign3A_268 = arith.subi %sign3A_264, %sign3A_267 : i32
    %sign3A_269 = arith.constant 0 : i32
    %sign3A_270 = arith.cmpi sgt, %jit3A_260, %sign3A_269 : i32
    %sign3A_271 = arith.extui %sign3A_270 : i1 to i32
    %sign3A_272 = arith.constant 0 : i32
    %sign3A_273 = arith.cmpi slt, %jit3A_260, %sign3A_272 : i32
    %sign3A_274 = arith.extui %sign3A_273 : i1 to i32
    %sign3A_275 = arith.subi %sign3A_271, %sign3A_274 : i32
    %ne3A_276 = arith.cmpi ne, %sign3A_268, %sign3A_275 : i32
    %rem3A_277 = arith.remsi %add3A_259, %jit3A_260 : i32
    %ne3A_278 = arith.constant 0 : i32
    %ne3A_279 = arith.cmpi ne, %rem3A_277, %ne3A_278 : i32
    %and3A_280 = arith.andi %ne3A_276, %ne3A_279 : i1
    %sub3A_281 = arith.constant 1 : i32
    %sub3A_282 = arith.subi %div3A_261, %sub3A_281 : i32
    %select_n3A_283 = arith.select %and3A_280, %sub3A_282, %div3A_261 : i32
    %jit3A_284 = arith.constant 2 : i32
    %eq3A_285 = arith.constant 0 : i32
    %eq3A_286 = arith.cmpi eq, %jit3A_284, %eq3A_285 : i32
    %jit3A_287 = arith.constant 1 : i32
    %select_n3A_288 = arith.select %eq3A_286, %jit3A_287, %jit3A_284 : i32
    %rem3A_289 = arith.remsi %add3A_259, %select_n3A_288 : i32
    %ne3A_290 = arith.constant 0 : i32
    %ne3A_291 = arith.cmpi ne, %rem3A_289, %ne3A_290 : i32
    %lt3A_292 = arith.constant 0 : i32
    %lt3A_293 = arith.cmpi slt, %rem3A_289, %lt3A_292 : i32
    %lt3A_294 = arith.constant 0 : i32
    %lt3A_295 = arith.cmpi slt, %select_n3A_288, %lt3A_294 : i32
    %ne3A_296 = arith.xori %lt3A_293, %lt3A_295 : i1
    %and3A_297 = arith.andi %ne3A_296, %ne3A_291 : i1
    %add3A_298 = arith.addi %rem3A_289, %select_n3A_288 : i32
    %select_n3A_299 = arith.select %and3A_297, %add3A_298, %rem3A_289 : i32
    %ge3A_300 = arith.constant 25 : i32
    %ge3A_301 = arith.cmpi sge, %select_n3A_283, %ge3A_300 : i32
    %add3A_302 = arith.constant 70 : i32
    %add3A_303 = arith.addi %select_n3A_283, %add3A_302 : i32
    %select_n3A_304 = arith.select %ge3A_301, %add3A_303, %select_n3A_283 : i32
    %mul3A_305 = arith.constant 3 : i32
    %mul3A_306 = arith.muli %mul3A_305, %select_n3A_304 : i32
    %add3A_307 = arith.constant 0 : i32
    %add3A_308 = arith.addi %mul3A_306, %add3A_307 : i32
    %mul3A_309 = arith.constant 32 : i32
    %mul3A_310 = arith.muli %select_n3A_299, %mul3A_309 : i32
    %mul3A_311 = arith.constant 3 : i32
    %mul3A_312 = arith.muli %mul3A_311, %select_n3A_304 : i32
    %add3A_313 = arith.constant 1 : i32
    %add3A_314 = arith.addi %mul3A_312, %add3A_313 : i32
    %mul3A_315 = arith.constant 32 : i32
    %mul3A_316 = arith.muli %select_n3A_299, %mul3A_315 : i32
    %mul3A_317 = arith.constant 32 : i32
    %mul3A_318 = arith.muli %select_n3A_299, %mul3A_317 : i32
    %mul3A_319 = arith.constant 32 : i32
    %mul3A_320 = arith.muli %select_n3A_299, %mul3A_319 : i32
    %mul3A_321 = arith.constant 32 : i32
    %mul3A_322 = arith.muli %select_n3A_299, %mul3A_321 : i32
    %mul3A_323 = arith.constant 32 : i32
    %mul3A_324 = arith.muli %select_n3A_299, %mul3A_323 : i32
    %lt3A_325 = arith.constant 134 : i32
    %lt3A_326 = arith.cmpi slt, %add3A_2, %lt3A_325 : i32
    %convert_element_type3A = arith.extui %lt3A_326 : i1 to i32
    %cond3A = arith.constant 0 : i32
    %cond3A_327 = arith.constant 1 : i32
    %cond3A_328 = arith.constant 0 : i32
    %cond3A_329 = arith.cmpi ne, %convert_element_type3A, %cond3A_328 : i32
    scf.if %cond3A_329 {
      %dma_start3A = arith.constant 0 : i32
      %dma_start3A_498 = arith.constant 0 : i32
      %dma_start3A_499 = arith.constant 0 : i32
      %dma_start3A_500 = tpu.memref_slice %arg4[%dma_start3A, %cond3A, %dma_start3A_498, %dma_start3A_499] : memref<32x2x4x128xf32, #tpu.memory_space<vmem>> -> memref<32x1x4x128xf32, #tpu.memory_space<vmem>>
      %dma_start3A_501 = tpu.memref_squeeze %dma_start3A_500 : memref<32x1x4x128xf32, #tpu.memory_space<vmem>> -> memref<32x4x128xf32, #tpu.memory_space<vmem>>
      %dma_start3A_502 = arith.constant 0 : i32
      %dma_start3A_503 = arith.constant 0 : i32
      %dma_start3A_504 = tpu.memref_slice %arg2[%add3A_40, %mul3A_42, %dma_start3A_502, %dma_start3A_503] : memref<411x64x4x128xf32, #tpu.memory_space<hbm>> -> memref<1x32x4x128xf32, #tpu.memory_space<hbm>>
      %dma_start3A_505 = tpu.memref_squeeze %dma_start3A_504 : memref<1x32x4x128xf32, #tpu.memory_space<hbm>> -> memref<32x4x128xf32, #tpu.memory_space<hbm>>
      %dma_start3A_506 = arith.constant 0 : i32
      %dma_start3A_507 = arith.constant 0 : i32
      %dma_start3A_508 = arith.constant 0 : i32
      %dma_start3A_509 = tpu.memref_slice %arg4[%dma_start3A_506, %cond3A, %dma_start3A_507, %dma_start3A_508] : memref<32x2x4x128xf32, #tpu.memory_space<vmem>> -> memref<32x1x4x128xf32, #tpu.memory_space<vmem>>
      %dma_start3A_510 = tpu.memref_squeeze %dma_start3A_509 : memref<32x1x4x128xf32, #tpu.memory_space<vmem>> -> memref<32x4x128xf32, #tpu.memory_space<vmem>>
      %dma_start3A_511 = arith.constant 0 : i32
      %dma_start3A_512 = arith.constant 0 : i32
      %dma_start3A_513 = tpu.memref_slice %arg2[%add3A_40, %mul3A_42, %dma_start3A_511, %dma_start3A_512] : memref<411x64x4x128xf32, #tpu.memory_space<hbm>> -> memref<1x32x4x128xf32, #tpu.memory_space<hbm>>
      %dma_start3A_514 = tpu.memref_squeeze %dma_start3A_513 : memref<1x32x4x128xf32, #tpu.memory_space<hbm>> -> memref<32x4x128xf32, #tpu.memory_space<hbm>>
      tpu.enqueue_dma source(%dma_start3A_514 : memref<32x4x128xf32, #tpu.memory_space<hbm>>) target(%dma_start3A_510 : memref<32x4x128xf32, #tpu.memory_space<vmem>>) target_semaphore(%arg7 : memref<!tpu.dma_semaphore, #tpu.memory_space<semaphore_mem>>)
      %dma_start3A_515 = arith.constant 0 : i32
      %dma_start3A_516 = arith.constant 0 : i32
      %dma_start3A_517 = arith.constant 0 : i32
      %dma_start3A_518 = tpu.memref_slice %arg4[%dma_start3A_515, %cond3A_327, %dma_start3A_516, %dma_start3A_517] : memref<32x2x4x128xf32, #tpu.memory_space<vmem>> -> memref<32x1x4x128xf32, #tpu.memory_space<vmem>>
      %dma_start3A_519 = tpu.memref_squeeze %dma_start3A_518 : memref<32x1x4x128xf32, #tpu.memory_space<vmem>> -> memref<32x4x128xf32, #tpu.memory_space<vmem>>
      %dma_start3A_520 = arith.constant 0 : i32
      %dma_start3A_521 = arith.constant 0 : i32
      %dma_start3A_522 = tpu.memref_slice %arg2[%add3A_46, %mul3A_48, %dma_start3A_520, %dma_start3A_521] : memref<411x64x4x128xf32, #tpu.memory_space<hbm>> -> memref<1x32x4x128xf32, #tpu.memory_space<hbm>>
      %dma_start3A_523 = tpu.memref_squeeze %dma_start3A_522 : memref<1x32x4x128xf32, #tpu.memory_space<hbm>> -> memref<32x4x128xf32, #tpu.memory_space<hbm>>
      %dma_start3A_524 = arith.constant 0 : i32
      %dma_start3A_525 = arith.constant 0 : i32
      %dma_start3A_526 = arith.constant 0 : i32
      %dma_start3A_527 = tpu.memref_slice %arg4[%dma_start3A_524, %cond3A_327, %dma_start3A_525, %dma_start3A_526] : memref<32x2x4x128xf32, #tpu.memory_space<vmem>> -> memref<32x1x4x128xf32, #tpu.memory_space<vmem>>
      %dma_start3A_528 = tpu.memref_squeeze %dma_start3A_527 : memref<32x1x4x128xf32, #tpu.memory_space<vmem>> -> memref<32x4x128xf32, #tpu.memory_space<vmem>>
      %dma_start3A_529 = arith.constant 0 : i32
      %dma_start3A_530 = arith.constant 0 : i32
      %dma_start3A_531 = tpu.memref_slice %arg2[%add3A_46, %mul3A_48, %dma_start3A_529, %dma_start3A_530] : memref<411x64x4x128xf32, #tpu.memory_space<hbm>> -> memref<1x32x4x128xf32, #tpu.memory_space<hbm>>
      %dma_start3A_532 = tpu.memref_squeeze %dma_start3A_531 : memref<1x32x4x128xf32, #tpu.memory_space<hbm>> -> memref<32x4x128xf32, #tpu.memory_space<hbm>>
      tpu.enqueue_dma source(%dma_start3A_532 : memref<32x4x128xf32, #tpu.memory_space<hbm>>) target(%dma_start3A_528 : memref<32x4x128xf32, #tpu.memory_space<vmem>>) target_semaphore(%arg7 : memref<!tpu.dma_semaphore, #tpu.memory_space<semaphore_mem>>)
    } else {
    }
    %lt3A_330 = arith.constant 134 : i32
    %lt3A_331 = arith.cmpi slt, %add3A_58, %lt3A_330 : i32
    %convert_element_type3A_332 = arith.extui %lt3A_331 : i1 to i32
    %cond3A_333 = arith.constant 0 : i32
    %cond3A_334 = arith.constant 1 : i32
    %cond3A_335 = arith.constant 0 : i32
    %cond3A_336 = arith.cmpi ne, %convert_element_type3A_332, %cond3A_335 : i32
    scf.if %cond3A_336 {
      %dma_start3A = arith.constant 0 : i32
      %dma_start3A_498 = arith.constant 0 : i32
      %dma_start3A_499 = arith.constant 0 : i32
      %dma_start3A_500 = tpu.memref_slice %arg5[%dma_start3A, %cond3A_333, %dma_start3A_498, %dma_start3A_499] : memref<32x2x4x128xf32, #tpu.memory_space<vmem>> -> memref<32x1x4x128xf32, #tpu.memory_space<vmem>>
      %dma_start3A_501 = tpu.memref_squeeze %dma_start3A_500 : memref<32x1x4x128xf32, #tpu.memory_space<vmem>> -> memref<32x4x128xf32, #tpu.memory_space<vmem>>
      %dma_start3A_502 = arith.constant 0 : i32
      %dma_start3A_503 = arith.constant 0 : i32
      %dma_start3A_504 = tpu.memref_slice %arg2[%add3A_107, %mul3A_109, %dma_start3A_502, %dma_start3A_503] : memref<411x64x4x128xf32, #tpu.memory_space<hbm>> -> memref<1x32x4x128xf32, #tpu.memory_space<hbm>>
      %dma_start3A_505 = tpu.memref_squeeze %dma_start3A_504 : memref<1x32x4x128xf32, #tpu.memory_space<hbm>> -> memref<32x4x128xf32, #tpu.memory_space<hbm>>
      %dma_start3A_506 = arith.constant 0 : i32
      %dma_start3A_507 = arith.constant 0 : i32
      %dma_start3A_508 = arith.constant 0 : i32
      %dma_start3A_509 = tpu.memref_slice %arg5[%dma_start3A_506, %cond3A_333, %dma_start3A_507, %dma_start3A_508] : memref<32x2x4x128xf32, #tpu.memory_space<vmem>> -> memref<32x1x4x128xf32, #tpu.memory_space<vmem>>
      %dma_start3A_510 = tpu.memref_squeeze %dma_start3A_509 : memref<32x1x4x128xf32, #tpu.memory_space<vmem>> -> memref<32x4x128xf32, #tpu.memory_space<vmem>>
      %dma_start3A_511 = arith.constant 0 : i32
      %dma_start3A_512 = arith.constant 0 : i32
      %dma_start3A_513 = tpu.memref_slice %arg2[%add3A_107, %mul3A_109, %dma_start3A_511, %dma_start3A_512] : memref<411x64x4x128xf32, #tpu.memory_space<hbm>> -> memref<1x32x4x128xf32, #tpu.memory_space<hbm>>
      %dma_start3A_514 = tpu.memref_squeeze %dma_start3A_513 : memref<1x32x4x128xf32, #tpu.memory_space<hbm>> -> memref<32x4x128xf32, #tpu.memory_space<hbm>>
      tpu.enqueue_dma source(%dma_start3A_514 : memref<32x4x128xf32, #tpu.memory_space<hbm>>) target(%dma_start3A_510 : memref<32x4x128xf32, #tpu.memory_space<vmem>>) target_semaphore(%arg8 : memref<!tpu.dma_semaphore, #tpu.memory_space<semaphore_mem>>)
      %dma_start3A_515 = arith.constant 0 : i32
      %dma_start3A_516 = arith.constant 0 : i32
      %dma_start3A_517 = arith.constant 0 : i32
      %dma_start3A_518 = tpu.memref_slice %arg5[%dma_start3A_515, %cond3A_334, %dma_start3A_516, %dma_start3A_517] : memref<32x2x4x128xf32, #tpu.memory_space<vmem>> -> memref<32x1x4x128xf32, #tpu.memory_space<vmem>>
      %dma_start3A_519 = tpu.memref_squeeze %dma_start3A_518 : memref<32x1x4x128xf32, #tpu.memory_space<vmem>> -> memref<32x4x128xf32, #tpu.memory_space<vmem>>
      %dma_start3A_520 = arith.constant 0 : i32
      %dma_start3A_521 = arith.constant 0 : i32
      %dma_start3A_522 = tpu.memref_slice %arg2[%add3A_113, %mul3A_115, %dma_start3A_520, %dma_start3A_521] : memref<411x64x4x128xf32, #tpu.memory_space<hbm>> -> memref<1x32x4x128xf32, #tpu.memory_space<hbm>>
      %dma_start3A_523 = tpu.memref_squeeze %dma_start3A_522 : memref<1x32x4x128xf32, #tpu.memory_space<hbm>> -> memref<32x4x128xf32, #tpu.memory_space<hbm>>
      %dma_start3A_524 = arith.constant 0 : i32
      %dma_start3A_525 = arith.constant 0 : i32
      %dma_start3A_526 = arith.constant 0 : i32
      %dma_start3A_527 = tpu.memref_slice %arg5[%dma_start3A_524, %cond3A_334, %dma_start3A_525, %dma_start3A_526] : memref<32x2x4x128xf32, #tpu.memory_space<vmem>> -> memref<32x1x4x128xf32, #tpu.memory_space<vmem>>
      %dma_start3A_528 = tpu.memref_squeeze %dma_start3A_527 : memref<32x1x4x128xf32, #tpu.memory_space<vmem>> -> memref<32x4x128xf32, #tpu.memory_space<vmem>>
      %dma_start3A_529 = arith.constant 0 : i32
      %dma_start3A_530 = arith.constant 0 : i32
      %dma_start3A_531 = tpu.memref_slice %arg2[%add3A_113, %mul3A_115, %dma_start3A_529, %dma_start3A_530] : memref<411x64x4x128xf32, #tpu.memory_space<hbm>> -> memref<1x32x4x128xf32, #tpu.memory_space<hbm>>
      %dma_start3A_532 = tpu.memref_squeeze %dma_start3A_531 : memref<1x32x4x128xf32, #tpu.memory_space<hbm>> -> memref<32x4x128xf32, #tpu.memory_space<hbm>>
      tpu.enqueue_dma source(%dma_start3A_532 : memref<32x4x128xf32, #tpu.memory_space<hbm>>) target(%dma_start3A_528 : memref<32x4x128xf32, #tpu.memory_space<vmem>>) target_semaphore(%arg8 : memref<!tpu.dma_semaphore, #tpu.memory_space<semaphore_mem>>)
    } else {
    }
    %lt3A_337 = arith.constant 134 : i32
    %lt3A_338 = arith.cmpi slt, %add3A_125, %lt3A_337 : i32
    %convert_element_type3A_339 = arith.extui %lt3A_338 : i1 to i32
    %cond3A_340 = arith.constant 0 : i32
    %cond3A_341 = arith.constant 1 : i32
    %cond3A_342 = arith.constant 0 : i32
    %cond3A_343 = arith.cmpi ne, %convert_element_type3A_339, %cond3A_342 : i32
    scf.if %cond3A_343 {
      %dma_start3A = arith.constant 0 : i32
      %dma_start3A_498 = arith.constant 0 : i32
      %dma_start3A_499 = arith.constant 0 : i32
      %dma_start3A_500 = tpu.memref_slice %arg6[%dma_start3A, %cond3A_340, %dma_start3A_498, %dma_start3A_499] : memref<32x2x4x128xf32, #tpu.memory_space<vmem>> -> memref<32x1x4x128xf32, #tpu.memory_space<vmem>>
      %dma_start3A_501 = tpu.memref_squeeze %dma_start3A_500 : memref<32x1x4x128xf32, #tpu.memory_space<vmem>> -> memref<32x4x128xf32, #tpu.memory_space<vmem>>
      %dma_start3A_502 = arith.constant 0 : i32
      %dma_start3A_503 = arith.constant 0 : i32
      %dma_start3A_504 = tpu.memref_slice %arg2[%add3A_174, %mul3A_176, %dma_start3A_502, %dma_start3A_503] : memref<411x64x4x128xf32, #tpu.memory_space<hbm>> -> memref<1x32x4x128xf32, #tpu.memory_space<hbm>>
      %dma_start3A_505 = tpu.memref_squeeze %dma_start3A_504 : memref<1x32x4x128xf32, #tpu.memory_space<hbm>> -> memref<32x4x128xf32, #tpu.memory_space<hbm>>
      %dma_start3A_506 = arith.constant 0 : i32
      %dma_start3A_507 = arith.constant 0 : i32
      %dma_start3A_508 = arith.constant 0 : i32
      %dma_start3A_509 = tpu.memref_slice %arg6[%dma_start3A_506, %cond3A_340, %dma_start3A_507, %dma_start3A_508] : memref<32x2x4x128xf32, #tpu.memory_space<vmem>> -> memref<32x1x4x128xf32, #tpu.memory_space<vmem>>
      %dma_start3A_510 = tpu.memref_squeeze %dma_start3A_509 : memref<32x1x4x128xf32, #tpu.memory_space<vmem>> -> memref<32x4x128xf32, #tpu.memory_space<vmem>>
      %dma_start3A_511 = arith.constant 0 : i32
      %dma_start3A_512 = arith.constant 0 : i32
      %dma_start3A_513 = tpu.memref_slice %arg2[%add3A_174, %mul3A_176, %dma_start3A_511, %dma_start3A_512] : memref<411x64x4x128xf32, #tpu.memory_space<hbm>> -> memref<1x32x4x128xf32, #tpu.memory_space<hbm>>
      %dma_start3A_514 = tpu.memref_squeeze %dma_start3A_513 : memref<1x32x4x128xf32, #tpu.memory_space<hbm>> -> memref<32x4x128xf32, #tpu.memory_space<hbm>>
      tpu.enqueue_dma source(%dma_start3A_514 : memref<32x4x128xf32, #tpu.memory_space<hbm>>) target(%dma_start3A_510 : memref<32x4x128xf32, #tpu.memory_space<vmem>>) target_semaphore(%arg9 : memref<!tpu.dma_semaphore, #tpu.memory_space<semaphore_mem>>)
      %dma_start3A_515 = arith.constant 0 : i32
      %dma_start3A_516 = arith.constant 0 : i32
      %dma_start3A_517 = arith.constant 0 : i32
      %dma_start3A_518 = tpu.memref_slice %arg6[%dma_start3A_515, %cond3A_341, %dma_start3A_516, %dma_start3A_517] : memref<32x2x4x128xf32, #tpu.memory_space<vmem>> -> memref<32x1x4x128xf32, #tpu.memory_space<vmem>>
      %dma_start3A_519 = tpu.memref_squeeze %dma_start3A_518 : memref<32x1x4x128xf32, #tpu.memory_space<vmem>> -> memref<32x4x128xf32, #tpu.memory_space<vmem>>
      %dma_start3A_520 = arith.constant 0 : i32
      %dma_start3A_521 = arith.constant 0 : i32
      %dma_start3A_522 = tpu.memref_slice %arg2[%add3A_180, %mul3A_182, %dma_start3A_520, %dma_start3A_521] : memref<411x64x4x128xf32, #tpu.memory_space<hbm>> -> memref<1x32x4x128xf32, #tpu.memory_space<hbm>>
      %dma_start3A_523 = tpu.memref_squeeze %dma_start3A_522 : memref<1x32x4x128xf32, #tpu.memory_space<hbm>> -> memref<32x4x128xf32, #tpu.memory_space<hbm>>
      %dma_start3A_524 = arith.constant 0 : i32
      %dma_start3A_525 = arith.constant 0 : i32
      %dma_start3A_526 = arith.constant 0 : i32
      %dma_start3A_527 = tpu.memref_slice %arg6[%dma_start3A_524, %cond3A_341, %dma_start3A_525, %dma_start3A_526] : memref<32x2x4x128xf32, #tpu.memory_space<vmem>> -> memref<32x1x4x128xf32, #tpu.memory_space<vmem>>
      %dma_start3A_528 = tpu.memref_squeeze %dma_start3A_527 : memref<32x1x4x128xf32, #tpu.memory_space<vmem>> -> memref<32x4x128xf32, #tpu.memory_space<vmem>>
      %dma_start3A_529 = arith.constant 0 : i32
      %dma_start3A_530 = arith.constant 0 : i32
      %dma_start3A_531 = tpu.memref_slice %arg2[%add3A_180, %mul3A_182, %dma_start3A_529, %dma_start3A_530] : memref<411x64x4x128xf32, #tpu.memory_space<hbm>> -> memref<1x32x4x128xf32, #tpu.memory_space<hbm>>
      %dma_start3A_532 = tpu.memref_squeeze %dma_start3A_531 : memref<1x32x4x128xf32, #tpu.memory_space<hbm>> -> memref<32x4x128xf32, #tpu.memory_space<hbm>>
      tpu.enqueue_dma source(%dma_start3A_532 : memref<32x4x128xf32, #tpu.memory_space<hbm>>) target(%dma_start3A_528 : memref<32x4x128xf32, #tpu.memory_space<vmem>>) target_semaphore(%arg9 : memref<!tpu.dma_semaphore, #tpu.memory_space<semaphore_mem>>)
    } else {
    }
    %lt3A_344 = arith.constant 134 : i32
    %lt3A_345 = arith.cmpi slt, %add3A_2, %lt3A_344 : i32
    %convert_element_type3A_346 = arith.extui %lt3A_345 : i1 to i32
    %cond3A_347 = arith.constant 0 : i32
    %cond3A_348 = arith.constant 1 : i32
    %cond3A_349 = arith.constant 0 : i32
    %cond3A_350 = arith.constant 0 : i32
    %cond3A_351 = arith.constant 1 : i32
    %cond3A_352 = arith.constant 1 : i32
    %cond3A_353 = arith.constant 2 : i32
    %cond3A_354 = arith.constant 2 : i32
    %cond3A_355 = arith.constant 3 : i32
    %cond3A_356 = arith.constant 3 : i32
    %cond3A_357 = arith.constant 0 : i32
    %cond3A_358 = arith.cmpi ne, %convert_element_type3A_346, %cond3A_357 : i32
    scf.if %cond3A_358 {
      %dma_wait3A = arith.constant 0 : i32
      %dma_wait3A_498 = arith.constant 0 : i32
      %dma_wait3A_499 = arith.constant 0 : i32
      %dma_wait3A_500 = tpu.memref_slice %arg4[%dma_wait3A, %cond3A_347, %dma_wait3A_498, %dma_wait3A_499] : memref<32x2x4x128xf32, #tpu.memory_space<vmem>> -> memref<32x1x4x128xf32, #tpu.memory_space<vmem>>
      %dma_wait3A_501 = tpu.memref_squeeze %dma_wait3A_500 : memref<32x1x4x128xf32, #tpu.memory_space<vmem>> -> memref<32x4x128xf32, #tpu.memory_space<vmem>>
      %dma_wait3A_502 = arith.constant 0 : i32
      %dma_wait3A_503 = arith.constant 0 : i32
      %dma_wait3A_504 = tpu.memref_slice %arg2[%add3A_40, %mul3A_42, %dma_wait3A_502, %dma_wait3A_503] : memref<411x64x4x128xf32, #tpu.memory_space<hbm>> -> memref<1x32x4x128xf32, #tpu.memory_space<hbm>>
      %dma_wait3A_505 = tpu.memref_squeeze %dma_wait3A_504 : memref<1x32x4x128xf32, #tpu.memory_space<hbm>> -> memref<32x4x128xf32, #tpu.memory_space<hbm>>
      %dma_wait3A_506 = arith.constant 0 : i32
      %dma_wait3A_507 = arith.constant 0 : i32
      %dma_wait3A_508 = arith.constant 0 : i32
      %dma_wait3A_509 = tpu.memref_slice %arg4[%dma_wait3A_506, %cond3A_347, %dma_wait3A_507, %dma_wait3A_508] : memref<32x2x4x128xf32, #tpu.memory_space<vmem>> -> memref<32x1x4x128xf32, #tpu.memory_space<vmem>>
      %dma_wait3A_510 = tpu.memref_squeeze %dma_wait3A_509 : memref<32x1x4x128xf32, #tpu.memory_space<vmem>> -> memref<32x4x128xf32, #tpu.memory_space<vmem>>
      %dma_wait3A_511 = arith.constant 0 : i32
      %dma_wait3A_512 = arith.constant 0 : i32
      %dma_wait3A_513 = tpu.memref_slice %arg2[%add3A_40, %mul3A_42, %dma_wait3A_511, %dma_wait3A_512] : memref<411x64x4x128xf32, #tpu.memory_space<hbm>> -> memref<1x32x4x128xf32, #tpu.memory_space<hbm>>
      %dma_wait3A_514 = tpu.memref_squeeze %dma_wait3A_513 : memref<1x32x4x128xf32, #tpu.memory_space<hbm>> -> memref<32x4x128xf32, #tpu.memory_space<hbm>>
      tpu.wait_dma2 semaphore(%arg7 : memref<!tpu.dma_semaphore, #tpu.memory_space<semaphore_mem>>) src(%dma_wait3A_514 : memref<32x4x128xf32, #tpu.memory_space<hbm>>) dst(%dma_wait3A_510 : memref<32x4x128xf32, #tpu.memory_space<vmem>>)
      %dma_wait3A_515 = arith.constant 0 : i32
      %dma_wait3A_516 = arith.constant 0 : i32
      %dma_wait3A_517 = arith.constant 0 : i32
      %dma_wait3A_518 = tpu.memref_slice %arg4[%dma_wait3A_515, %cond3A_348, %dma_wait3A_516, %dma_wait3A_517] : memref<32x2x4x128xf32, #tpu.memory_space<vmem>> -> memref<32x1x4x128xf32, #tpu.memory_space<vmem>>
      %dma_wait3A_519 = tpu.memref_squeeze %dma_wait3A_518 : memref<32x1x4x128xf32, #tpu.memory_space<vmem>> -> memref<32x4x128xf32, #tpu.memory_space<vmem>>
      %dma_wait3A_520 = arith.constant 0 : i32
      %dma_wait3A_521 = arith.constant 0 : i32
      %dma_wait3A_522 = tpu.memref_slice %arg2[%add3A_46, %mul3A_48, %dma_wait3A_520, %dma_wait3A_521] : memref<411x64x4x128xf32, #tpu.memory_space<hbm>> -> memref<1x32x4x128xf32, #tpu.memory_space<hbm>>
      %dma_wait3A_523 = tpu.memref_squeeze %dma_wait3A_522 : memref<1x32x4x128xf32, #tpu.memory_space<hbm>> -> memref<32x4x128xf32, #tpu.memory_space<hbm>>
      %dma_wait3A_524 = arith.constant 0 : i32
      %dma_wait3A_525 = arith.constant 0 : i32
      %dma_wait3A_526 = arith.constant 0 : i32
      %dma_wait3A_527 = tpu.memref_slice %arg4[%dma_wait3A_524, %cond3A_348, %dma_wait3A_525, %dma_wait3A_526] : memref<32x2x4x128xf32, #tpu.memory_space<vmem>> -> memref<32x1x4x128xf32, #tpu.memory_space<vmem>>
      %dma_wait3A_528 = tpu.memref_squeeze %dma_wait3A_527 : memref<32x1x4x128xf32, #tpu.memory_space<vmem>> -> memref<32x4x128xf32, #tpu.memory_space<vmem>>
      %dma_wait3A_529 = arith.constant 0 : i32
      %dma_wait3A_530 = arith.constant 0 : i32
      %dma_wait3A_531 = tpu.memref_slice %arg2[%add3A_46, %mul3A_48, %dma_wait3A_529, %dma_wait3A_530] : memref<411x64x4x128xf32, #tpu.memory_space<hbm>> -> memref<1x32x4x128xf32, #tpu.memory_space<hbm>>
      %dma_wait3A_532 = tpu.memref_squeeze %dma_wait3A_531 : memref<1x32x4x128xf32, #tpu.memory_space<hbm>> -> memref<32x4x128xf32, #tpu.memory_space<hbm>>
      tpu.wait_dma2 semaphore(%arg7 : memref<!tpu.dma_semaphore, #tpu.memory_space<semaphore_mem>>) src(%dma_wait3A_532 : memref<32x4x128xf32, #tpu.memory_space<hbm>>) dst(%dma_wait3A_528 : memref<32x4x128xf32, #tpu.memory_space<vmem>>)
      %dma_start3A = arith.constant 0 : i32
      %dma_start3A_533 = arith.constant 0 : i32
      %dma_start3A_534 = arith.constant 0 : i32
      %dma_start3A_535 = tpu.memref_slice %arg4[%dma_start3A, %dma_start3A_533, %cond3A_349, %dma_start3A_534] : memref<32x2x4x128xf32, #tpu.memory_space<vmem>> -> memref<32x2x1x128xf32, #tpu.memory_space<vmem>>
      %dma_start3A_536 = tpu.memref_squeeze %dma_start3A_535 : memref<32x2x1x128xf32, #tpu.memory_space<vmem>> -> memref<32x2x128xf32, #tpu.memory_space<vmem>>
      %dma_start3A_537 = arith.constant 0 : i32
      %dma_start3A_538 = arith.constant 0 : i32
      %dma_start3A_539 = tpu.memref_slice %arg3[%cond3A_350, %select_n3A, %mul3A_50, %dma_start3A_537, %dma_start3A_538] : memref<4x67x64x2x128xf32, #tpu.memory_space<hbm>> -> memref<1x1x32x2x128xf32, #tpu.memory_space<hbm>>
      %dma_start3A_540 = tpu.memref_squeeze %dma_start3A_539 : memref<1x1x32x2x128xf32, #tpu.memory_space<hbm>> -> memref<32x2x128xf32, #tpu.memory_space<hbm>>
      %dma_start3A_541 = arith.constant 0 : i32
      %dma_start3A_542 = arith.constant 0 : i32
      %dma_start3A_543 = tpu.memref_slice %arg3[%cond3A_350, %select_n3A, %mul3A_50, %dma_start3A_541, %dma_start3A_542] : memref<4x67x64x2x128xf32, #tpu.memory_space<hbm>> -> memref<1x1x32x2x128xf32, #tpu.memory_space<hbm>>
      %dma_start3A_544 = tpu.memref_squeeze %dma_start3A_543 : memref<1x1x32x2x128xf32, #tpu.memory_space<hbm>> -> memref<32x2x128xf32, #tpu.memory_space<hbm>>
      %dma_start3A_545 = arith.constant 0 : i32
      %dma_start3A_546 = arith.constant 0 : i32
      %dma_start3A_547 = arith.constant 0 : i32
      %dma_start3A_548 = tpu.memref_slice %arg4[%dma_start3A_545, %dma_start3A_546, %cond3A_349, %dma_start3A_547] : memref<32x2x4x128xf32, #tpu.memory_space<vmem>> -> memref<32x2x1x128xf32, #tpu.memory_space<vmem>>
      %dma_start3A_549 = tpu.memref_squeeze %dma_start3A_548 : memref<32x2x1x128xf32, #tpu.memory_space<vmem>> -> memref<32x2x128xf32, #tpu.memory_space<vmem>>
      tpu.enqueue_dma source(%dma_start3A_549 : memref<32x2x128xf32, #tpu.memory_space<vmem>>) target(%dma_start3A_544 : memref<32x2x128xf32, #tpu.memory_space<hbm>>) target_semaphore(%arg10 : memref<!tpu.dma_semaphore, #tpu.memory_space<semaphore_mem>>)
      %dma_start3A_550 = arith.constant 0 : i32
      %dma_start3A_551 = arith.constant 0 : i32
      %dma_start3A_552 = arith.constant 0 : i32
      %dma_start3A_553 = tpu.memref_slice %arg4[%dma_start3A_550, %dma_start3A_551, %cond3A_351, %dma_start3A_552] : memref<32x2x4x128xf32, #tpu.memory_space<vmem>> -> memref<32x2x1x128xf32, #tpu.memory_space<vmem>>
      %dma_start3A_554 = tpu.memref_squeeze %dma_start3A_553 : memref<32x2x1x128xf32, #tpu.memory_space<vmem>> -> memref<32x2x128xf32, #tpu.memory_space<vmem>>
      %dma_start3A_555 = arith.constant 0 : i32
      %dma_start3A_556 = arith.constant 0 : i32
      %dma_start3A_557 = tpu.memref_slice %arg3[%cond3A_352, %select_n3A, %mul3A_52, %dma_start3A_555, %dma_start3A_556] : memref<4x67x64x2x128xf32, #tpu.memory_space<hbm>> -> memref<1x1x32x2x128xf32, #tpu.memory_space<hbm>>
      %dma_start3A_558 = tpu.memref_squeeze %dma_start3A_557 : memref<1x1x32x2x128xf32, #tpu.memory_space<hbm>> -> memref<32x2x128xf32, #tpu.memory_space<hbm>>
      %dma_start3A_559 = arith.constant 0 : i32
      %dma_start3A_560 = arith.constant 0 : i32
      %dma_start3A_561 = tpu.memref_slice %arg3[%cond3A_352, %select_n3A, %mul3A_52, %dma_start3A_559, %dma_start3A_560] : memref<4x67x64x2x128xf32, #tpu.memory_space<hbm>> -> memref<1x1x32x2x128xf32, #tpu.memory_space<hbm>>
      %dma_start3A_562 = tpu.memref_squeeze %dma_start3A_561 : memref<1x1x32x2x128xf32, #tpu.memory_space<hbm>> -> memref<32x2x128xf32, #tpu.memory_space<hbm>>
      %dma_start3A_563 = arith.constant 0 : i32
      %dma_start3A_564 = arith.constant 0 : i32
      %dma_start3A_565 = arith.constant 0 : i32
      %dma_start3A_566 = tpu.memref_slice %arg4[%dma_start3A_563, %dma_start3A_564, %cond3A_351, %dma_start3A_565] : memref<32x2x4x128xf32, #tpu.memory_space<vmem>> -> memref<32x2x1x128xf32, #tpu.memory_space<vmem>>
      %dma_start3A_567 = tpu.memref_squeeze %dma_start3A_566 : memref<32x2x1x128xf32, #tpu.memory_space<vmem>> -> memref<32x2x128xf32, #tpu.memory_space<vmem>>
      tpu.enqueue_dma source(%dma_start3A_567 : memref<32x2x128xf32, #tpu.memory_space<vmem>>) target(%dma_start3A_562 : memref<32x2x128xf32, #tpu.memory_space<hbm>>) target_semaphore(%arg10 : memref<!tpu.dma_semaphore, #tpu.memory_space<semaphore_mem>>)
      %dma_start3A_568 = arith.constant 0 : i32
      %dma_start3A_569 = arith.constant 0 : i32
      %dma_start3A_570 = arith.constant 0 : i32
      %dma_start3A_571 = tpu.memref_slice %arg4[%dma_start3A_568, %dma_start3A_569, %cond3A_353, %dma_start3A_570] : memref<32x2x4x128xf32, #tpu.memory_space<vmem>> -> memref<32x2x1x128xf32, #tpu.memory_space<vmem>>
      %dma_start3A_572 = tpu.memref_squeeze %dma_start3A_571 : memref<32x2x1x128xf32, #tpu.memory_space<vmem>> -> memref<32x2x128xf32, #tpu.memory_space<vmem>>
      %dma_start3A_573 = arith.constant 0 : i32
      %dma_start3A_574 = arith.constant 0 : i32
      %dma_start3A_575 = tpu.memref_slice %arg3[%cond3A_354, %select_n3A, %mul3A_54, %dma_start3A_573, %dma_start3A_574] : memref<4x67x64x2x128xf32, #tpu.memory_space<hbm>> -> memref<1x1x32x2x128xf32, #tpu.memory_space<hbm>>
      %dma_start3A_576 = tpu.memref_squeeze %dma_start3A_575 : memref<1x1x32x2x128xf32, #tpu.memory_space<hbm>> -> memref<32x2x128xf32, #tpu.memory_space<hbm>>
      %dma_start3A_577 = arith.constant 0 : i32
      %dma_start3A_578 = arith.constant 0 : i32
      %dma_start3A_579 = tpu.memref_slice %arg3[%cond3A_354, %select_n3A, %mul3A_54, %dma_start3A_577, %dma_start3A_578] : memref<4x67x64x2x128xf32, #tpu.memory_space<hbm>> -> memref<1x1x32x2x128xf32, #tpu.memory_space<hbm>>
      %dma_start3A_580 = tpu.memref_squeeze %dma_start3A_579 : memref<1x1x32x2x128xf32, #tpu.memory_space<hbm>> -> memref<32x2x128xf32, #tpu.memory_space<hbm>>
      %dma_start3A_581 = arith.constant 0 : i32
      %dma_start3A_582 = arith.constant 0 : i32
      %dma_start3A_583 = arith.constant 0 : i32
      %dma_start3A_584 = tpu.memref_slice %arg4[%dma_start3A_581, %dma_start3A_582, %cond3A_353, %dma_start3A_583] : memref<32x2x4x128xf32, #tpu.memory_space<vmem>> -> memref<32x2x1x128xf32, #tpu.memory_space<vmem>>
      %dma_start3A_585 = tpu.memref_squeeze %dma_start3A_584 : memref<32x2x1x128xf32, #tpu.memory_space<vmem>> -> memref<32x2x128xf32, #tpu.memory_space<vmem>>
      tpu.enqueue_dma source(%dma_start3A_585 : memref<32x2x128xf32, #tpu.memory_space<vmem>>) target(%dma_start3A_580 : memref<32x2x128xf32, #tpu.memory_space<hbm>>) target_semaphore(%arg10 : memref<!tpu.dma_semaphore, #tpu.memory_space<semaphore_mem>>)
      %dma_start3A_586 = arith.constant 0 : i32
      %dma_start3A_587 = arith.constant 0 : i32
      %dma_start3A_588 = arith.constant 0 : i32
      %dma_start3A_589 = tpu.memref_slice %arg4[%dma_start3A_586, %dma_start3A_587, %cond3A_355, %dma_start3A_588] : memref<32x2x4x128xf32, #tpu.memory_space<vmem>> -> memref<32x2x1x128xf32, #tpu.memory_space<vmem>>
      %dma_start3A_590 = tpu.memref_squeeze %dma_start3A_589 : memref<32x2x1x128xf32, #tpu.memory_space<vmem>> -> memref<32x2x128xf32, #tpu.memory_space<vmem>>
      %dma_start3A_591 = arith.constant 0 : i32
      %dma_start3A_592 = arith.constant 0 : i32
      %dma_start3A_593 = tpu.memref_slice %arg3[%cond3A_356, %select_n3A, %mul3A_56, %dma_start3A_591, %dma_start3A_592] : memref<4x67x64x2x128xf32, #tpu.memory_space<hbm>> -> memref<1x1x32x2x128xf32, #tpu.memory_space<hbm>>
      %dma_start3A_594 = tpu.memref_squeeze %dma_start3A_593 : memref<1x1x32x2x128xf32, #tpu.memory_space<hbm>> -> memref<32x2x128xf32, #tpu.memory_space<hbm>>
      %dma_start3A_595 = arith.constant 0 : i32
      %dma_start3A_596 = arith.constant 0 : i32
      %dma_start3A_597 = tpu.memref_slice %arg3[%cond3A_356, %select_n3A, %mul3A_56, %dma_start3A_595, %dma_start3A_596] : memref<4x67x64x2x128xf32, #tpu.memory_space<hbm>> -> memref<1x1x32x2x128xf32, #tpu.memory_space<hbm>>
      %dma_start3A_598 = tpu.memref_squeeze %dma_start3A_597 : memref<1x1x32x2x128xf32, #tpu.memory_space<hbm>> -> memref<32x2x128xf32, #tpu.memory_space<hbm>>
      %dma_start3A_599 = arith.constant 0 : i32
      %dma_start3A_600 = arith.constant 0 : i32
      %dma_start3A_601 = arith.constant 0 : i32
      %dma_start3A_602 = tpu.memref_slice %arg4[%dma_start3A_599, %dma_start3A_600, %cond3A_355, %dma_start3A_601] : memref<32x2x4x128xf32, #tpu.memory_space<vmem>> -> memref<32x2x1x128xf32, #tpu.memory_space<vmem>>
      %dma_start3A_603 = tpu.memref_squeeze %dma_start3A_602 : memref<32x2x1x128xf32, #tpu.memory_space<vmem>> -> memref<32x2x128xf32, #tpu.memory_space<vmem>>
      tpu.enqueue_dma source(%dma_start3A_603 : memref<32x2x128xf32, #tpu.memory_space<vmem>>) target(%dma_start3A_598 : memref<32x2x128xf32, #tpu.memory_space<hbm>>) target_semaphore(%arg10 : memref<!tpu.dma_semaphore, #tpu.memory_space<semaphore_mem>>)
    } else {
    }
    %lt3A_359 = arith.constant 134 : i32
    %lt3A_360 = arith.cmpi slt, %add3A_2, %lt3A_359 : i32
    %convert_element_type3A_361 = arith.extui %lt3A_360 : i1 to i32
    %cond3A_362 = arith.constant 0 : i32
    %cond3A_363 = arith.constant 0 : i32
    %cond3A_364 = arith.constant 1 : i32
    %cond3A_365 = arith.constant 1 : i32
    %cond3A_366 = arith.constant 2 : i32
    %cond3A_367 = arith.constant 2 : i32
    %cond3A_368 = arith.constant 3 : i32
    %cond3A_369 = arith.constant 3 : i32
    %cond3A_370 = arith.constant 0 : i32
    %cond3A_371 = arith.cmpi ne, %convert_element_type3A_361, %cond3A_370 : i32
    scf.if %cond3A_371 {
      %dma_wait3A = arith.constant 0 : i32
      %dma_wait3A_498 = arith.constant 0 : i32
      %dma_wait3A_499 = arith.constant 0 : i32
      %dma_wait3A_500 = tpu.memref_slice %arg4[%dma_wait3A, %dma_wait3A_498, %cond3A_362, %dma_wait3A_499] : memref<32x2x4x128xf32, #tpu.memory_space<vmem>> -> memref<32x2x1x128xf32, #tpu.memory_space<vmem>>
      %dma_wait3A_501 = tpu.memref_squeeze %dma_wait3A_500 : memref<32x2x1x128xf32, #tpu.memory_space<vmem>> -> memref<32x2x128xf32, #tpu.memory_space<vmem>>
      %dma_wait3A_502 = arith.constant 0 : i32
      %dma_wait3A_503 = arith.constant 0 : i32
      %dma_wait3A_504 = tpu.memref_slice %arg3[%cond3A_363, %select_n3A, %mul3A_50, %dma_wait3A_502, %dma_wait3A_503] : memref<4x67x64x2x128xf32, #tpu.memory_space<hbm>> -> memref<1x1x32x2x128xf32, #tpu.memory_space<hbm>>
      %dma_wait3A_505 = tpu.memref_squeeze %dma_wait3A_504 : memref<1x1x32x2x128xf32, #tpu.memory_space<hbm>> -> memref<32x2x128xf32, #tpu.memory_space<hbm>>
      %dma_wait3A_506 = arith.constant 0 : i32
      %dma_wait3A_507 = arith.constant 0 : i32
      %dma_wait3A_508 = tpu.memref_slice %arg3[%cond3A_363, %select_n3A, %mul3A_50, %dma_wait3A_506, %dma_wait3A_507] : memref<4x67x64x2x128xf32, #tpu.memory_space<hbm>> -> memref<1x1x32x2x128xf32, #tpu.memory_space<hbm>>
      %dma_wait3A_509 = tpu.memref_squeeze %dma_wait3A_508 : memref<1x1x32x2x128xf32, #tpu.memory_space<hbm>> -> memref<32x2x128xf32, #tpu.memory_space<hbm>>
      %dma_wait3A_510 = arith.constant 0 : i32
      %dma_wait3A_511 = arith.constant 0 : i32
      %dma_wait3A_512 = arith.constant 0 : i32
      %dma_wait3A_513 = tpu.memref_slice %arg4[%dma_wait3A_510, %dma_wait3A_511, %cond3A_362, %dma_wait3A_512] : memref<32x2x4x128xf32, #tpu.memory_space<vmem>> -> memref<32x2x1x128xf32, #tpu.memory_space<vmem>>
      %dma_wait3A_514 = tpu.memref_squeeze %dma_wait3A_513 : memref<32x2x1x128xf32, #tpu.memory_space<vmem>> -> memref<32x2x128xf32, #tpu.memory_space<vmem>>
      tpu.wait_dma2 semaphore(%arg10 : memref<!tpu.dma_semaphore, #tpu.memory_space<semaphore_mem>>) src(%dma_wait3A_514 : memref<32x2x128xf32, #tpu.memory_space<vmem>>) dst(%dma_wait3A_509 : memref<32x2x128xf32, #tpu.memory_space<hbm>>)
      %dma_wait3A_515 = arith.constant 0 : i32
      %dma_wait3A_516 = arith.constant 0 : i32
      %dma_wait3A_517 = arith.constant 0 : i32
      %dma_wait3A_518 = tpu.memref_slice %arg4[%dma_wait3A_515, %dma_wait3A_516, %cond3A_364, %dma_wait3A_517] : memref<32x2x4x128xf32, #tpu.memory_space<vmem>> -> memref<32x2x1x128xf32, #tpu.memory_space<vmem>>
      %dma_wait3A_519 = tpu.memref_squeeze %dma_wait3A_518 : memref<32x2x1x128xf32, #tpu.memory_space<vmem>> -> memref<32x2x128xf32, #tpu.memory_space<vmem>>
      %dma_wait3A_520 = arith.constant 0 : i32
      %dma_wait3A_521 = arith.constant 0 : i32
      %dma_wait3A_522 = tpu.memref_slice %arg3[%cond3A_365, %select_n3A, %mul3A_52, %dma_wait3A_520, %dma_wait3A_521] : memref<4x67x64x2x128xf32, #tpu.memory_space<hbm>> -> memref<1x1x32x2x128xf32, #tpu.memory_space<hbm>>
      %dma_wait3A_523 = tpu.memref_squeeze %dma_wait3A_522 : memref<1x1x32x2x128xf32, #tpu.memory_space<hbm>> -> memref<32x2x128xf32, #tpu.memory_space<hbm>>
      %dma_wait3A_524 = arith.constant 0 : i32
      %dma_wait3A_525 = arith.constant 0 : i32
      %dma_wait3A_526 = tpu.memref_slice %arg3[%cond3A_365, %select_n3A, %mul3A_52, %dma_wait3A_524, %dma_wait3A_525] : memref<4x67x64x2x128xf32, #tpu.memory_space<hbm>> -> memref<1x1x32x2x128xf32, #tpu.memory_space<hbm>>
      %dma_wait3A_527 = tpu.memref_squeeze %dma_wait3A_526 : memref<1x1x32x2x128xf32, #tpu.memory_space<hbm>> -> memref<32x2x128xf32, #tpu.memory_space<hbm>>
      %dma_wait3A_528 = arith.constant 0 : i32
      %dma_wait3A_529 = arith.constant 0 : i32
      %dma_wait3A_530 = arith.constant 0 : i32
      %dma_wait3A_531 = tpu.memref_slice %arg4[%dma_wait3A_528, %dma_wait3A_529, %cond3A_364, %dma_wait3A_530] : memref<32x2x4x128xf32, #tpu.memory_space<vmem>> -> memref<32x2x1x128xf32, #tpu.memory_space<vmem>>
      %dma_wait3A_532 = tpu.memref_squeeze %dma_wait3A_531 : memref<32x2x1x128xf32, #tpu.memory_space<vmem>> -> memref<32x2x128xf32, #tpu.memory_space<vmem>>
      tpu.wait_dma2 semaphore(%arg10 : memref<!tpu.dma_semaphore, #tpu.memory_space<semaphore_mem>>) src(%dma_wait3A_532 : memref<32x2x128xf32, #tpu.memory_space<vmem>>) dst(%dma_wait3A_527 : memref<32x2x128xf32, #tpu.memory_space<hbm>>)
      %dma_wait3A_533 = arith.constant 0 : i32
      %dma_wait3A_534 = arith.constant 0 : i32
      %dma_wait3A_535 = arith.constant 0 : i32
      %dma_wait3A_536 = tpu.memref_slice %arg4[%dma_wait3A_533, %dma_wait3A_534, %cond3A_366, %dma_wait3A_535] : memref<32x2x4x128xf32, #tpu.memory_space<vmem>> -> memref<32x2x1x128xf32, #tpu.memory_space<vmem>>
      %dma_wait3A_537 = tpu.memref_squeeze %dma_wait3A_536 : memref<32x2x1x128xf32, #tpu.memory_space<vmem>> -> memref<32x2x128xf32, #tpu.memory_space<vmem>>
      %dma_wait3A_538 = arith.constant 0 : i32
      %dma_wait3A_539 = arith.constant 0 : i32
      %dma_wait3A_540 = tpu.memref_slice %arg3[%cond3A_367, %select_n3A, %mul3A_54, %dma_wait3A_538, %dma_wait3A_539] : memref<4x67x64x2x128xf32, #tpu.memory_space<hbm>> -> memref<1x1x32x2x128xf32, #tpu.memory_space<hbm>>
      %dma_wait3A_541 = tpu.memref_squeeze %dma_wait3A_540 : memref<1x1x32x2x128xf32, #tpu.memory_space<hbm>> -> memref<32x2x128xf32, #tpu.memory_space<hbm>>
      %dma_wait3A_542 = arith.constant 0 : i32
      %dma_wait3A_543 = arith.constant 0 : i32
      %dma_wait3A_544 = tpu.memref_slice %arg3[%cond3A_367, %select_n3A, %mul3A_54, %dma_wait3A_542, %dma_wait3A_543] : memref<4x67x64x2x128xf32, #tpu.memory_space<hbm>> -> memref<1x1x32x2x128xf32, #tpu.memory_space<hbm>>
      %dma_wait3A_545 = tpu.memref_squeeze %dma_wait3A_544 : memref<1x1x32x2x128xf32, #tpu.memory_space<hbm>> -> memref<32x2x128xf32, #tpu.memory_space<hbm>>
      %dma_wait3A_546 = arith.constant 0 : i32
      %dma_wait3A_547 = arith.constant 0 : i32
      %dma_wait3A_548 = arith.constant 0 : i32
      %dma_wait3A_549 = tpu.memref_slice %arg4[%dma_wait3A_546, %dma_wait3A_547, %cond3A_366, %dma_wait3A_548] : memref<32x2x4x128xf32, #tpu.memory_space<vmem>> -> memref<32x2x1x128xf32, #tpu.memory_space<vmem>>
      %dma_wait3A_550 = tpu.memref_squeeze %dma_wait3A_549 : memref<32x2x1x128xf32, #tpu.memory_space<vmem>> -> memref<32x2x128xf32, #tpu.memory_space<vmem>>
      tpu.wait_dma2 semaphore(%arg10 : memref<!tpu.dma_semaphore, #tpu.memory_space<semaphore_mem>>) src(%dma_wait3A_550 : memref<32x2x128xf32, #tpu.memory_space<vmem>>) dst(%dma_wait3A_545 : memref<32x2x128xf32, #tpu.memory_space<hbm>>)
      %dma_wait3A_551 = arith.constant 0 : i32
      %dma_wait3A_552 = arith.constant 0 : i32
      %dma_wait3A_553 = arith.constant 0 : i32
      %dma_wait3A_554 = tpu.memref_slice %arg4[%dma_wait3A_551, %dma_wait3A_552, %cond3A_368, %dma_wait3A_553] : memref<32x2x4x128xf32, #tpu.memory_space<vmem>> -> memref<32x2x1x128xf32, #tpu.memory_space<vmem>>
      %dma_wait3A_555 = tpu.memref_squeeze %dma_wait3A_554 : memref<32x2x1x128xf32, #tpu.memory_space<vmem>> -> memref<32x2x128xf32, #tpu.memory_space<vmem>>
      %dma_wait3A_556 = arith.constant 0 : i32
      %dma_wait3A_557 = arith.constant 0 : i32
      %dma_wait3A_558 = tpu.memref_slice %arg3[%cond3A_369, %select_n3A, %mul3A_56, %dma_wait3A_556, %dma_wait3A_557] : memref<4x67x64x2x128xf32, #tpu.memory_space<hbm>> -> memref<1x1x32x2x128xf32, #tpu.memory_space<hbm>>
      %dma_wait3A_559 = tpu.memref_squeeze %dma_wait3A_558 : memref<1x1x32x2x128xf32, #tpu.memory_space<hbm>> -> memref<32x2x128xf32, #tpu.memory_space<hbm>>
      %dma_wait3A_560 = arith.constant 0 : i32
      %dma_wait3A_561 = arith.constant 0 : i32
      %dma_wait3A_562 = tpu.memref_slice %arg3[%cond3A_369, %select_n3A, %mul3A_56, %dma_wait3A_560, %dma_wait3A_561] : memref<4x67x64x2x128xf32, #tpu.memory_space<hbm>> -> memref<1x1x32x2x128xf32, #tpu.memory_space<hbm>>
      %dma_wait3A_563 = tpu.memref_squeeze %dma_wait3A_562 : memref<1x1x32x2x128xf32, #tpu.memory_space<hbm>> -> memref<32x2x128xf32, #tpu.memory_space<hbm>>
      %dma_wait3A_564 = arith.constant 0 : i32
      %dma_wait3A_565 = arith.constant 0 : i32
      %dma_wait3A_566 = arith.constant 0 : i32
      %dma_wait3A_567 = tpu.memref_slice %arg4[%dma_wait3A_564, %dma_wait3A_565, %cond3A_368, %dma_wait3A_566] : memref<32x2x4x128xf32, #tpu.memory_space<vmem>> -> memref<32x2x1x128xf32, #tpu.memory_space<vmem>>
      %dma_wait3A_568 = tpu.memref_squeeze %dma_wait3A_567 : memref<32x2x1x128xf32, #tpu.memory_space<vmem>> -> memref<32x2x128xf32, #tpu.memory_space<vmem>>
      tpu.wait_dma2 semaphore(%arg10 : memref<!tpu.dma_semaphore, #tpu.memory_space<semaphore_mem>>) src(%dma_wait3A_568 : memref<32x2x128xf32, #tpu.memory_space<vmem>>) dst(%dma_wait3A_563 : memref<32x2x128xf32, #tpu.memory_space<hbm>>)
    } else {
    }
    %lt3A_372 = arith.constant 134 : i32
    %lt3A_373 = arith.cmpi slt, %add3A_192, %lt3A_372 : i32
    %convert_element_type3A_374 = arith.extui %lt3A_373 : i1 to i32
    %cond3A_375 = arith.constant 0 : i32
    %cond3A_376 = arith.constant 1 : i32
    %cond3A_377 = arith.constant 0 : i32
    %cond3A_378 = arith.cmpi ne, %convert_element_type3A_374, %cond3A_377 : i32
    scf.if %cond3A_378 {
      %dma_start3A = arith.constant 0 : i32
      %dma_start3A_498 = arith.constant 0 : i32
      %dma_start3A_499 = arith.constant 0 : i32
      %dma_start3A_500 = tpu.memref_slice %arg4[%dma_start3A, %cond3A_375, %dma_start3A_498, %dma_start3A_499] : memref<32x2x4x128xf32, #tpu.memory_space<vmem>> -> memref<32x1x4x128xf32, #tpu.memory_space<vmem>>
      %dma_start3A_501 = tpu.memref_squeeze %dma_start3A_500 : memref<32x1x4x128xf32, #tpu.memory_space<vmem>> -> memref<32x4x128xf32, #tpu.memory_space<vmem>>
      %dma_start3A_502 = arith.constant 0 : i32
      %dma_start3A_503 = arith.constant 0 : i32
      %dma_start3A_504 = tpu.memref_slice %arg2[%add3A_241, %mul3A_243, %dma_start3A_502, %dma_start3A_503] : memref<411x64x4x128xf32, #tpu.memory_space<hbm>> -> memref<1x32x4x128xf32, #tpu.memory_space<hbm>>
      %dma_start3A_505 = tpu.memref_squeeze %dma_start3A_504 : memref<1x32x4x128xf32, #tpu.memory_space<hbm>> -> memref<32x4x128xf32, #tpu.memory_space<hbm>>
      %dma_start3A_506 = arith.constant 0 : i32
      %dma_start3A_507 = arith.constant 0 : i32
      %dma_start3A_508 = arith.constant 0 : i32
      %dma_start3A_509 = tpu.memref_slice %arg4[%dma_start3A_506, %cond3A_375, %dma_start3A_507, %dma_start3A_508] : memref<32x2x4x128xf32, #tpu.memory_space<vmem>> -> memref<32x1x4x128xf32, #tpu.memory_space<vmem>>
      %dma_start3A_510 = tpu.memref_squeeze %dma_start3A_509 : memref<32x1x4x128xf32, #tpu.memory_space<vmem>> -> memref<32x4x128xf32, #tpu.memory_space<vmem>>
      %dma_start3A_511 = arith.constant 0 : i32
      %dma_start3A_512 = arith.constant 0 : i32
      %dma_start3A_513 = tpu.memref_slice %arg2[%add3A_241, %mul3A_243, %dma_start3A_511, %dma_start3A_512] : memref<411x64x4x128xf32, #tpu.memory_space<hbm>> -> memref<1x32x4x128xf32, #tpu.memory_space<hbm>>
      %dma_start3A_514 = tpu.memref_squeeze %dma_start3A_513 : memref<1x32x4x128xf32, #tpu.memory_space<hbm>> -> memref<32x4x128xf32, #tpu.memory_space<hbm>>
      tpu.enqueue_dma source(%dma_start3A_514 : memref<32x4x128xf32, #tpu.memory_space<hbm>>) target(%dma_start3A_510 : memref<32x4x128xf32, #tpu.memory_space<vmem>>) target_semaphore(%arg7 : memref<!tpu.dma_semaphore, #tpu.memory_space<semaphore_mem>>)
      %dma_start3A_515 = arith.constant 0 : i32
      %dma_start3A_516 = arith.constant 0 : i32
      %dma_start3A_517 = arith.constant 0 : i32
      %dma_start3A_518 = tpu.memref_slice %arg4[%dma_start3A_515, %cond3A_376, %dma_start3A_516, %dma_start3A_517] : memref<32x2x4x128xf32, #tpu.memory_space<vmem>> -> memref<32x1x4x128xf32, #tpu.memory_space<vmem>>
      %dma_start3A_519 = tpu.memref_squeeze %dma_start3A_518 : memref<32x1x4x128xf32, #tpu.memory_space<vmem>> -> memref<32x4x128xf32, #tpu.memory_space<vmem>>
      %dma_start3A_520 = arith.constant 0 : i32
      %dma_start3A_521 = arith.constant 0 : i32
      %dma_start3A_522 = tpu.memref_slice %arg2[%add3A_247, %mul3A_249, %dma_start3A_520, %dma_start3A_521] : memref<411x64x4x128xf32, #tpu.memory_space<hbm>> -> memref<1x32x4x128xf32, #tpu.memory_space<hbm>>
      %dma_start3A_523 = tpu.memref_squeeze %dma_start3A_522 : memref<1x32x4x128xf32, #tpu.memory_space<hbm>> -> memref<32x4x128xf32, #tpu.memory_space<hbm>>
      %dma_start3A_524 = arith.constant 0 : i32
      %dma_start3A_525 = arith.constant 0 : i32
      %dma_start3A_526 = arith.constant 0 : i32
      %dma_start3A_527 = tpu.memref_slice %arg4[%dma_start3A_524, %cond3A_376, %dma_start3A_525, %dma_start3A_526] : memref<32x2x4x128xf32, #tpu.memory_space<vmem>> -> memref<32x1x4x128xf32, #tpu.memory_space<vmem>>
      %dma_start3A_528 = tpu.memref_squeeze %dma_start3A_527 : memref<32x1x4x128xf32, #tpu.memory_space<vmem>> -> memref<32x4x128xf32, #tpu.memory_space<vmem>>
      %dma_start3A_529 = arith.constant 0 : i32
      %dma_start3A_530 = arith.constant 0 : i32
      %dma_start3A_531 = tpu.memref_slice %arg2[%add3A_247, %mul3A_249, %dma_start3A_529, %dma_start3A_530] : memref<411x64x4x128xf32, #tpu.memory_space<hbm>> -> memref<1x32x4x128xf32, #tpu.memory_space<hbm>>
      %dma_start3A_532 = tpu.memref_squeeze %dma_start3A_531 : memref<1x32x4x128xf32, #tpu.memory_space<hbm>> -> memref<32x4x128xf32, #tpu.memory_space<hbm>>
      tpu.enqueue_dma source(%dma_start3A_532 : memref<32x4x128xf32, #tpu.memory_space<hbm>>) target(%dma_start3A_528 : memref<32x4x128xf32, #tpu.memory_space<vmem>>) target_semaphore(%arg7 : memref<!tpu.dma_semaphore, #tpu.memory_space<semaphore_mem>>)
    } else {
    }
    %lt3A_379 = arith.constant 134 : i32
    %lt3A_380 = arith.cmpi slt, %add3A_58, %lt3A_379 : i32
    %convert_element_type3A_381 = arith.extui %lt3A_380 : i1 to i32
    %cond3A_382 = arith.constant 0 : i32
    %cond3A_383 = arith.constant 1 : i32
    %cond3A_384 = arith.constant 0 : i32
    %cond3A_385 = arith.constant 0 : i32
    %cond3A_386 = arith.constant 1 : i32
    %cond3A_387 = arith.constant 1 : i32
    %cond3A_388 = arith.constant 2 : i32
    %cond3A_389 = arith.constant 2 : i32
    %cond3A_390 = arith.constant 3 : i32
    %cond3A_391 = arith.constant 3 : i32
    %cond3A_392 = arith.constant 0 : i32
    %cond3A_393 = arith.cmpi ne, %convert_element_type3A_381, %cond3A_392 : i32
    scf.if %cond3A_393 {
      %dma_wait3A = arith.constant 0 : i32
      %dma_wait3A_498 = arith.constant 0 : i32
      %dma_wait3A_499 = arith.constant 0 : i32
      %dma_wait3A_500 = tpu.memref_slice %arg5[%dma_wait3A, %cond3A_382, %dma_wait3A_498, %dma_wait3A_499] : memref<32x2x4x128xf32, #tpu.memory_space<vmem>> -> memref<32x1x4x128xf32, #tpu.memory_space<vmem>>
      %dma_wait3A_501 = tpu.memref_squeeze %dma_wait3A_500 : memref<32x1x4x128xf32, #tpu.memory_space<vmem>> -> memref<32x4x128xf32, #tpu.memory_space<vmem>>
      %dma_wait3A_502 = arith.constant 0 : i32
      %dma_wait3A_503 = arith.constant 0 : i32
      %dma_wait3A_504 = tpu.memref_slice %arg2[%add3A_107, %mul3A_109, %dma_wait3A_502, %dma_wait3A_503] : memref<411x64x4x128xf32, #tpu.memory_space<hbm>> -> memref<1x32x4x128xf32, #tpu.memory_space<hbm>>
      %dma_wait3A_505 = tpu.memref_squeeze %dma_wait3A_504 : memref<1x32x4x128xf32, #tpu.memory_space<hbm>> -> memref<32x4x128xf32, #tpu.memory_space<hbm>>
      %dma_wait3A_506 = arith.constant 0 : i32
      %dma_wait3A_507 = arith.constant 0 : i32
      %dma_wait3A_508 = arith.constant 0 : i32
      %dma_wait3A_509 = tpu.memref_slice %arg5[%dma_wait3A_506, %cond3A_382, %dma_wait3A_507, %dma_wait3A_508] : memref<32x2x4x128xf32, #tpu.memory_space<vmem>> -> memref<32x1x4x128xf32, #tpu.memory_space<vmem>>
      %dma_wait3A_510 = tpu.memref_squeeze %dma_wait3A_509 : memref<32x1x4x128xf32, #tpu.memory_space<vmem>> -> memref<32x4x128xf32, #tpu.memory_space<vmem>>
      %dma_wait3A_511 = arith.constant 0 : i32
      %dma_wait3A_512 = arith.constant 0 : i32
      %dma_wait3A_513 = tpu.memref_slice %arg2[%add3A_107, %mul3A_109, %dma_wait3A_511, %dma_wait3A_512] : memref<411x64x4x128xf32, #tpu.memory_space<hbm>> -> memref<1x32x4x128xf32, #tpu.memory_space<hbm>>
      %dma_wait3A_514 = tpu.memref_squeeze %dma_wait3A_513 : memref<1x32x4x128xf32, #tpu.memory_space<hbm>> -> memref<32x4x128xf32, #tpu.memory_space<hbm>>
      tpu.wait_dma2 semaphore(%arg8 : memref<!tpu.dma_semaphore, #tpu.memory_space<semaphore_mem>>) src(%dma_wait3A_514 : memref<32x4x128xf32, #tpu.memory_space<hbm>>) dst(%dma_wait3A_510 : memref<32x4x128xf32, #tpu.memory_space<vmem>>)
      %dma_wait3A_515 = arith.constant 0 : i32
      %dma_wait3A_516 = arith.constant 0 : i32
      %dma_wait3A_517 = arith.constant 0 : i32
      %dma_wait3A_518 = tpu.memref_slice %arg5[%dma_wait3A_515, %cond3A_383, %dma_wait3A_516, %dma_wait3A_517] : memref<32x2x4x128xf32, #tpu.memory_space<vmem>> -> memref<32x1x4x128xf32, #tpu.memory_space<vmem>>
      %dma_wait3A_519 = tpu.memref_squeeze %dma_wait3A_518 : memref<32x1x4x128xf32, #tpu.memory_space<vmem>> -> memref<32x4x128xf32, #tpu.memory_space<vmem>>
      %dma_wait3A_520 = arith.constant 0 : i32
      %dma_wait3A_521 = arith.constant 0 : i32
      %dma_wait3A_522 = tpu.memref_slice %arg2[%add3A_113, %mul3A_115, %dma_wait3A_520, %dma_wait3A_521] : memref<411x64x4x128xf32, #tpu.memory_space<hbm>> -> memref<1x32x4x128xf32, #tpu.memory_space<hbm>>
      %dma_wait3A_523 = tpu.memref_squeeze %dma_wait3A_522 : memref<1x32x4x128xf32, #tpu.memory_space<hbm>> -> memref<32x4x128xf32, #tpu.memory_space<hbm>>
      %dma_wait3A_524 = arith.constant 0 : i32
      %dma_wait3A_525 = arith.constant 0 : i32
      %dma_wait3A_526 = arith.constant 0 : i32
      %dma_wait3A_527 = tpu.memref_slice %arg5[%dma_wait3A_524, %cond3A_383, %dma_wait3A_525, %dma_wait3A_526] : memref<32x2x4x128xf32, #tpu.memory_space<vmem>> -> memref<32x1x4x128xf32, #tpu.memory_space<vmem>>
      %dma_wait3A_528 = tpu.memref_squeeze %dma_wait3A_527 : memref<32x1x4x128xf32, #tpu.memory_space<vmem>> -> memref<32x4x128xf32, #tpu.memory_space<vmem>>
      %dma_wait3A_529 = arith.constant 0 : i32
      %dma_wait3A_530 = arith.constant 0 : i32
      %dma_wait3A_531 = tpu.memref_slice %arg2[%add3A_113, %mul3A_115, %dma_wait3A_529, %dma_wait3A_530] : memref<411x64x4x128xf32, #tpu.memory_space<hbm>> -> memref<1x32x4x128xf32, #tpu.memory_space<hbm>>
      %dma_wait3A_532 = tpu.memref_squeeze %dma_wait3A_531 : memref<1x32x4x128xf32, #tpu.memory_space<hbm>> -> memref<32x4x128xf32, #tpu.memory_space<hbm>>
      tpu.wait_dma2 semaphore(%arg8 : memref<!tpu.dma_semaphore, #tpu.memory_space<semaphore_mem>>) src(%dma_wait3A_532 : memref<32x4x128xf32, #tpu.memory_space<hbm>>) dst(%dma_wait3A_528 : memref<32x4x128xf32, #tpu.memory_space<vmem>>)
      %dma_start3A = arith.constant 0 : i32
      %dma_start3A_533 = arith.constant 0 : i32
      %dma_start3A_534 = arith.constant 0 : i32
      %dma_start3A_535 = tpu.memref_slice %arg5[%dma_start3A, %dma_start3A_533, %cond3A_384, %dma_start3A_534] : memref<32x2x4x128xf32, #tpu.memory_space<vmem>> -> memref<32x2x1x128xf32, #tpu.memory_space<vmem>>
      %dma_start3A_536 = tpu.memref_squeeze %dma_start3A_535 : memref<32x2x1x128xf32, #tpu.memory_space<vmem>> -> memref<32x2x128xf32, #tpu.memory_space<vmem>>
      %dma_start3A_537 = arith.constant 0 : i32
      %dma_start3A_538 = arith.constant 0 : i32
      %dma_start3A_539 = tpu.memref_slice %arg3[%cond3A_385, %select_n3A_82, %mul3A_117, %dma_start3A_537, %dma_start3A_538] : memref<4x67x64x2x128xf32, #tpu.memory_space<hbm>> -> memref<1x1x32x2x128xf32, #tpu.memory_space<hbm>>
      %dma_start3A_540 = tpu.memref_squeeze %dma_start3A_539 : memref<1x1x32x2x128xf32, #tpu.memory_space<hbm>> -> memref<32x2x128xf32, #tpu.memory_space<hbm>>
      %dma_start3A_541 = arith.constant 0 : i32
      %dma_start3A_542 = arith.constant 0 : i32
      %dma_start3A_543 = tpu.memref_slice %arg3[%cond3A_385, %select_n3A_82, %mul3A_117, %dma_start3A_541, %dma_start3A_542] : memref<4x67x64x2x128xf32, #tpu.memory_space<hbm>> -> memref<1x1x32x2x128xf32, #tpu.memory_space<hbm>>
      %dma_start3A_544 = tpu.memref_squeeze %dma_start3A_543 : memref<1x1x32x2x128xf32, #tpu.memory_space<hbm>> -> memref<32x2x128xf32, #tpu.memory_space<hbm>>
      %dma_start3A_545 = arith.constant 0 : i32
      %dma_start3A_546 = arith.constant 0 : i32
      %dma_start3A_547 = arith.constant 0 : i32
      %dma_start3A_548 = tpu.memref_slice %arg5[%dma_start3A_545, %dma_start3A_546, %cond3A_384, %dma_start3A_547] : memref<32x2x4x128xf32, #tpu.memory_space<vmem>> -> memref<32x2x1x128xf32, #tpu.memory_space<vmem>>
      %dma_start3A_549 = tpu.memref_squeeze %dma_start3A_548 : memref<32x2x1x128xf32, #tpu.memory_space<vmem>> -> memref<32x2x128xf32, #tpu.memory_space<vmem>>
      tpu.enqueue_dma source(%dma_start3A_549 : memref<32x2x128xf32, #tpu.memory_space<vmem>>) target(%dma_start3A_544 : memref<32x2x128xf32, #tpu.memory_space<hbm>>) target_semaphore(%arg11 : memref<!tpu.dma_semaphore, #tpu.memory_space<semaphore_mem>>)
      %dma_start3A_550 = arith.constant 0 : i32
      %dma_start3A_551 = arith.constant 0 : i32
      %dma_start3A_552 = arith.constant 0 : i32
      %dma_start3A_553 = tpu.memref_slice %arg5[%dma_start3A_550, %dma_start3A_551, %cond3A_386, %dma_start3A_552] : memref<32x2x4x128xf32, #tpu.memory_space<vmem>> -> memref<32x2x1x128xf32, #tpu.memory_space<vmem>>
      %dma_start3A_554 = tpu.memref_squeeze %dma_start3A_553 : memref<32x2x1x128xf32, #tpu.memory_space<vmem>> -> memref<32x2x128xf32, #tpu.memory_space<vmem>>
      %dma_start3A_555 = arith.constant 0 : i32
      %dma_start3A_556 = arith.constant 0 : i32
      %dma_start3A_557 = tpu.memref_slice %arg3[%cond3A_387, %select_n3A_82, %mul3A_119, %dma_start3A_555, %dma_start3A_556] : memref<4x67x64x2x128xf32, #tpu.memory_space<hbm>> -> memref<1x1x32x2x128xf32, #tpu.memory_space<hbm>>
      %dma_start3A_558 = tpu.memref_squeeze %dma_start3A_557 : memref<1x1x32x2x128xf32, #tpu.memory_space<hbm>> -> memref<32x2x128xf32, #tpu.memory_space<hbm>>
      %dma_start3A_559 = arith.constant 0 : i32
      %dma_start3A_560 = arith.constant 0 : i32
      %dma_start3A_561 = tpu.memref_slice %arg3[%cond3A_387, %select_n3A_82, %mul3A_119, %dma_start3A_559, %dma_start3A_560] : memref<4x67x64x2x128xf32, #tpu.memory_space<hbm>> -> memref<1x1x32x2x128xf32, #tpu.memory_space<hbm>>
      %dma_start3A_562 = tpu.memref_squeeze %dma_start3A_561 : memref<1x1x32x2x128xf32, #tpu.memory_space<hbm>> -> memref<32x2x128xf32, #tpu.memory_space<hbm>>
      %dma_start3A_563 = arith.constant 0 : i32
      %dma_start3A_564 = arith.constant 0 : i32
      %dma_start3A_565 = arith.constant 0 : i32
      %dma_start3A_566 = tpu.memref_slice %arg5[%dma_start3A_563, %dma_start3A_564, %cond3A_386, %dma_start3A_565] : memref<32x2x4x128xf32, #tpu.memory_space<vmem>> -> memref<32x2x1x128xf32, #tpu.memory_space<vmem>>
      %dma_start3A_567 = tpu.memref_squeeze %dma_start3A_566 : memref<32x2x1x128xf32, #tpu.memory_space<vmem>> -> memref<32x2x128xf32, #tpu.memory_space<vmem>>
      tpu.enqueue_dma source(%dma_start3A_567 : memref<32x2x128xf32, #tpu.memory_space<vmem>>) target(%dma_start3A_562 : memref<32x2x128xf32, #tpu.memory_space<hbm>>) target_semaphore(%arg11 : memref<!tpu.dma_semaphore, #tpu.memory_space<semaphore_mem>>)
      %dma_start3A_568 = arith.constant 0 : i32
      %dma_start3A_569 = arith.constant 0 : i32
      %dma_start3A_570 = arith.constant 0 : i32
      %dma_start3A_571 = tpu.memref_slice %arg5[%dma_start3A_568, %dma_start3A_569, %cond3A_388, %dma_start3A_570] : memref<32x2x4x128xf32, #tpu.memory_space<vmem>> -> memref<32x2x1x128xf32, #tpu.memory_space<vmem>>
      %dma_start3A_572 = tpu.memref_squeeze %dma_start3A_571 : memref<32x2x1x128xf32, #tpu.memory_space<vmem>> -> memref<32x2x128xf32, #tpu.memory_space<vmem>>
      %dma_start3A_573 = arith.constant 0 : i32
      %dma_start3A_574 = arith.constant 0 : i32
      %dma_start3A_575 = tpu.memref_slice %arg3[%cond3A_389, %select_n3A_82, %mul3A_121, %dma_start3A_573, %dma_start3A_574] : memref<4x67x64x2x128xf32, #tpu.memory_space<hbm>> -> memref<1x1x32x2x128xf32, #tpu.memory_space<hbm>>
      %dma_start3A_576 = tpu.memref_squeeze %dma_start3A_575 : memref<1x1x32x2x128xf32, #tpu.memory_space<hbm>> -> memref<32x2x128xf32, #tpu.memory_space<hbm>>
      %dma_start3A_577 = arith.constant 0 : i32
      %dma_start3A_578 = arith.constant 0 : i32
      %dma_start3A_579 = tpu.memref_slice %arg3[%cond3A_389, %select_n3A_82, %mul3A_121, %dma_start3A_577, %dma_start3A_578] : memref<4x67x64x2x128xf32, #tpu.memory_space<hbm>> -> memref<1x1x32x2x128xf32, #tpu.memory_space<hbm>>
      %dma_start3A_580 = tpu.memref_squeeze %dma_start3A_579 : memref<1x1x32x2x128xf32, #tpu.memory_space<hbm>> -> memref<32x2x128xf32, #tpu.memory_space<hbm>>
      %dma_start3A_581 = arith.constant 0 : i32
      %dma_start3A_582 = arith.constant 0 : i32
      %dma_start3A_583 = arith.constant 0 : i32
      %dma_start3A_584 = tpu.memref_slice %arg5[%dma_start3A_581, %dma_start3A_582, %cond3A_388, %dma_start3A_583] : memref<32x2x4x128xf32, #tpu.memory_space<vmem>> -> memref<32x2x1x128xf32, #tpu.memory_space<vmem>>
      %dma_start3A_585 = tpu.memref_squeeze %dma_start3A_584 : memref<32x2x1x128xf32, #tpu.memory_space<vmem>> -> memref<32x2x128xf32, #tpu.memory_space<vmem>>
      tpu.enqueue_dma source(%dma_start3A_585 : memref<32x2x128xf32, #tpu.memory_space<vmem>>) target(%dma_start3A_580 : memref<32x2x128xf32, #tpu.memory_space<hbm>>) target_semaphore(%arg11 : memref<!tpu.dma_semaphore, #tpu.memory_space<semaphore_mem>>)
      %dma_start3A_586 = arith.constant 0 : i32
      %dma_start3A_587 = arith.constant 0 : i32
      %dma_start3A_588 = arith.constant 0 : i32
      %dma_start3A_589 = tpu.memref_slice %arg5[%dma_start3A_586, %dma_start3A_587, %cond3A_390, %dma_start3A_588] : memref<32x2x4x128xf32, #tpu.memory_space<vmem>> -> memref<32x2x1x128xf32, #tpu.memory_space<vmem>>
      %dma_start3A_590 = tpu.memref_squeeze %dma_start3A_589 : memref<32x2x1x128xf32, #tpu.memory_space<vmem>> -> memref<32x2x128xf32, #tpu.memory_space<vmem>>
      %dma_start3A_591 = arith.constant 0 : i32
      %dma_start3A_592 = arith.constant 0 : i32
      %dma_start3A_593 = tpu.memref_slice %arg3[%cond3A_391, %select_n3A_82, %mul3A_123, %dma_start3A_591, %dma_start3A_592] : memref<4x67x64x2x128xf32, #tpu.memory_space<hbm>> -> memref<1x1x32x2x128xf32, #tpu.memory_space<hbm>>
      %dma_start3A_594 = tpu.memref_squeeze %dma_start3A_593 : memref<1x1x32x2x128xf32, #tpu.memory_space<hbm>> -> memref<32x2x128xf32, #tpu.memory_space<hbm>>
      %dma_start3A_595 = arith.constant 0 : i32
      %dma_start3A_596 = arith.constant 0 : i32
      %dma_start3A_597 = tpu.memref_slice %arg3[%cond3A_391, %select_n3A_82, %mul3A_123, %dma_start3A_595, %dma_start3A_596] : memref<4x67x64x2x128xf32, #tpu.memory_space<hbm>> -> memref<1x1x32x2x128xf32, #tpu.memory_space<hbm>>
      %dma_start3A_598 = tpu.memref_squeeze %dma_start3A_597 : memref<1x1x32x2x128xf32, #tpu.memory_space<hbm>> -> memref<32x2x128xf32, #tpu.memory_space<hbm>>
      %dma_start3A_599 = arith.constant 0 : i32
      %dma_start3A_600 = arith.constant 0 : i32
      %dma_start3A_601 = arith.constant 0 : i32
      %dma_start3A_602 = tpu.memref_slice %arg5[%dma_start3A_599, %dma_start3A_600, %cond3A_390, %dma_start3A_601] : memref<32x2x4x128xf32, #tpu.memory_space<vmem>> -> memref<32x2x1x128xf32, #tpu.memory_space<vmem>>
      %dma_start3A_603 = tpu.memref_squeeze %dma_start3A_602 : memref<32x2x1x128xf32, #tpu.memory_space<vmem>> -> memref<32x2x128xf32, #tpu.memory_space<vmem>>
      tpu.enqueue_dma source(%dma_start3A_603 : memref<32x2x128xf32, #tpu.memory_space<vmem>>) target(%dma_start3A_598 : memref<32x2x128xf32, #tpu.memory_space<hbm>>) target_semaphore(%arg11 : memref<!tpu.dma_semaphore, #tpu.memory_space<semaphore_mem>>)
    } else {
    }
    %lt3A_394 = arith.constant 134 : i32
    %lt3A_395 = arith.cmpi slt, %add3A_58, %lt3A_394 : i32
    %convert_element_type3A_396 = arith.extui %lt3A_395 : i1 to i32
    %cond3A_397 = arith.constant 0 : i32
    %cond3A_398 = arith.constant 0 : i32
    %cond3A_399 = arith.constant 1 : i32
    %cond3A_400 = arith.constant 1 : i32
    %cond3A_401 = arith.constant 2 : i32
    %cond3A_402 = arith.constant 2 : i32
    %cond3A_403 = arith.constant 3 : i32
    %cond3A_404 = arith.constant 3 : i32
    %cond3A_405 = arith.constant 0 : i32
    %cond3A_406 = arith.cmpi ne, %convert_element_type3A_396, %cond3A_405 : i32
    scf.if %cond3A_406 {
      %dma_wait3A = arith.constant 0 : i32
      %dma_wait3A_498 = arith.constant 0 : i32
      %dma_wait3A_499 = arith.constant 0 : i32
      %dma_wait3A_500 = tpu.memref_slice %arg5[%dma_wait3A, %dma_wait3A_498, %cond3A_397, %dma_wait3A_499] : memref<32x2x4x128xf32, #tpu.memory_space<vmem>> -> memref<32x2x1x128xf32, #tpu.memory_space<vmem>>
      %dma_wait3A_501 = tpu.memref_squeeze %dma_wait3A_500 : memref<32x2x1x128xf32, #tpu.memory_space<vmem>> -> memref<32x2x128xf32, #tpu.memory_space<vmem>>
      %dma_wait3A_502 = arith.constant 0 : i32
      %dma_wait3A_503 = arith.constant 0 : i32
      %dma_wait3A_504 = tpu.memref_slice %arg3[%cond3A_398, %select_n3A_82, %mul3A_117, %dma_wait3A_502, %dma_wait3A_503] : memref<4x67x64x2x128xf32, #tpu.memory_space<hbm>> -> memref<1x1x32x2x128xf32, #tpu.memory_space<hbm>>
      %dma_wait3A_505 = tpu.memref_squeeze %dma_wait3A_504 : memref<1x1x32x2x128xf32, #tpu.memory_space<hbm>> -> memref<32x2x128xf32, #tpu.memory_space<hbm>>
      %dma_wait3A_506 = arith.constant 0 : i32
      %dma_wait3A_507 = arith.constant 0 : i32
      %dma_wait3A_508 = tpu.memref_slice %arg3[%cond3A_398, %select_n3A_82, %mul3A_117, %dma_wait3A_506, %dma_wait3A_507] : memref<4x67x64x2x128xf32, #tpu.memory_space<hbm>> -> memref<1x1x32x2x128xf32, #tpu.memory_space<hbm>>
      %dma_wait3A_509 = tpu.memref_squeeze %dma_wait3A_508 : memref<1x1x32x2x128xf32, #tpu.memory_space<hbm>> -> memref<32x2x128xf32, #tpu.memory_space<hbm>>
      %dma_wait3A_510 = arith.constant 0 : i32
      %dma_wait3A_511 = arith.constant 0 : i32
      %dma_wait3A_512 = arith.constant 0 : i32
      %dma_wait3A_513 = tpu.memref_slice %arg5[%dma_wait3A_510, %dma_wait3A_511, %cond3A_397, %dma_wait3A_512] : memref<32x2x4x128xf32, #tpu.memory_space<vmem>> -> memref<32x2x1x128xf32, #tpu.memory_space<vmem>>
      %dma_wait3A_514 = tpu.memref_squeeze %dma_wait3A_513 : memref<32x2x1x128xf32, #tpu.memory_space<vmem>> -> memref<32x2x128xf32, #tpu.memory_space<vmem>>
      tpu.wait_dma2 semaphore(%arg11 : memref<!tpu.dma_semaphore, #tpu.memory_space<semaphore_mem>>) src(%dma_wait3A_514 : memref<32x2x128xf32, #tpu.memory_space<vmem>>) dst(%dma_wait3A_509 : memref<32x2x128xf32, #tpu.memory_space<hbm>>)
      %dma_wait3A_515 = arith.constant 0 : i32
      %dma_wait3A_516 = arith.constant 0 : i32
      %dma_wait3A_517 = arith.constant 0 : i32
      %dma_wait3A_518 = tpu.memref_slice %arg5[%dma_wait3A_515, %dma_wait3A_516, %cond3A_399, %dma_wait3A_517] : memref<32x2x4x128xf32, #tpu.memory_space<vmem>> -> memref<32x2x1x128xf32, #tpu.memory_space<vmem>>
      %dma_wait3A_519 = tpu.memref_squeeze %dma_wait3A_518 : memref<32x2x1x128xf32, #tpu.memory_space<vmem>> -> memref<32x2x128xf32, #tpu.memory_space<vmem>>
      %dma_wait3A_520 = arith.constant 0 : i32
      %dma_wait3A_521 = arith.constant 0 : i32
      %dma_wait3A_522 = tpu.memref_slice %arg3[%cond3A_400, %select_n3A_82, %mul3A_119, %dma_wait3A_520, %dma_wait3A_521] : memref<4x67x64x2x128xf32, #tpu.memory_space<hbm>> -> memref<1x1x32x2x128xf32, #tpu.memory_space<hbm>>
      %dma_wait3A_523 = tpu.memref_squeeze %dma_wait3A_522 : memref<1x1x32x2x128xf32, #tpu.memory_space<hbm>> -> memref<32x2x128xf32, #tpu.memory_space<hbm>>
      %dma_wait3A_524 = arith.constant 0 : i32
      %dma_wait3A_525 = arith.constant 0 : i32
      %dma_wait3A_526 = tpu.memref_slice %arg3[%cond3A_400, %select_n3A_82, %mul3A_119, %dma_wait3A_524, %dma_wait3A_525] : memref<4x67x64x2x128xf32, #tpu.memory_space<hbm>> -> memref<1x1x32x2x128xf32, #tpu.memory_space<hbm>>
      %dma_wait3A_527 = tpu.memref_squeeze %dma_wait3A_526 : memref<1x1x32x2x128xf32, #tpu.memory_space<hbm>> -> memref<32x2x128xf32, #tpu.memory_space<hbm>>
      %dma_wait3A_528 = arith.constant 0 : i32
      %dma_wait3A_529 = arith.constant 0 : i32
      %dma_wait3A_530 = arith.constant 0 : i32
      %dma_wait3A_531 = tpu.memref_slice %arg5[%dma_wait3A_528, %dma_wait3A_529, %cond3A_399, %dma_wait3A_530] : memref<32x2x4x128xf32, #tpu.memory_space<vmem>> -> memref<32x2x1x128xf32, #tpu.memory_space<vmem>>
      %dma_wait3A_532 = tpu.memref_squeeze %dma_wait3A_531 : memref<32x2x1x128xf32, #tpu.memory_space<vmem>> -> memref<32x2x128xf32, #tpu.memory_space<vmem>>
      tpu.wait_dma2 semaphore(%arg11 : memref<!tpu.dma_semaphore, #tpu.memory_space<semaphore_mem>>) src(%dma_wait3A_532 : memref<32x2x128xf32, #tpu.memory_space<vmem>>) dst(%dma_wait3A_527 : memref<32x2x128xf32, #tpu.memory_space<hbm>>)
      %dma_wait3A_533 = arith.constant 0 : i32
      %dma_wait3A_534 = arith.constant 0 : i32
      %dma_wait3A_535 = arith.constant 0 : i32
      %dma_wait3A_536 = tpu.memref_slice %arg5[%dma_wait3A_533, %dma_wait3A_534, %cond3A_401, %dma_wait3A_535] : memref<32x2x4x128xf32, #tpu.memory_space<vmem>> -> memref<32x2x1x128xf32, #tpu.memory_space<vmem>>
      %dma_wait3A_537 = tpu.memref_squeeze %dma_wait3A_536 : memref<32x2x1x128xf32, #tpu.memory_space<vmem>> -> memref<32x2x128xf32, #tpu.memory_space<vmem>>
      %dma_wait3A_538 = arith.constant 0 : i32
      %dma_wait3A_539 = arith.constant 0 : i32
      %dma_wait3A_540 = tpu.memref_slice %arg3[%cond3A_402, %select_n3A_82, %mul3A_121, %dma_wait3A_538, %dma_wait3A_539] : memref<4x67x64x2x128xf32, #tpu.memory_space<hbm>> -> memref<1x1x32x2x128xf32, #tpu.memory_space<hbm>>
      %dma_wait3A_541 = tpu.memref_squeeze %dma_wait3A_540 : memref<1x1x32x2x128xf32, #tpu.memory_space<hbm>> -> memref<32x2x128xf32, #tpu.memory_space<hbm>>
      %dma_wait3A_542 = arith.constant 0 : i32
      %dma_wait3A_543 = arith.constant 0 : i32
      %dma_wait3A_544 = tpu.memref_slice %arg3[%cond3A_402, %select_n3A_82, %mul3A_121, %dma_wait3A_542, %dma_wait3A_543] : memref<4x67x64x2x128xf32, #tpu.memory_space<hbm>> -> memref<1x1x32x2x128xf32, #tpu.memory_space<hbm>>
      %dma_wait3A_545 = tpu.memref_squeeze %dma_wait3A_544 : memref<1x1x32x2x128xf32, #tpu.memory_space<hbm>> -> memref<32x2x128xf32, #tpu.memory_space<hbm>>
      %dma_wait3A_546 = arith.constant 0 : i32
      %dma_wait3A_547 = arith.constant 0 : i32
      %dma_wait3A_548 = arith.constant 0 : i32
      %dma_wait3A_549 = tpu.memref_slice %arg5[%dma_wait3A_546, %dma_wait3A_547, %cond3A_401, %dma_wait3A_548] : memref<32x2x4x128xf32, #tpu.memory_space<vmem>> -> memref<32x2x1x128xf32, #tpu.memory_space<vmem>>
      %dma_wait3A_550 = tpu.memref_squeeze %dma_wait3A_549 : memref<32x2x1x128xf32, #tpu.memory_space<vmem>> -> memref<32x2x128xf32, #tpu.memory_space<vmem>>
      tpu.wait_dma2 semaphore(%arg11 : memref<!tpu.dma_semaphore, #tpu.memory_space<semaphore_mem>>) src(%dma_wait3A_550 : memref<32x2x128xf32, #tpu.memory_space<vmem>>) dst(%dma_wait3A_545 : memref<32x2x128xf32, #tpu.memory_space<hbm>>)
      %dma_wait3A_551 = arith.constant 0 : i32
      %dma_wait3A_552 = arith.constant 0 : i32
      %dma_wait3A_553 = arith.constant 0 : i32
      %dma_wait3A_554 = tpu.memref_slice %arg5[%dma_wait3A_551, %dma_wait3A_552, %cond3A_403, %dma_wait3A_553] : memref<32x2x4x128xf32, #tpu.memory_space<vmem>> -> memref<32x2x1x128xf32, #tpu.memory_space<vmem>>
      %dma_wait3A_555 = tpu.memref_squeeze %dma_wait3A_554 : memref<32x2x1x128xf32, #tpu.memory_space<vmem>> -> memref<32x2x128xf32, #tpu.memory_space<vmem>>
      %dma_wait3A_556 = arith.constant 0 : i32
      %dma_wait3A_557 = arith.constant 0 : i32
      %dma_wait3A_558 = tpu.memref_slice %arg3[%cond3A_404, %select_n3A_82, %mul3A_123, %dma_wait3A_556, %dma_wait3A_557] : memref<4x67x64x2x128xf32, #tpu.memory_space<hbm>> -> memref<1x1x32x2x128xf32, #tpu.memory_space<hbm>>
      %dma_wait3A_559 = tpu.memref_squeeze %dma_wait3A_558 : memref<1x1x32x2x128xf32, #tpu.memory_space<hbm>> -> memref<32x2x128xf32, #tpu.memory_space<hbm>>
      %dma_wait3A_560 = arith.constant 0 : i32
      %dma_wait3A_561 = arith.constant 0 : i32
      %dma_wait3A_562 = tpu.memref_slice %arg3[%cond3A_404, %select_n3A_82, %mul3A_123, %dma_wait3A_560, %dma_wait3A_561] : memref<4x67x64x2x128xf32, #tpu.memory_space<hbm>> -> memref<1x1x32x2x128xf32, #tpu.memory_space<hbm>>
      %dma_wait3A_563 = tpu.memref_squeeze %dma_wait3A_562 : memref<1x1x32x2x128xf32, #tpu.memory_space<hbm>> -> memref<32x2x128xf32, #tpu.memory_space<hbm>>
      %dma_wait3A_564 = arith.constant 0 : i32
      %dma_wait3A_565 = arith.constant 0 : i32
      %dma_wait3A_566 = arith.constant 0 : i32
      %dma_wait3A_567 = tpu.memref_slice %arg5[%dma_wait3A_564, %dma_wait3A_565, %cond3A_403, %dma_wait3A_566] : memref<32x2x4x128xf32, #tpu.memory_space<vmem>> -> memref<32x2x1x128xf32, #tpu.memory_space<vmem>>
      %dma_wait3A_568 = tpu.memref_squeeze %dma_wait3A_567 : memref<32x2x1x128xf32, #tpu.memory_space<vmem>> -> memref<32x2x128xf32, #tpu.memory_space<vmem>>
      tpu.wait_dma2 semaphore(%arg11 : memref<!tpu.dma_semaphore, #tpu.memory_space<semaphore_mem>>) src(%dma_wait3A_568 : memref<32x2x128xf32, #tpu.memory_space<vmem>>) dst(%dma_wait3A_563 : memref<32x2x128xf32, #tpu.memory_space<hbm>>)
    } else {
    }
    %lt3A_407 = arith.constant 134 : i32
    %lt3A_408 = arith.cmpi slt, %add3A_259, %lt3A_407 : i32
    %convert_element_type3A_409 = arith.extui %lt3A_408 : i1 to i32
    %cond3A_410 = arith.constant 0 : i32
    %cond3A_411 = arith.constant 1 : i32
    %cond3A_412 = arith.constant 0 : i32
    %cond3A_413 = arith.cmpi ne, %convert_element_type3A_409, %cond3A_412 : i32
    scf.if %cond3A_413 {
      %dma_start3A = arith.constant 0 : i32
      %dma_start3A_498 = arith.constant 0 : i32
      %dma_start3A_499 = arith.constant 0 : i32
      %dma_start3A_500 = tpu.memref_slice %arg5[%dma_start3A, %cond3A_410, %dma_start3A_498, %dma_start3A_499] : memref<32x2x4x128xf32, #tpu.memory_space<vmem>> -> memref<32x1x4x128xf32, #tpu.memory_space<vmem>>
      %dma_start3A_501 = tpu.memref_squeeze %dma_start3A_500 : memref<32x1x4x128xf32, #tpu.memory_space<vmem>> -> memref<32x4x128xf32, #tpu.memory_space<vmem>>
      %dma_start3A_502 = arith.constant 0 : i32
      %dma_start3A_503 = arith.constant 0 : i32
      %dma_start3A_504 = tpu.memref_slice %arg2[%add3A_308, %mul3A_310, %dma_start3A_502, %dma_start3A_503] : memref<411x64x4x128xf32, #tpu.memory_space<hbm>> -> memref<1x32x4x128xf32, #tpu.memory_space<hbm>>
      %dma_start3A_505 = tpu.memref_squeeze %dma_start3A_504 : memref<1x32x4x128xf32, #tpu.memory_space<hbm>> -> memref<32x4x128xf32, #tpu.memory_space<hbm>>
      %dma_start3A_506 = arith.constant 0 : i32
      %dma_start3A_507 = arith.constant 0 : i32
      %dma_start3A_508 = arith.constant 0 : i32
      %dma_start3A_509 = tpu.memref_slice %arg5[%dma_start3A_506, %cond3A_410, %dma_start3A_507, %dma_start3A_508] : memref<32x2x4x128xf32, #tpu.memory_space<vmem>> -> memref<32x1x4x128xf32, #tpu.memory_space<vmem>>
      %dma_start3A_510 = tpu.memref_squeeze %dma_start3A_509 : memref<32x1x4x128xf32, #tpu.memory_space<vmem>> -> memref<32x4x128xf32, #tpu.memory_space<vmem>>
      %dma_start3A_511 = arith.constant 0 : i32
      %dma_start3A_512 = arith.constant 0 : i32
      %dma_start3A_513 = tpu.memref_slice %arg2[%add3A_308, %mul3A_310, %dma_start3A_511, %dma_start3A_512] : memref<411x64x4x128xf32, #tpu.memory_space<hbm>> -> memref<1x32x4x128xf32, #tpu.memory_space<hbm>>
      %dma_start3A_514 = tpu.memref_squeeze %dma_start3A_513 : memref<1x32x4x128xf32, #tpu.memory_space<hbm>> -> memref<32x4x128xf32, #tpu.memory_space<hbm>>
      tpu.enqueue_dma source(%dma_start3A_514 : memref<32x4x128xf32, #tpu.memory_space<hbm>>) target(%dma_start3A_510 : memref<32x4x128xf32, #tpu.memory_space<vmem>>) target_semaphore(%arg8 : memref<!tpu.dma_semaphore, #tpu.memory_space<semaphore_mem>>)
      %dma_start3A_515 = arith.constant 0 : i32
      %dma_start3A_516 = arith.constant 0 : i32
      %dma_start3A_517 = arith.constant 0 : i32
      %dma_start3A_518 = tpu.memref_slice %arg5[%dma_start3A_515, %cond3A_411, %dma_start3A_516, %dma_start3A_517] : memref<32x2x4x128xf32, #tpu.memory_space<vmem>> -> memref<32x1x4x128xf32, #tpu.memory_space<vmem>>
      %dma_start3A_519 = tpu.memref_squeeze %dma_start3A_518 : memref<32x1x4x128xf32, #tpu.memory_space<vmem>> -> memref<32x4x128xf32, #tpu.memory_space<vmem>>
      %dma_start3A_520 = arith.constant 0 : i32
      %dma_start3A_521 = arith.constant 0 : i32
      %dma_start3A_522 = tpu.memref_slice %arg2[%add3A_314, %mul3A_316, %dma_start3A_520, %dma_start3A_521] : memref<411x64x4x128xf32, #tpu.memory_space<hbm>> -> memref<1x32x4x128xf32, #tpu.memory_space<hbm>>
      %dma_start3A_523 = tpu.memref_squeeze %dma_start3A_522 : memref<1x32x4x128xf32, #tpu.memory_space<hbm>> -> memref<32x4x128xf32, #tpu.memory_space<hbm>>
      %dma_start3A_524 = arith.constant 0 : i32
      %dma_start3A_525 = arith.constant 0 : i32
      %dma_start3A_526 = arith.constant 0 : i32
      %dma_start3A_527 = tpu.memref_slice %arg5[%dma_start3A_524, %cond3A_411, %dma_start3A_525, %dma_start3A_526] : memref<32x2x4x128xf32, #tpu.memory_space<vmem>> -> memref<32x1x4x128xf32, #tpu.memory_space<vmem>>
      %dma_start3A_528 = tpu.memref_squeeze %dma_start3A_527 : memref<32x1x4x128xf32, #tpu.memory_space<vmem>> -> memref<32x4x128xf32, #tpu.memory_space<vmem>>
      %dma_start3A_529 = arith.constant 0 : i32
      %dma_start3A_530 = arith.constant 0 : i32
      %dma_start3A_531 = tpu.memref_slice %arg2[%add3A_314, %mul3A_316, %dma_start3A_529, %dma_start3A_530] : memref<411x64x4x128xf32, #tpu.memory_space<hbm>> -> memref<1x32x4x128xf32, #tpu.memory_space<hbm>>
      %dma_start3A_532 = tpu.memref_squeeze %dma_start3A_531 : memref<1x32x4x128xf32, #tpu.memory_space<hbm>> -> memref<32x4x128xf32, #tpu.memory_space<hbm>>
      tpu.enqueue_dma source(%dma_start3A_532 : memref<32x4x128xf32, #tpu.memory_space<hbm>>) target(%dma_start3A_528 : memref<32x4x128xf32, #tpu.memory_space<vmem>>) target_semaphore(%arg8 : memref<!tpu.dma_semaphore, #tpu.memory_space<semaphore_mem>>)
    } else {
    }
    %lt3A_414 = arith.constant 134 : i32
    %lt3A_415 = arith.cmpi slt, %add3A_125, %lt3A_414 : i32
    %convert_element_type3A_416 = arith.extui %lt3A_415 : i1 to i32
    %cond3A_417 = arith.constant 0 : i32
    %cond3A_418 = arith.constant 1 : i32
    %cond3A_419 = arith.constant 0 : i32
    %cond3A_420 = arith.constant 0 : i32
    %cond3A_421 = arith.constant 1 : i32
    %cond3A_422 = arith.constant 1 : i32
    %cond3A_423 = arith.constant 2 : i32
    %cond3A_424 = arith.constant 2 : i32
    %cond3A_425 = arith.constant 3 : i32
    %cond3A_426 = arith.constant 3 : i32
    %cond3A_427 = arith.constant 0 : i32
    %cond3A_428 = arith.cmpi ne, %convert_element_type3A_416, %cond3A_427 : i32
    scf.if %cond3A_428 {
      %dma_wait3A = arith.constant 0 : i32
      %dma_wait3A_498 = arith.constant 0 : i32
      %dma_wait3A_499 = arith.constant 0 : i32
      %dma_wait3A_500 = tpu.memref_slice %arg6[%dma_wait3A, %cond3A_417, %dma_wait3A_498, %dma_wait3A_499] : memref<32x2x4x128xf32, #tpu.memory_space<vmem>> -> memref<32x1x4x128xf32, #tpu.memory_space<vmem>>
      %dma_wait3A_501 = tpu.memref_squeeze %dma_wait3A_500 : memref<32x1x4x128xf32, #tpu.memory_space<vmem>> -> memref<32x4x128xf32, #tpu.memory_space<vmem>>
      %dma_wait3A_502 = arith.constant 0 : i32
      %dma_wait3A_503 = arith.constant 0 : i32
      %dma_wait3A_504 = tpu.memref_slice %arg2[%add3A_174, %mul3A_176, %dma_wait3A_502, %dma_wait3A_503] : memref<411x64x4x128xf32, #tpu.memory_space<hbm>> -> memref<1x32x4x128xf32, #tpu.memory_space<hbm>>
      %dma_wait3A_505 = tpu.memref_squeeze %dma_wait3A_504 : memref<1x32x4x128xf32, #tpu.memory_space<hbm>> -> memref<32x4x128xf32, #tpu.memory_space<hbm>>
      %dma_wait3A_506 = arith.constant 0 : i32
      %dma_wait3A_507 = arith.constant 0 : i32
      %dma_wait3A_508 = arith.constant 0 : i32
      %dma_wait3A_509 = tpu.memref_slice %arg6[%dma_wait3A_506, %cond3A_417, %dma_wait3A_507, %dma_wait3A_508] : memref<32x2x4x128xf32, #tpu.memory_space<vmem>> -> memref<32x1x4x128xf32, #tpu.memory_space<vmem>>
      %dma_wait3A_510 = tpu.memref_squeeze %dma_wait3A_509 : memref<32x1x4x128xf32, #tpu.memory_space<vmem>> -> memref<32x4x128xf32, #tpu.memory_space<vmem>>
      %dma_wait3A_511 = arith.constant 0 : i32
      %dma_wait3A_512 = arith.constant 0 : i32
      %dma_wait3A_513 = tpu.memref_slice %arg2[%add3A_174, %mul3A_176, %dma_wait3A_511, %dma_wait3A_512] : memref<411x64x4x128xf32, #tpu.memory_space<hbm>> -> memref<1x32x4x128xf32, #tpu.memory_space<hbm>>
      %dma_wait3A_514 = tpu.memref_squeeze %dma_wait3A_513 : memref<1x32x4x128xf32, #tpu.memory_space<hbm>> -> memref<32x4x128xf32, #tpu.memory_space<hbm>>
      tpu.wait_dma2 semaphore(%arg9 : memref<!tpu.dma_semaphore, #tpu.memory_space<semaphore_mem>>) src(%dma_wait3A_514 : memref<32x4x128xf32, #tpu.memory_space<hbm>>) dst(%dma_wait3A_510 : memref<32x4x128xf32, #tpu.memory_space<vmem>>)
      %dma_wait3A_515 = arith.constant 0 : i32
      %dma_wait3A_516 = arith.constant 0 : i32
      %dma_wait3A_517 = arith.constant 0 : i32
      %dma_wait3A_518 = tpu.memref_slice %arg6[%dma_wait3A_515, %cond3A_418, %dma_wait3A_516, %dma_wait3A_517] : memref<32x2x4x128xf32, #tpu.memory_space<vmem>> -> memref<32x1x4x128xf32, #tpu.memory_space<vmem>>
      %dma_wait3A_519 = tpu.memref_squeeze %dma_wait3A_518 : memref<32x1x4x128xf32, #tpu.memory_space<vmem>> -> memref<32x4x128xf32, #tpu.memory_space<vmem>>
      %dma_wait3A_520 = arith.constant 0 : i32
      %dma_wait3A_521 = arith.constant 0 : i32
      %dma_wait3A_522 = tpu.memref_slice %arg2[%add3A_180, %mul3A_182, %dma_wait3A_520, %dma_wait3A_521] : memref<411x64x4x128xf32, #tpu.memory_space<hbm>> -> memref<1x32x4x128xf32, #tpu.memory_space<hbm>>
      %dma_wait3A_523 = tpu.memref_squeeze %dma_wait3A_522 : memref<1x32x4x128xf32, #tpu.memory_space<hbm>> -> memref<32x4x128xf32, #tpu.memory_space<hbm>>
      %dma_wait3A_524 = arith.constant 0 : i32
      %dma_wait3A_525 = arith.constant 0 : i32
      %dma_wait3A_526 = arith.constant 0 : i32
      %dma_wait3A_527 = tpu.memref_slice %arg6[%dma_wait3A_524, %cond3A_418, %dma_wait3A_525, %dma_wait3A_526] : memref<32x2x4x128xf32, #tpu.memory_space<vmem>> -> memref<32x1x4x128xf32, #tpu.memory_space<vmem>>
      %dma_wait3A_528 = tpu.memref_squeeze %dma_wait3A_527 : memref<32x1x4x128xf32, #tpu.memory_space<vmem>> -> memref<32x4x128xf32, #tpu.memory_space<vmem>>
      %dma_wait3A_529 = arith.constant 0 : i32
      %dma_wait3A_530 = arith.constant 0 : i32
      %dma_wait3A_531 = tpu.memref_slice %arg2[%add3A_180, %mul3A_182, %dma_wait3A_529, %dma_wait3A_530] : memref<411x64x4x128xf32, #tpu.memory_space<hbm>> -> memref<1x32x4x128xf32, #tpu.memory_space<hbm>>
      %dma_wait3A_532 = tpu.memref_squeeze %dma_wait3A_531 : memref<1x32x4x128xf32, #tpu.memory_space<hbm>> -> memref<32x4x128xf32, #tpu.memory_space<hbm>>
      tpu.wait_dma2 semaphore(%arg9 : memref<!tpu.dma_semaphore, #tpu.memory_space<semaphore_mem>>) src(%dma_wait3A_532 : memref<32x4x128xf32, #tpu.memory_space<hbm>>) dst(%dma_wait3A_528 : memref<32x4x128xf32, #tpu.memory_space<vmem>>)
      %dma_start3A = arith.constant 0 : i32
      %dma_start3A_533 = arith.constant 0 : i32
      %dma_start3A_534 = arith.constant 0 : i32
      %dma_start3A_535 = tpu.memref_slice %arg6[%dma_start3A, %dma_start3A_533, %cond3A_419, %dma_start3A_534] : memref<32x2x4x128xf32, #tpu.memory_space<vmem>> -> memref<32x2x1x128xf32, #tpu.memory_space<vmem>>
      %dma_start3A_536 = tpu.memref_squeeze %dma_start3A_535 : memref<32x2x1x128xf32, #tpu.memory_space<vmem>> -> memref<32x2x128xf32, #tpu.memory_space<vmem>>
      %dma_start3A_537 = arith.constant 0 : i32
      %dma_start3A_538 = arith.constant 0 : i32
      %dma_start3A_539 = tpu.memref_slice %arg3[%cond3A_420, %select_n3A_149, %mul3A_184, %dma_start3A_537, %dma_start3A_538] : memref<4x67x64x2x128xf32, #tpu.memory_space<hbm>> -> memref<1x1x32x2x128xf32, #tpu.memory_space<hbm>>
      %dma_start3A_540 = tpu.memref_squeeze %dma_start3A_539 : memref<1x1x32x2x128xf32, #tpu.memory_space<hbm>> -> memref<32x2x128xf32, #tpu.memory_space<hbm>>
      %dma_start3A_541 = arith.constant 0 : i32
      %dma_start3A_542 = arith.constant 0 : i32
      %dma_start3A_543 = tpu.memref_slice %arg3[%cond3A_420, %select_n3A_149, %mul3A_184, %dma_start3A_541, %dma_start3A_542] : memref<4x67x64x2x128xf32, #tpu.memory_space<hbm>> -> memref<1x1x32x2x128xf32, #tpu.memory_space<hbm>>
      %dma_start3A_544 = tpu.memref_squeeze %dma_start3A_543 : memref<1x1x32x2x128xf32, #tpu.memory_space<hbm>> -> memref<32x2x128xf32, #tpu.memory_space<hbm>>
      %dma_start3A_545 = arith.constant 0 : i32
      %dma_start3A_546 = arith.constant 0 : i32
      %dma_start3A_547 = arith.constant 0 : i32
      %dma_start3A_548 = tpu.memref_slice %arg6[%dma_start3A_545, %dma_start3A_546, %cond3A_419, %dma_start3A_547] : memref<32x2x4x128xf32, #tpu.memory_space<vmem>> -> memref<32x2x1x128xf32, #tpu.memory_space<vmem>>
      %dma_start3A_549 = tpu.memref_squeeze %dma_start3A_548 : memref<32x2x1x128xf32, #tpu.memory_space<vmem>> -> memref<32x2x128xf32, #tpu.memory_space<vmem>>
      tpu.enqueue_dma source(%dma_start3A_549 : memref<32x2x128xf32, #tpu.memory_space<vmem>>) target(%dma_start3A_544 : memref<32x2x128xf32, #tpu.memory_space<hbm>>) target_semaphore(%arg12 : memref<!tpu.dma_semaphore, #tpu.memory_space<semaphore_mem>>)
      %dma_start3A_550 = arith.constant 0 : i32
      %dma_start3A_551 = arith.constant 0 : i32
      %dma_start3A_552 = arith.constant 0 : i32
      %dma_start3A_553 = tpu.memref_slice %arg6[%dma_start3A_550, %dma_start3A_551, %cond3A_421, %dma_start3A_552] : memref<32x2x4x128xf32, #tpu.memory_space<vmem>> -> memref<32x2x1x128xf32, #tpu.memory_space<vmem>>
      %dma_start3A_554 = tpu.memref_squeeze %dma_start3A_553 : memref<32x2x1x128xf32, #tpu.memory_space<vmem>> -> memref<32x2x128xf32, #tpu.memory_space<vmem>>
      %dma_start3A_555 = arith.constant 0 : i32
      %dma_start3A_556 = arith.constant 0 : i32
      %dma_start3A_557 = tpu.memref_slice %arg3[%cond3A_422, %select_n3A_149, %mul3A_186, %dma_start3A_555, %dma_start3A_556] : memref<4x67x64x2x128xf32, #tpu.memory_space<hbm>> -> memref<1x1x32x2x128xf32, #tpu.memory_space<hbm>>
      %dma_start3A_558 = tpu.memref_squeeze %dma_start3A_557 : memref<1x1x32x2x128xf32, #tpu.memory_space<hbm>> -> memref<32x2x128xf32, #tpu.memory_space<hbm>>
      %dma_start3A_559 = arith.constant 0 : i32
      %dma_start3A_560 = arith.constant 0 : i32
      %dma_start3A_561 = tpu.memref_slice %arg3[%cond3A_422, %select_n3A_149, %mul3A_186, %dma_start3A_559, %dma_start3A_560] : memref<4x67x64x2x128xf32, #tpu.memory_space<hbm>> -> memref<1x1x32x2x128xf32, #tpu.memory_space<hbm>>
      %dma_start3A_562 = tpu.memref_squeeze %dma_start3A_561 : memref<1x1x32x2x128xf32, #tpu.memory_space<hbm>> -> memref<32x2x128xf32, #tpu.memory_space<hbm>>
      %dma_start3A_563 = arith.constant 0 : i32
      %dma_start3A_564 = arith.constant 0 : i32
      %dma_start3A_565 = arith.constant 0 : i32
      %dma_start3A_566 = tpu.memref_slice %arg6[%dma_start3A_563, %dma_start3A_564, %cond3A_421, %dma_start3A_565] : memref<32x2x4x128xf32, #tpu.memory_space<vmem>> -> memref<32x2x1x128xf32, #tpu.memory_space<vmem>>
      %dma_start3A_567 = tpu.memref_squeeze %dma_start3A_566 : memref<32x2x1x128xf32, #tpu.memory_space<vmem>> -> memref<32x2x128xf32, #tpu.memory_space<vmem>>
      tpu.enqueue_dma source(%dma_start3A_567 : memref<32x2x128xf32, #tpu.memory_space<vmem>>) target(%dma_start3A_562 : memref<32x2x128xf32, #tpu.memory_space<hbm>>) target_semaphore(%arg12 : memref<!tpu.dma_semaphore, #tpu.memory_space<semaphore_mem>>)
      %dma_start3A_568 = arith.constant 0 : i32
      %dma_start3A_569 = arith.constant 0 : i32
      %dma_start3A_570 = arith.constant 0 : i32
      %dma_start3A_571 = tpu.memref_slice %arg6[%dma_start3A_568, %dma_start3A_569, %cond3A_423, %dma_start3A_570] : memref<32x2x4x128xf32, #tpu.memory_space<vmem>> -> memref<32x2x1x128xf32, #tpu.memory_space<vmem>>
      %dma_start3A_572 = tpu.memref_squeeze %dma_start3A_571 : memref<32x2x1x128xf32, #tpu.memory_space<vmem>> -> memref<32x2x128xf32, #tpu.memory_space<vmem>>
      %dma_start3A_573 = arith.constant 0 : i32
      %dma_start3A_574 = arith.constant 0 : i32
      %dma_start3A_575 = tpu.memref_slice %arg3[%cond3A_424, %select_n3A_149, %mul3A_188, %dma_start3A_573, %dma_start3A_574] : memref<4x67x64x2x128xf32, #tpu.memory_space<hbm>> -> memref<1x1x32x2x128xf32, #tpu.memory_space<hbm>>
      %dma_start3A_576 = tpu.memref_squeeze %dma_start3A_575 : memref<1x1x32x2x128xf32, #tpu.memory_space<hbm>> -> memref<32x2x128xf32, #tpu.memory_space<hbm>>
      %dma_start3A_577 = arith.constant 0 : i32
      %dma_start3A_578 = arith.constant 0 : i32
      %dma_start3A_579 = tpu.memref_slice %arg3[%cond3A_424, %select_n3A_149, %mul3A_188, %dma_start3A_577, %dma_start3A_578] : memref<4x67x64x2x128xf32, #tpu.memory_space<hbm>> -> memref<1x1x32x2x128xf32, #tpu.memory_space<hbm>>
      %dma_start3A_580 = tpu.memref_squeeze %dma_start3A_579 : memref<1x1x32x2x128xf32, #tpu.memory_space<hbm>> -> memref<32x2x128xf32, #tpu.memory_space<hbm>>
      %dma_start3A_581 = arith.constant 0 : i32
      %dma_start3A_582 = arith.constant 0 : i32
      %dma_start3A_583 = arith.constant 0 : i32
      %dma_start3A_584 = tpu.memref_slice %arg6[%dma_start3A_581, %dma_start3A_582, %cond3A_423, %dma_start3A_583] : memref<32x2x4x128xf32, #tpu.memory_space<vmem>> -> memref<32x2x1x128xf32, #tpu.memory_space<vmem>>
      %dma_start3A_585 = tpu.memref_squeeze %dma_start3A_584 : memref<32x2x1x128xf32, #tpu.memory_space<vmem>> -> memref<32x2x128xf32, #tpu.memory_space<vmem>>
      tpu.enqueue_dma source(%dma_start3A_585 : memref<32x2x128xf32, #tpu.memory_space<vmem>>) target(%dma_start3A_580 : memref<32x2x128xf32, #tpu.memory_space<hbm>>) target_semaphore(%arg12 : memref<!tpu.dma_semaphore, #tpu.memory_space<semaphore_mem>>)
      %dma_start3A_586 = arith.constant 0 : i32
      %dma_start3A_587 = arith.constant 0 : i32
      %dma_start3A_588 = arith.constant 0 : i32
      %dma_start3A_589 = tpu.memref_slice %arg6[%dma_start3A_586, %dma_start3A_587, %cond3A_425, %dma_start3A_588] : memref<32x2x4x128xf32, #tpu.memory_space<vmem>> -> memref<32x2x1x128xf32, #tpu.memory_space<vmem>>
      %dma_start3A_590 = tpu.memref_squeeze %dma_start3A_589 : memref<32x2x1x128xf32, #tpu.memory_space<vmem>> -> memref<32x2x128xf32, #tpu.memory_space<vmem>>
      %dma_start3A_591 = arith.constant 0 : i32
      %dma_start3A_592 = arith.constant 0 : i32
      %dma_start3A_593 = tpu.memref_slice %arg3[%cond3A_426, %select_n3A_149, %mul3A_190, %dma_start3A_591, %dma_start3A_592] : memref<4x67x64x2x128xf32, #tpu.memory_space<hbm>> -> memref<1x1x32x2x128xf32, #tpu.memory_space<hbm>>
      %dma_start3A_594 = tpu.memref_squeeze %dma_start3A_593 : memref<1x1x32x2x128xf32, #tpu.memory_space<hbm>> -> memref<32x2x128xf32, #tpu.memory_space<hbm>>
      %dma_start3A_595 = arith.constant 0 : i32
      %dma_start3A_596 = arith.constant 0 : i32
      %dma_start3A_597 = tpu.memref_slice %arg3[%cond3A_426, %select_n3A_149, %mul3A_190, %dma_start3A_595, %dma_start3A_596] : memref<4x67x64x2x128xf32, #tpu.memory_space<hbm>> -> memref<1x1x32x2x128xf32, #tpu.memory_space<hbm>>
      %dma_start3A_598 = tpu.memref_squeeze %dma_start3A_597 : memref<1x1x32x2x128xf32, #tpu.memory_space<hbm>> -> memref<32x2x128xf32, #tpu.memory_space<hbm>>
      %dma_start3A_599 = arith.constant 0 : i32
      %dma_start3A_600 = arith.constant 0 : i32
      %dma_start3A_601 = arith.constant 0 : i32
      %dma_start3A_602 = tpu.memref_slice %arg6[%dma_start3A_599, %dma_start3A_600, %cond3A_425, %dma_start3A_601] : memref<32x2x4x128xf32, #tpu.memory_space<vmem>> -> memref<32x2x1x128xf32, #tpu.memory_space<vmem>>
      %dma_start3A_603 = tpu.memref_squeeze %dma_start3A_602 : memref<32x2x1x128xf32, #tpu.memory_space<vmem>> -> memref<32x2x128xf32, #tpu.memory_space<vmem>>
      tpu.enqueue_dma source(%dma_start3A_603 : memref<32x2x128xf32, #tpu.memory_space<vmem>>) target(%dma_start3A_598 : memref<32x2x128xf32, #tpu.memory_space<hbm>>) target_semaphore(%arg12 : memref<!tpu.dma_semaphore, #tpu.memory_space<semaphore_mem>>)
    } else {
    }
    %lt3A_429 = arith.constant 134 : i32
    %lt3A_430 = arith.cmpi slt, %add3A_192, %lt3A_429 : i32
    %convert_element_type3A_431 = arith.extui %lt3A_430 : i1 to i32
    %cond3A_432 = arith.constant 0 : i32
    %cond3A_433 = arith.constant 1 : i32
    %cond3A_434 = arith.constant 0 : i32
    %cond3A_435 = arith.constant 0 : i32
    %cond3A_436 = arith.constant 1 : i32
    %cond3A_437 = arith.constant 1 : i32
    %cond3A_438 = arith.constant 2 : i32
    %cond3A_439 = arith.constant 2 : i32
    %cond3A_440 = arith.constant 3 : i32
    %cond3A_441 = arith.constant 3 : i32
    %cond3A_442 = arith.constant 0 : i32
    %cond3A_443 = arith.cmpi ne, %convert_element_type3A_431, %cond3A_442 : i32
    scf.if %cond3A_443 {
      %dma_wait3A = arith.constant 0 : i32
      %dma_wait3A_498 = arith.constant 0 : i32
      %dma_wait3A_499 = arith.constant 0 : i32
      %dma_wait3A_500 = tpu.memref_slice %arg4[%dma_wait3A, %cond3A_432, %dma_wait3A_498, %dma_wait3A_499] : memref<32x2x4x128xf32, #tpu.memory_space<vmem>> -> memref<32x1x4x128xf32, #tpu.memory_space<vmem>>
      %dma_wait3A_501 = tpu.memref_squeeze %dma_wait3A_500 : memref<32x1x4x128xf32, #tpu.memory_space<vmem>> -> memref<32x4x128xf32, #tpu.memory_space<vmem>>
      %dma_wait3A_502 = arith.constant 0 : i32
      %dma_wait3A_503 = arith.constant 0 : i32
      %dma_wait3A_504 = tpu.memref_slice %arg2[%add3A_241, %mul3A_243, %dma_wait3A_502, %dma_wait3A_503] : memref<411x64x4x128xf32, #tpu.memory_space<hbm>> -> memref<1x32x4x128xf32, #tpu.memory_space<hbm>>
      %dma_wait3A_505 = tpu.memref_squeeze %dma_wait3A_504 : memref<1x32x4x128xf32, #tpu.memory_space<hbm>> -> memref<32x4x128xf32, #tpu.memory_space<hbm>>
      %dma_wait3A_506 = arith.constant 0 : i32
      %dma_wait3A_507 = arith.constant 0 : i32
      %dma_wait3A_508 = arith.constant 0 : i32
      %dma_wait3A_509 = tpu.memref_slice %arg4[%dma_wait3A_506, %cond3A_432, %dma_wait3A_507, %dma_wait3A_508] : memref<32x2x4x128xf32, #tpu.memory_space<vmem>> -> memref<32x1x4x128xf32, #tpu.memory_space<vmem>>
      %dma_wait3A_510 = tpu.memref_squeeze %dma_wait3A_509 : memref<32x1x4x128xf32, #tpu.memory_space<vmem>> -> memref<32x4x128xf32, #tpu.memory_space<vmem>>
      %dma_wait3A_511 = arith.constant 0 : i32
      %dma_wait3A_512 = arith.constant 0 : i32
      %dma_wait3A_513 = tpu.memref_slice %arg2[%add3A_241, %mul3A_243, %dma_wait3A_511, %dma_wait3A_512] : memref<411x64x4x128xf32, #tpu.memory_space<hbm>> -> memref<1x32x4x128xf32, #tpu.memory_space<hbm>>
      %dma_wait3A_514 = tpu.memref_squeeze %dma_wait3A_513 : memref<1x32x4x128xf32, #tpu.memory_space<hbm>> -> memref<32x4x128xf32, #tpu.memory_space<hbm>>
      tpu.wait_dma2 semaphore(%arg7 : memref<!tpu.dma_semaphore, #tpu.memory_space<semaphore_mem>>) src(%dma_wait3A_514 : memref<32x4x128xf32, #tpu.memory_space<hbm>>) dst(%dma_wait3A_510 : memref<32x4x128xf32, #tpu.memory_space<vmem>>)
      %dma_wait3A_515 = arith.constant 0 : i32
      %dma_wait3A_516 = arith.constant 0 : i32
      %dma_wait3A_517 = arith.constant 0 : i32
      %dma_wait3A_518 = tpu.memref_slice %arg4[%dma_wait3A_515, %cond3A_433, %dma_wait3A_516, %dma_wait3A_517] : memref<32x2x4x128xf32, #tpu.memory_space<vmem>> -> memref<32x1x4x128xf32, #tpu.memory_space<vmem>>
      %dma_wait3A_519 = tpu.memref_squeeze %dma_wait3A_518 : memref<32x1x4x128xf32, #tpu.memory_space<vmem>> -> memref<32x4x128xf32, #tpu.memory_space<vmem>>
      %dma_wait3A_520 = arith.constant 0 : i32
      %dma_wait3A_521 = arith.constant 0 : i32
      %dma_wait3A_522 = tpu.memref_slice %arg2[%add3A_247, %mul3A_249, %dma_wait3A_520, %dma_wait3A_521] : memref<411x64x4x128xf32, #tpu.memory_space<hbm>> -> memref<1x32x4x128xf32, #tpu.memory_space<hbm>>
      %dma_wait3A_523 = tpu.memref_squeeze %dma_wait3A_522 : memref<1x32x4x128xf32, #tpu.memory_space<hbm>> -> memref<32x4x128xf32, #tpu.memory_space<hbm>>
      %dma_wait3A_524 = arith.constant 0 : i32
      %dma_wait3A_525 = arith.constant 0 : i32
      %dma_wait3A_526 = arith.constant 0 : i32
      %dma_wait3A_527 = tpu.memref_slice %arg4[%dma_wait3A_524, %cond3A_433, %dma_wait3A_525, %dma_wait3A_526] : memref<32x2x4x128xf32, #tpu.memory_space<vmem>> -> memref<32x1x4x128xf32, #tpu.memory_space<vmem>>
      %dma_wait3A_528 = tpu.memref_squeeze %dma_wait3A_527 : memref<32x1x4x128xf32, #tpu.memory_space<vmem>> -> memref<32x4x128xf32, #tpu.memory_space<vmem>>
      %dma_wait3A_529 = arith.constant 0 : i32
      %dma_wait3A_530 = arith.constant 0 : i32
      %dma_wait3A_531 = tpu.memref_slice %arg2[%add3A_247, %mul3A_249, %dma_wait3A_529, %dma_wait3A_530] : memref<411x64x4x128xf32, #tpu.memory_space<hbm>> -> memref<1x32x4x128xf32, #tpu.memory_space<hbm>>
      %dma_wait3A_532 = tpu.memref_squeeze %dma_wait3A_531 : memref<1x32x4x128xf32, #tpu.memory_space<hbm>> -> memref<32x4x128xf32, #tpu.memory_space<hbm>>
      tpu.wait_dma2 semaphore(%arg7 : memref<!tpu.dma_semaphore, #tpu.memory_space<semaphore_mem>>) src(%dma_wait3A_532 : memref<32x4x128xf32, #tpu.memory_space<hbm>>) dst(%dma_wait3A_528 : memref<32x4x128xf32, #tpu.memory_space<vmem>>)
      %dma_start3A = arith.constant 0 : i32
      %dma_start3A_533 = arith.constant 0 : i32
      %dma_start3A_534 = arith.constant 0 : i32
      %dma_start3A_535 = tpu.memref_slice %arg4[%dma_start3A, %dma_start3A_533, %cond3A_434, %dma_start3A_534] : memref<32x2x4x128xf32, #tpu.memory_space<vmem>> -> memref<32x2x1x128xf32, #tpu.memory_space<vmem>>
      %dma_start3A_536 = tpu.memref_squeeze %dma_start3A_535 : memref<32x2x1x128xf32, #tpu.memory_space<vmem>> -> memref<32x2x128xf32, #tpu.memory_space<vmem>>
      %dma_start3A_537 = arith.constant 0 : i32
      %dma_start3A_538 = arith.constant 0 : i32
      %dma_start3A_539 = tpu.memref_slice %arg3[%cond3A_435, %select_n3A_216, %mul3A_251, %dma_start3A_537, %dma_start3A_538] : memref<4x67x64x2x128xf32, #tpu.memory_space<hbm>> -> memref<1x1x32x2x128xf32, #tpu.memory_space<hbm>>
      %dma_start3A_540 = tpu.memref_squeeze %dma_start3A_539 : memref<1x1x32x2x128xf32, #tpu.memory_space<hbm>> -> memref<32x2x128xf32, #tpu.memory_space<hbm>>
      %dma_start3A_541 = arith.constant 0 : i32
      %dma_start3A_542 = arith.constant 0 : i32
      %dma_start3A_543 = tpu.memref_slice %arg3[%cond3A_435, %select_n3A_216, %mul3A_251, %dma_start3A_541, %dma_start3A_542] : memref<4x67x64x2x128xf32, #tpu.memory_space<hbm>> -> memref<1x1x32x2x128xf32, #tpu.memory_space<hbm>>
      %dma_start3A_544 = tpu.memref_squeeze %dma_start3A_543 : memref<1x1x32x2x128xf32, #tpu.memory_space<hbm>> -> memref<32x2x128xf32, #tpu.memory_space<hbm>>
      %dma_start3A_545 = arith.constant 0 : i32
      %dma_start3A_546 = arith.constant 0 : i32
      %dma_start3A_547 = arith.constant 0 : i32
      %dma_start3A_548 = tpu.memref_slice %arg4[%dma_start3A_545, %dma_start3A_546, %cond3A_434, %dma_start3A_547] : memref<32x2x4x128xf32, #tpu.memory_space<vmem>> -> memref<32x2x1x128xf32, #tpu.memory_space<vmem>>
      %dma_start3A_549 = tpu.memref_squeeze %dma_start3A_548 : memref<32x2x1x128xf32, #tpu.memory_space<vmem>> -> memref<32x2x128xf32, #tpu.memory_space<vmem>>
      tpu.enqueue_dma source(%dma_start3A_549 : memref<32x2x128xf32, #tpu.memory_space<vmem>>) target(%dma_start3A_544 : memref<32x2x128xf32, #tpu.memory_space<hbm>>) target_semaphore(%arg10 : memref<!tpu.dma_semaphore, #tpu.memory_space<semaphore_mem>>)
      %dma_start3A_550 = arith.constant 0 : i32
      %dma_start3A_551 = arith.constant 0 : i32
      %dma_start3A_552 = arith.constant 0 : i32
      %dma_start3A_553 = tpu.memref_slice %arg4[%dma_start3A_550, %dma_start3A_551, %cond3A_436, %dma_start3A_552] : memref<32x2x4x128xf32, #tpu.memory_space<vmem>> -> memref<32x2x1x128xf32, #tpu.memory_space<vmem>>
      %dma_start3A_554 = tpu.memref_squeeze %dma_start3A_553 : memref<32x2x1x128xf32, #tpu.memory_space<vmem>> -> memref<32x2x128xf32, #tpu.memory_space<vmem>>
      %dma_start3A_555 = arith.constant 0 : i32
      %dma_start3A_556 = arith.constant 0 : i32
      %dma_start3A_557 = tpu.memref_slice %arg3[%cond3A_437, %select_n3A_216, %mul3A_253, %dma_start3A_555, %dma_start3A_556] : memref<4x67x64x2x128xf32, #tpu.memory_space<hbm>> -> memref<1x1x32x2x128xf32, #tpu.memory_space<hbm>>
      %dma_start3A_558 = tpu.memref_squeeze %dma_start3A_557 : memref<1x1x32x2x128xf32, #tpu.memory_space<hbm>> -> memref<32x2x128xf32, #tpu.memory_space<hbm>>
      %dma_start3A_559 = arith.constant 0 : i32
      %dma_start3A_560 = arith.constant 0 : i32
      %dma_start3A_561 = tpu.memref_slice %arg3[%cond3A_437, %select_n3A_216, %mul3A_253, %dma_start3A_559, %dma_start3A_560] : memref<4x67x64x2x128xf32, #tpu.memory_space<hbm>> -> memref<1x1x32x2x128xf32, #tpu.memory_space<hbm>>
      %dma_start3A_562 = tpu.memref_squeeze %dma_start3A_561 : memref<1x1x32x2x128xf32, #tpu.memory_space<hbm>> -> memref<32x2x128xf32, #tpu.memory_space<hbm>>
      %dma_start3A_563 = arith.constant 0 : i32
      %dma_start3A_564 = arith.constant 0 : i32
      %dma_start3A_565 = arith.constant 0 : i32
      %dma_start3A_566 = tpu.memref_slice %arg4[%dma_start3A_563, %dma_start3A_564, %cond3A_436, %dma_start3A_565] : memref<32x2x4x128xf32, #tpu.memory_space<vmem>> -> memref<32x2x1x128xf32, #tpu.memory_space<vmem>>
      %dma_start3A_567 = tpu.memref_squeeze %dma_start3A_566 : memref<32x2x1x128xf32, #tpu.memory_space<vmem>> -> memref<32x2x128xf32, #tpu.memory_space<vmem>>
      tpu.enqueue_dma source(%dma_start3A_567 : memref<32x2x128xf32, #tpu.memory_space<vmem>>) target(%dma_start3A_562 : memref<32x2x128xf32, #tpu.memory_space<hbm>>) target_semaphore(%arg10 : memref<!tpu.dma_semaphore, #tpu.memory_space<semaphore_mem>>)
      %dma_start3A_568 = arith.constant 0 : i32
      %dma_start3A_569 = arith.constant 0 : i32
      %dma_start3A_570 = arith.constant 0 : i32
      %dma_start3A_571 = tpu.memref_slice %arg4[%dma_start3A_568, %dma_start3A_569, %cond3A_438, %dma_start3A_570] : memref<32x2x4x128xf32, #tpu.memory_space<vmem>> -> memref<32x2x1x128xf32, #tpu.memory_space<vmem>>
      %dma_start3A_572 = tpu.memref_squeeze %dma_start3A_571 : memref<32x2x1x128xf32, #tpu.memory_space<vmem>> -> memref<32x2x128xf32, #tpu.memory_space<vmem>>
      %dma_start3A_573 = arith.constant 0 : i32
      %dma_start3A_574 = arith.constant 0 : i32
      %dma_start3A_575 = tpu.memref_slice %arg3[%cond3A_439, %select_n3A_216, %mul3A_255, %dma_start3A_573, %dma_start3A_574] : memref<4x67x64x2x128xf32, #tpu.memory_space<hbm>> -> memref<1x1x32x2x128xf32, #tpu.memory_space<hbm>>
      %dma_start3A_576 = tpu.memref_squeeze %dma_start3A_575 : memref<1x1x32x2x128xf32, #tpu.memory_space<hbm>> -> memref<32x2x128xf32, #tpu.memory_space<hbm>>
      %dma_start3A_577 = arith.constant 0 : i32
      %dma_start3A_578 = arith.constant 0 : i32
      %dma_start3A_579 = tpu.memref_slice %arg3[%cond3A_439, %select_n3A_216, %mul3A_255, %dma_start3A_577, %dma_start3A_578] : memref<4x67x64x2x128xf32, #tpu.memory_space<hbm>> -> memref<1x1x32x2x128xf32, #tpu.memory_space<hbm>>
      %dma_start3A_580 = tpu.memref_squeeze %dma_start3A_579 : memref<1x1x32x2x128xf32, #tpu.memory_space<hbm>> -> memref<32x2x128xf32, #tpu.memory_space<hbm>>
      %dma_start3A_581 = arith.constant 0 : i32
      %dma_start3A_582 = arith.constant 0 : i32
      %dma_start3A_583 = arith.constant 0 : i32
      %dma_start3A_584 = tpu.memref_slice %arg4[%dma_start3A_581, %dma_start3A_582, %cond3A_438, %dma_start3A_583] : memref<32x2x4x128xf32, #tpu.memory_space<vmem>> -> memref<32x2x1x128xf32, #tpu.memory_space<vmem>>
      %dma_start3A_585 = tpu.memref_squeeze %dma_start3A_584 : memref<32x2x1x128xf32, #tpu.memory_space<vmem>> -> memref<32x2x128xf32, #tpu.memory_space<vmem>>
      tpu.enqueue_dma source(%dma_start3A_585 : memref<32x2x128xf32, #tpu.memory_space<vmem>>) target(%dma_start3A_580 : memref<32x2x128xf32, #tpu.memory_space<hbm>>) target_semaphore(%arg10 : memref<!tpu.dma_semaphore, #tpu.memory_space<semaphore_mem>>)
      %dma_start3A_586 = arith.constant 0 : i32
      %dma_start3A_587 = arith.constant 0 : i32
      %dma_start3A_588 = arith.constant 0 : i32
      %dma_start3A_589 = tpu.memref_slice %arg4[%dma_start3A_586, %dma_start3A_587, %cond3A_440, %dma_start3A_588] : memref<32x2x4x128xf32, #tpu.memory_space<vmem>> -> memref<32x2x1x128xf32, #tpu.memory_space<vmem>>
      %dma_start3A_590 = tpu.memref_squeeze %dma_start3A_589 : memref<32x2x1x128xf32, #tpu.memory_space<vmem>> -> memref<32x2x128xf32, #tpu.memory_space<vmem>>
      %dma_start3A_591 = arith.constant 0 : i32
      %dma_start3A_592 = arith.constant 0 : i32
      %dma_start3A_593 = tpu.memref_slice %arg3[%cond3A_441, %select_n3A_216, %mul3A_257, %dma_start3A_591, %dma_start3A_592] : memref<4x67x64x2x128xf32, #tpu.memory_space<hbm>> -> memref<1x1x32x2x128xf32, #tpu.memory_space<hbm>>
      %dma_start3A_594 = tpu.memref_squeeze %dma_start3A_593 : memref<1x1x32x2x128xf32, #tpu.memory_space<hbm>> -> memref<32x2x128xf32, #tpu.memory_space<hbm>>
      %dma_start3A_595 = arith.constant 0 : i32
      %dma_start3A_596 = arith.constant 0 : i32
      %dma_start3A_597 = tpu.memref_slice %arg3[%cond3A_441, %select_n3A_216, %mul3A_257, %dma_start3A_595, %dma_start3A_596] : memref<4x67x64x2x128xf32, #tpu.memory_space<hbm>> -> memref<1x1x32x2x128xf32, #tpu.memory_space<hbm>>
      %dma_start3A_598 = tpu.memref_squeeze %dma_start3A_597 : memref<1x1x32x2x128xf32, #tpu.memory_space<hbm>> -> memref<32x2x128xf32, #tpu.memory_space<hbm>>
      %dma_start3A_599 = arith.constant 0 : i32
      %dma_start3A_600 = arith.constant 0 : i32
      %dma_start3A_601 = arith.constant 0 : i32
      %dma_start3A_602 = tpu.memref_slice %arg4[%dma_start3A_599, %dma_start3A_600, %cond3A_440, %dma_start3A_601] : memref<32x2x4x128xf32, #tpu.memory_space<vmem>> -> memref<32x2x1x128xf32, #tpu.memory_space<vmem>>
      %dma_start3A_603 = tpu.memref_squeeze %dma_start3A_602 : memref<32x2x1x128xf32, #tpu.memory_space<vmem>> -> memref<32x2x128xf32, #tpu.memory_space<vmem>>
      tpu.enqueue_dma source(%dma_start3A_603 : memref<32x2x128xf32, #tpu.memory_space<vmem>>) target(%dma_start3A_598 : memref<32x2x128xf32, #tpu.memory_space<hbm>>) target_semaphore(%arg10 : memref<!tpu.dma_semaphore, #tpu.memory_space<semaphore_mem>>)
    } else {
    }
    %lt3A_444 = arith.constant 134 : i32
    %lt3A_445 = arith.cmpi slt, %add3A_259, %lt3A_444 : i32
    %convert_element_type3A_446 = arith.extui %lt3A_445 : i1 to i32
    %cond3A_447 = arith.constant 0 : i32
    %cond3A_448 = arith.constant 1 : i32
    %cond3A_449 = arith.constant 0 : i32
    %cond3A_450 = arith.constant 0 : i32
    %cond3A_451 = arith.constant 1 : i32
    %cond3A_452 = arith.constant 1 : i32
    %cond3A_453 = arith.constant 2 : i32
    %cond3A_454 = arith.constant 2 : i32
    %cond3A_455 = arith.constant 3 : i32
    %cond3A_456 = arith.constant 3 : i32
    %cond3A_457 = arith.constant 0 : i32
    %cond3A_458 = arith.cmpi ne, %convert_element_type3A_446, %cond3A_457 : i32
    scf.if %cond3A_458 {
      %dma_wait3A = arith.constant 0 : i32
      %dma_wait3A_498 = arith.constant 0 : i32
      %dma_wait3A_499 = arith.constant 0 : i32
      %dma_wait3A_500 = tpu.memref_slice %arg5[%dma_wait3A, %cond3A_447, %dma_wait3A_498, %dma_wait3A_499] : memref<32x2x4x128xf32, #tpu.memory_space<vmem>> -> memref<32x1x4x128xf32, #tpu.memory_space<vmem>>
      %dma_wait3A_501 = tpu.memref_squeeze %dma_wait3A_500 : memref<32x1x4x128xf32, #tpu.memory_space<vmem>> -> memref<32x4x128xf32, #tpu.memory_space<vmem>>
      %dma_wait3A_502 = arith.constant 0 : i32
      %dma_wait3A_503 = arith.constant 0 : i32
      %dma_wait3A_504 = tpu.memref_slice %arg2[%add3A_308, %mul3A_310, %dma_wait3A_502, %dma_wait3A_503] : memref<411x64x4x128xf32, #tpu.memory_space<hbm>> -> memref<1x32x4x128xf32, #tpu.memory_space<hbm>>
      %dma_wait3A_505 = tpu.memref_squeeze %dma_wait3A_504 : memref<1x32x4x128xf32, #tpu.memory_space<hbm>> -> memref<32x4x128xf32, #tpu.memory_space<hbm>>
      %dma_wait3A_506 = arith.constant 0 : i32
      %dma_wait3A_507 = arith.constant 0 : i32
      %dma_wait3A_508 = arith.constant 0 : i32
      %dma_wait3A_509 = tpu.memref_slice %arg5[%dma_wait3A_506, %cond3A_447, %dma_wait3A_507, %dma_wait3A_508] : memref<32x2x4x128xf32, #tpu.memory_space<vmem>> -> memref<32x1x4x128xf32, #tpu.memory_space<vmem>>
      %dma_wait3A_510 = tpu.memref_squeeze %dma_wait3A_509 : memref<32x1x4x128xf32, #tpu.memory_space<vmem>> -> memref<32x4x128xf32, #tpu.memory_space<vmem>>
      %dma_wait3A_511 = arith.constant 0 : i32
      %dma_wait3A_512 = arith.constant 0 : i32
      %dma_wait3A_513 = tpu.memref_slice %arg2[%add3A_308, %mul3A_310, %dma_wait3A_511, %dma_wait3A_512] : memref<411x64x4x128xf32, #tpu.memory_space<hbm>> -> memref<1x32x4x128xf32, #tpu.memory_space<hbm>>
      %dma_wait3A_514 = tpu.memref_squeeze %dma_wait3A_513 : memref<1x32x4x128xf32, #tpu.memory_space<hbm>> -> memref<32x4x128xf32, #tpu.memory_space<hbm>>
      tpu.wait_dma2 semaphore(%arg8 : memref<!tpu.dma_semaphore, #tpu.memory_space<semaphore_mem>>) src(%dma_wait3A_514 : memref<32x4x128xf32, #tpu.memory_space<hbm>>) dst(%dma_wait3A_510 : memref<32x4x128xf32, #tpu.memory_space<vmem>>)
      %dma_wait3A_515 = arith.constant 0 : i32
      %dma_wait3A_516 = arith.constant 0 : i32
      %dma_wait3A_517 = arith.constant 0 : i32
      %dma_wait3A_518 = tpu.memref_slice %arg5[%dma_wait3A_515, %cond3A_448, %dma_wait3A_516, %dma_wait3A_517] : memref<32x2x4x128xf32, #tpu.memory_space<vmem>> -> memref<32x1x4x128xf32, #tpu.memory_space<vmem>>
      %dma_wait3A_519 = tpu.memref_squeeze %dma_wait3A_518 : memref<32x1x4x128xf32, #tpu.memory_space<vmem>> -> memref<32x4x128xf32, #tpu.memory_space<vmem>>
      %dma_wait3A_520 = arith.constant 0 : i32
      %dma_wait3A_521 = arith.constant 0 : i32
      %dma_wait3A_522 = tpu.memref_slice %arg2[%add3A_314, %mul3A_316, %dma_wait3A_520, %dma_wait3A_521] : memref<411x64x4x128xf32, #tpu.memory_space<hbm>> -> memref<1x32x4x128xf32, #tpu.memory_space<hbm>>
      %dma_wait3A_523 = tpu.memref_squeeze %dma_wait3A_522 : memref<1x32x4x128xf32, #tpu.memory_space<hbm>> -> memref<32x4x128xf32, #tpu.memory_space<hbm>>
      %dma_wait3A_524 = arith.constant 0 : i32
      %dma_wait3A_525 = arith.constant 0 : i32
      %dma_wait3A_526 = arith.constant 0 : i32
      %dma_wait3A_527 = tpu.memref_slice %arg5[%dma_wait3A_524, %cond3A_448, %dma_wait3A_525, %dma_wait3A_526] : memref<32x2x4x128xf32, #tpu.memory_space<vmem>> -> memref<32x1x4x128xf32, #tpu.memory_space<vmem>>
      %dma_wait3A_528 = tpu.memref_squeeze %dma_wait3A_527 : memref<32x1x4x128xf32, #tpu.memory_space<vmem>> -> memref<32x4x128xf32, #tpu.memory_space<vmem>>
      %dma_wait3A_529 = arith.constant 0 : i32
      %dma_wait3A_530 = arith.constant 0 : i32
      %dma_wait3A_531 = tpu.memref_slice %arg2[%add3A_314, %mul3A_316, %dma_wait3A_529, %dma_wait3A_530] : memref<411x64x4x128xf32, #tpu.memory_space<hbm>> -> memref<1x32x4x128xf32, #tpu.memory_space<hbm>>
      %dma_wait3A_532 = tpu.memref_squeeze %dma_wait3A_531 : memref<1x32x4x128xf32, #tpu.memory_space<hbm>> -> memref<32x4x128xf32, #tpu.memory_space<hbm>>
      tpu.wait_dma2 semaphore(%arg8 : memref<!tpu.dma_semaphore, #tpu.memory_space<semaphore_mem>>) src(%dma_wait3A_532 : memref<32x4x128xf32, #tpu.memory_space<hbm>>) dst(%dma_wait3A_528 : memref<32x4x128xf32, #tpu.memory_space<vmem>>)
      %dma_start3A = arith.constant 0 : i32
      %dma_start3A_533 = arith.constant 0 : i32
      %dma_start3A_534 = arith.constant 0 : i32
      %dma_start3A_535 = tpu.memref_slice %arg5[%dma_start3A, %dma_start3A_533, %cond3A_449, %dma_start3A_534] : memref<32x2x4x128xf32, #tpu.memory_space<vmem>> -> memref<32x2x1x128xf32, #tpu.memory_space<vmem>>
      %dma_start3A_536 = tpu.memref_squeeze %dma_start3A_535 : memref<32x2x1x128xf32, #tpu.memory_space<vmem>> -> memref<32x2x128xf32, #tpu.memory_space<vmem>>
      %dma_start3A_537 = arith.constant 0 : i32
      %dma_start3A_538 = arith.constant 0 : i32
      %dma_start3A_539 = tpu.memref_slice %arg3[%cond3A_450, %select_n3A_283, %mul3A_318, %dma_start3A_537, %dma_start3A_538] : memref<4x67x64x2x128xf32, #tpu.memory_space<hbm>> -> memref<1x1x32x2x128xf32, #tpu.memory_space<hbm>>
      %dma_start3A_540 = tpu.memref_squeeze %dma_start3A_539 : memref<1x1x32x2x128xf32, #tpu.memory_space<hbm>> -> memref<32x2x128xf32, #tpu.memory_space<hbm>>
      %dma_start3A_541 = arith.constant 0 : i32
      %dma_start3A_542 = arith.constant 0 : i32
      %dma_start3A_543 = tpu.memref_slice %arg3[%cond3A_450, %select_n3A_283, %mul3A_318, %dma_start3A_541, %dma_start3A_542] : memref<4x67x64x2x128xf32, #tpu.memory_space<hbm>> -> memref<1x1x32x2x128xf32, #tpu.memory_space<hbm>>
      %dma_start3A_544 = tpu.memref_squeeze %dma_start3A_543 : memref<1x1x32x2x128xf32, #tpu.memory_space<hbm>> -> memref<32x2x128xf32, #tpu.memory_space<hbm>>
      %dma_start3A_545 = arith.constant 0 : i32
      %dma_start3A_546 = arith.constant 0 : i32
      %dma_start3A_547 = arith.constant 0 : i32
      %dma_start3A_548 = tpu.memref_slice %arg5[%dma_start3A_545, %dma_start3A_546, %cond3A_449, %dma_start3A_547] : memref<32x2x4x128xf32, #tpu.memory_space<vmem>> -> memref<32x2x1x128xf32, #tpu.memory_space<vmem>>
      %dma_start3A_549 = tpu.memref_squeeze %dma_start3A_548 : memref<32x2x1x128xf32, #tpu.memory_space<vmem>> -> memref<32x2x128xf32, #tpu.memory_space<vmem>>
      tpu.enqueue_dma source(%dma_start3A_549 : memref<32x2x128xf32, #tpu.memory_space<vmem>>) target(%dma_start3A_544 : memref<32x2x128xf32, #tpu.memory_space<hbm>>) target_semaphore(%arg11 : memref<!tpu.dma_semaphore, #tpu.memory_space<semaphore_mem>>)
      %dma_start3A_550 = arith.constant 0 : i32
      %dma_start3A_551 = arith.constant 0 : i32
      %dma_start3A_552 = arith.constant 0 : i32
      %dma_start3A_553 = tpu.memref_slice %arg5[%dma_start3A_550, %dma_start3A_551, %cond3A_451, %dma_start3A_552] : memref<32x2x4x128xf32, #tpu.memory_space<vmem>> -> memref<32x2x1x128xf32, #tpu.memory_space<vmem>>
      %dma_start3A_554 = tpu.memref_squeeze %dma_start3A_553 : memref<32x2x1x128xf32, #tpu.memory_space<vmem>> -> memref<32x2x128xf32, #tpu.memory_space<vmem>>
      %dma_start3A_555 = arith.constant 0 : i32
      %dma_start3A_556 = arith.constant 0 : i32
      %dma_start3A_557 = tpu.memref_slice %arg3[%cond3A_452, %select_n3A_283, %mul3A_320, %dma_start3A_555, %dma_start3A_556] : memref<4x67x64x2x128xf32, #tpu.memory_space<hbm>> -> memref<1x1x32x2x128xf32, #tpu.memory_space<hbm>>
      %dma_start3A_558 = tpu.memref_squeeze %dma_start3A_557 : memref<1x1x32x2x128xf32, #tpu.memory_space<hbm>> -> memref<32x2x128xf32, #tpu.memory_space<hbm>>
      %dma_start3A_559 = arith.constant 0 : i32
      %dma_start3A_560 = arith.constant 0 : i32
      %dma_start3A_561 = tpu.memref_slice %arg3[%cond3A_452, %select_n3A_283, %mul3A_320, %dma_start3A_559, %dma_start3A_560] : memref<4x67x64x2x128xf32, #tpu.memory_space<hbm>> -> memref<1x1x32x2x128xf32, #tpu.memory_space<hbm>>
      %dma_start3A_562 = tpu.memref_squeeze %dma_start3A_561 : memref<1x1x32x2x128xf32, #tpu.memory_space<hbm>> -> memref<32x2x128xf32, #tpu.memory_space<hbm>>
      %dma_start3A_563 = arith.constant 0 : i32
      %dma_start3A_564 = arith.constant 0 : i32
      %dma_start3A_565 = arith.constant 0 : i32
      %dma_start3A_566 = tpu.memref_slice %arg5[%dma_start3A_563, %dma_start3A_564, %cond3A_451, %dma_start3A_565] : memref<32x2x4x128xf32, #tpu.memory_space<vmem>> -> memref<32x2x1x128xf32, #tpu.memory_space<vmem>>
      %dma_start3A_567 = tpu.memref_squeeze %dma_start3A_566 : memref<32x2x1x128xf32, #tpu.memory_space<vmem>> -> memref<32x2x128xf32, #tpu.memory_space<vmem>>
      tpu.enqueue_dma source(%dma_start3A_567 : memref<32x2x128xf32, #tpu.memory_space<vmem>>) target(%dma_start3A_562 : memref<32x2x128xf32, #tpu.memory_space<hbm>>) target_semaphore(%arg11 : memref<!tpu.dma_semaphore, #tpu.memory_space<semaphore_mem>>)
      %dma_start3A_568 = arith.constant 0 : i32
      %dma_start3A_569 = arith.constant 0 : i32
      %dma_start3A_570 = arith.constant 0 : i32
      %dma_start3A_571 = tpu.memref_slice %arg5[%dma_start3A_568, %dma_start3A_569, %cond3A_453, %dma_start3A_570] : memref<32x2x4x128xf32, #tpu.memory_space<vmem>> -> memref<32x2x1x128xf32, #tpu.memory_space<vmem>>
      %dma_start3A_572 = tpu.memref_squeeze %dma_start3A_571 : memref<32x2x1x128xf32, #tpu.memory_space<vmem>> -> memref<32x2x128xf32, #tpu.memory_space<vmem>>
      %dma_start3A_573 = arith.constant 0 : i32
      %dma_start3A_574 = arith.constant 0 : i32
      %dma_start3A_575 = tpu.memref_slice %arg3[%cond3A_454, %select_n3A_283, %mul3A_322, %dma_start3A_573, %dma_start3A_574] : memref<4x67x64x2x128xf32, #tpu.memory_space<hbm>> -> memref<1x1x32x2x128xf32, #tpu.memory_space<hbm>>
      %dma_start3A_576 = tpu.memref_squeeze %dma_start3A_575 : memref<1x1x32x2x128xf32, #tpu.memory_space<hbm>> -> memref<32x2x128xf32, #tpu.memory_space<hbm>>
      %dma_start3A_577 = arith.constant 0 : i32
      %dma_start3A_578 = arith.constant 0 : i32
      %dma_start3A_579 = tpu.memref_slice %arg3[%cond3A_454, %select_n3A_283, %mul3A_322, %dma_start3A_577, %dma_start3A_578] : memref<4x67x64x2x128xf32, #tpu.memory_space<hbm>> -> memref<1x1x32x2x128xf32, #tpu.memory_space<hbm>>
      %dma_start3A_580 = tpu.memref_squeeze %dma_start3A_579 : memref<1x1x32x2x128xf32, #tpu.memory_space<hbm>> -> memref<32x2x128xf32, #tpu.memory_space<hbm>>
      %dma_start3A_581 = arith.constant 0 : i32
      %dma_start3A_582 = arith.constant 0 : i32
      %dma_start3A_583 = arith.constant 0 : i32
      %dma_start3A_584 = tpu.memref_slice %arg5[%dma_start3A_581, %dma_start3A_582, %cond3A_453, %dma_start3A_583] : memref<32x2x4x128xf32, #tpu.memory_space<vmem>> -> memref<32x2x1x128xf32, #tpu.memory_space<vmem>>
      %dma_start3A_585 = tpu.memref_squeeze %dma_start3A_584 : memref<32x2x1x128xf32, #tpu.memory_space<vmem>> -> memref<32x2x128xf32, #tpu.memory_space<vmem>>
      tpu.enqueue_dma source(%dma_start3A_585 : memref<32x2x128xf32, #tpu.memory_space<vmem>>) target(%dma_start3A_580 : memref<32x2x128xf32, #tpu.memory_space<hbm>>) target_semaphore(%arg11 : memref<!tpu.dma_semaphore, #tpu.memory_space<semaphore_mem>>)
      %dma_start3A_586 = arith.constant 0 : i32
      %dma_start3A_587 = arith.constant 0 : i32
      %dma_start3A_588 = arith.constant 0 : i32
      %dma_start3A_589 = tpu.memref_slice %arg5[%dma_start3A_586, %dma_start3A_587, %cond3A_455, %dma_start3A_588] : memref<32x2x4x128xf32, #tpu.memory_space<vmem>> -> memref<32x2x1x128xf32, #tpu.memory_space<vmem>>
      %dma_start3A_590 = tpu.memref_squeeze %dma_start3A_589 : memref<32x2x1x128xf32, #tpu.memory_space<vmem>> -> memref<32x2x128xf32, #tpu.memory_space<vmem>>
      %dma_start3A_591 = arith.constant 0 : i32
      %dma_start3A_592 = arith.constant 0 : i32
      %dma_start3A_593 = tpu.memref_slice %arg3[%cond3A_456, %select_n3A_283, %mul3A_324, %dma_start3A_591, %dma_start3A_592] : memref<4x67x64x2x128xf32, #tpu.memory_space<hbm>> -> memref<1x1x32x2x128xf32, #tpu.memory_space<hbm>>
      %dma_start3A_594 = tpu.memref_squeeze %dma_start3A_593 : memref<1x1x32x2x128xf32, #tpu.memory_space<hbm>> -> memref<32x2x128xf32, #tpu.memory_space<hbm>>
      %dma_start3A_595 = arith.constant 0 : i32
      %dma_start3A_596 = arith.constant 0 : i32
      %dma_start3A_597 = tpu.memref_slice %arg3[%cond3A_456, %select_n3A_283, %mul3A_324, %dma_start3A_595, %dma_start3A_596] : memref<4x67x64x2x128xf32, #tpu.memory_space<hbm>> -> memref<1x1x32x2x128xf32, #tpu.memory_space<hbm>>
      %dma_start3A_598 = tpu.memref_squeeze %dma_start3A_597 : memref<1x1x32x2x128xf32, #tpu.memory_space<hbm>> -> memref<32x2x128xf32, #tpu.memory_space<hbm>>
      %dma_start3A_599 = arith.constant 0 : i32
      %dma_start3A_600 = arith.constant 0 : i32
      %dma_start3A_601 = arith.constant 0 : i32
      %dma_start3A_602 = tpu.memref_slice %arg5[%dma_start3A_599, %dma_start3A_600, %cond3A_455, %dma_start3A_601] : memref<32x2x4x128xf32, #tpu.memory_space<vmem>> -> memref<32x2x1x128xf32, #tpu.memory_space<vmem>>
      %dma_start3A_603 = tpu.memref_squeeze %dma_start3A_602 : memref<32x2x1x128xf32, #tpu.memory_space<vmem>> -> memref<32x2x128xf32, #tpu.memory_space<vmem>>
      tpu.enqueue_dma source(%dma_start3A_603 : memref<32x2x128xf32, #tpu.memory_space<vmem>>) target(%dma_start3A_598 : memref<32x2x128xf32, #tpu.memory_space<hbm>>) target_semaphore(%arg11 : memref<!tpu.dma_semaphore, #tpu.memory_space<semaphore_mem>>)
    } else {
    }
    %lt3A_459 = arith.constant 134 : i32
    %lt3A_460 = arith.cmpi slt, %add3A_125, %lt3A_459 : i32
    %convert_element_type3A_461 = arith.extui %lt3A_460 : i1 to i32
    %cond3A_462 = arith.constant 0 : i32
    %cond3A_463 = arith.constant 0 : i32
    %cond3A_464 = arith.constant 1 : i32
    %cond3A_465 = arith.constant 1 : i32
    %cond3A_466 = arith.constant 2 : i32
    %cond3A_467 = arith.constant 2 : i32
    %cond3A_468 = arith.constant 3 : i32
    %cond3A_469 = arith.constant 3 : i32
    %cond3A_470 = arith.constant 0 : i32
    %cond3A_471 = arith.cmpi ne, %convert_element_type3A_461, %cond3A_470 : i32
    scf.if %cond3A_471 {
      %dma_wait3A = arith.constant 0 : i32
      %dma_wait3A_498 = arith.constant 0 : i32
      %dma_wait3A_499 = arith.constant 0 : i32
      %dma_wait3A_500 = tpu.memref_slice %arg6[%dma_wait3A, %dma_wait3A_498, %cond3A_462, %dma_wait3A_499] : memref<32x2x4x128xf32, #tpu.memory_space<vmem>> -> memref<32x2x1x128xf32, #tpu.memory_space<vmem>>
      %dma_wait3A_501 = tpu.memref_squeeze %dma_wait3A_500 : memref<32x2x1x128xf32, #tpu.memory_space<vmem>> -> memref<32x2x128xf32, #tpu.memory_space<vmem>>
      %dma_wait3A_502 = arith.constant 0 : i32
      %dma_wait3A_503 = arith.constant 0 : i32
      %dma_wait3A_504 = tpu.memref_slice %arg3[%cond3A_463, %select_n3A_149, %mul3A_184, %dma_wait3A_502, %dma_wait3A_503] : memref<4x67x64x2x128xf32, #tpu.memory_space<hbm>> -> memref<1x1x32x2x128xf32, #tpu.memory_space<hbm>>
      %dma_wait3A_505 = tpu.memref_squeeze %dma_wait3A_504 : memref<1x1x32x2x128xf32, #tpu.memory_space<hbm>> -> memref<32x2x128xf32, #tpu.memory_space<hbm>>
      %dma_wait3A_506 = arith.constant 0 : i32
      %dma_wait3A_507 = arith.constant 0 : i32
      %dma_wait3A_508 = tpu.memref_slice %arg3[%cond3A_463, %select_n3A_149, %mul3A_184, %dma_wait3A_506, %dma_wait3A_507] : memref<4x67x64x2x128xf32, #tpu.memory_space<hbm>> -> memref<1x1x32x2x128xf32, #tpu.memory_space<hbm>>
      %dma_wait3A_509 = tpu.memref_squeeze %dma_wait3A_508 : memref<1x1x32x2x128xf32, #tpu.memory_space<hbm>> -> memref<32x2x128xf32, #tpu.memory_space<hbm>>
      %dma_wait3A_510 = arith.constant 0 : i32
      %dma_wait3A_511 = arith.constant 0 : i32
      %dma_wait3A_512 = arith.constant 0 : i32
      %dma_wait3A_513 = tpu.memref_slice %arg6[%dma_wait3A_510, %dma_wait3A_511, %cond3A_462, %dma_wait3A_512] : memref<32x2x4x128xf32, #tpu.memory_space<vmem>> -> memref<32x2x1x128xf32, #tpu.memory_space<vmem>>
      %dma_wait3A_514 = tpu.memref_squeeze %dma_wait3A_513 : memref<32x2x1x128xf32, #tpu.memory_space<vmem>> -> memref<32x2x128xf32, #tpu.memory_space<vmem>>
      tpu.wait_dma2 semaphore(%arg12 : memref<!tpu.dma_semaphore, #tpu.memory_space<semaphore_mem>>) src(%dma_wait3A_514 : memref<32x2x128xf32, #tpu.memory_space<vmem>>) dst(%dma_wait3A_509 : memref<32x2x128xf32, #tpu.memory_space<hbm>>)
      %dma_wait3A_515 = arith.constant 0 : i32
      %dma_wait3A_516 = arith.constant 0 : i32
      %dma_wait3A_517 = arith.constant 0 : i32
      %dma_wait3A_518 = tpu.memref_slice %arg6[%dma_wait3A_515, %dma_wait3A_516, %cond3A_464, %dma_wait3A_517] : memref<32x2x4x128xf32, #tpu.memory_space<vmem>> -> memref<32x2x1x128xf32, #tpu.memory_space<vmem>>
      %dma_wait3A_519 = tpu.memref_squeeze %dma_wait3A_518 : memref<32x2x1x128xf32, #tpu.memory_space<vmem>> -> memref<32x2x128xf32, #tpu.memory_space<vmem>>
      %dma_wait3A_520 = arith.constant 0 : i32
      %dma_wait3A_521 = arith.constant 0 : i32
      %dma_wait3A_522 = tpu.memref_slice %arg3[%cond3A_465, %select_n3A_149, %mul3A_186, %dma_wait3A_520, %dma_wait3A_521] : memref<4x67x64x2x128xf32, #tpu.memory_space<hbm>> -> memref<1x1x32x2x128xf32, #tpu.memory_space<hbm>>
      %dma_wait3A_523 = tpu.memref_squeeze %dma_wait3A_522 : memref<1x1x32x2x128xf32, #tpu.memory_space<hbm>> -> memref<32x2x128xf32, #tpu.memory_space<hbm>>
      %dma_wait3A_524 = arith.constant 0 : i32
      %dma_wait3A_525 = arith.constant 0 : i32
      %dma_wait3A_526 = tpu.memref_slice %arg3[%cond3A_465, %select_n3A_149, %mul3A_186, %dma_wait3A_524, %dma_wait3A_525] : memref<4x67x64x2x128xf32, #tpu.memory_space<hbm>> -> memref<1x1x32x2x128xf32, #tpu.memory_space<hbm>>
      %dma_wait3A_527 = tpu.memref_squeeze %dma_wait3A_526 : memref<1x1x32x2x128xf32, #tpu.memory_space<hbm>> -> memref<32x2x128xf32, #tpu.memory_space<hbm>>
      %dma_wait3A_528 = arith.constant 0 : i32
      %dma_wait3A_529 = arith.constant 0 : i32
      %dma_wait3A_530 = arith.constant 0 : i32
      %dma_wait3A_531 = tpu.memref_slice %arg6[%dma_wait3A_528, %dma_wait3A_529, %cond3A_464, %dma_wait3A_530] : memref<32x2x4x128xf32, #tpu.memory_space<vmem>> -> memref<32x2x1x128xf32, #tpu.memory_space<vmem>>
      %dma_wait3A_532 = tpu.memref_squeeze %dma_wait3A_531 : memref<32x2x1x128xf32, #tpu.memory_space<vmem>> -> memref<32x2x128xf32, #tpu.memory_space<vmem>>
      tpu.wait_dma2 semaphore(%arg12 : memref<!tpu.dma_semaphore, #tpu.memory_space<semaphore_mem>>) src(%dma_wait3A_532 : memref<32x2x128xf32, #tpu.memory_space<vmem>>) dst(%dma_wait3A_527 : memref<32x2x128xf32, #tpu.memory_space<hbm>>)
      %dma_wait3A_533 = arith.constant 0 : i32
      %dma_wait3A_534 = arith.constant 0 : i32
      %dma_wait3A_535 = arith.constant 0 : i32
      %dma_wait3A_536 = tpu.memref_slice %arg6[%dma_wait3A_533, %dma_wait3A_534, %cond3A_466, %dma_wait3A_535] : memref<32x2x4x128xf32, #tpu.memory_space<vmem>> -> memref<32x2x1x128xf32, #tpu.memory_space<vmem>>
      %dma_wait3A_537 = tpu.memref_squeeze %dma_wait3A_536 : memref<32x2x1x128xf32, #tpu.memory_space<vmem>> -> memref<32x2x128xf32, #tpu.memory_space<vmem>>
      %dma_wait3A_538 = arith.constant 0 : i32
      %dma_wait3A_539 = arith.constant 0 : i32
      %dma_wait3A_540 = tpu.memref_slice %arg3[%cond3A_467, %select_n3A_149, %mul3A_188, %dma_wait3A_538, %dma_wait3A_539] : memref<4x67x64x2x128xf32, #tpu.memory_space<hbm>> -> memref<1x1x32x2x128xf32, #tpu.memory_space<hbm>>
      %dma_wait3A_541 = tpu.memref_squeeze %dma_wait3A_540 : memref<1x1x32x2x128xf32, #tpu.memory_space<hbm>> -> memref<32x2x128xf32, #tpu.memory_space<hbm>>
      %dma_wait3A_542 = arith.constant 0 : i32
      %dma_wait3A_543 = arith.constant 0 : i32
      %dma_wait3A_544 = tpu.memref_slice %arg3[%cond3A_467, %select_n3A_149, %mul3A_188, %dma_wait3A_542, %dma_wait3A_543] : memref<4x67x64x2x128xf32, #tpu.memory_space<hbm>> -> memref<1x1x32x2x128xf32, #tpu.memory_space<hbm>>
      %dma_wait3A_545 = tpu.memref_squeeze %dma_wait3A_544 : memref<1x1x32x2x128xf32, #tpu.memory_space<hbm>> -> memref<32x2x128xf32, #tpu.memory_space<hbm>>
      %dma_wait3A_546 = arith.constant 0 : i32
      %dma_wait3A_547 = arith.constant 0 : i32
      %dma_wait3A_548 = arith.constant 0 : i32
      %dma_wait3A_549 = tpu.memref_slice %arg6[%dma_wait3A_546, %dma_wait3A_547, %cond3A_466, %dma_wait3A_548] : memref<32x2x4x128xf32, #tpu.memory_space<vmem>> -> memref<32x2x1x128xf32, #tpu.memory_space<vmem>>
      %dma_wait3A_550 = tpu.memref_squeeze %dma_wait3A_549 : memref<32x2x1x128xf32, #tpu.memory_space<vmem>> -> memref<32x2x128xf32, #tpu.memory_space<vmem>>
      tpu.wait_dma2 semaphore(%arg12 : memref<!tpu.dma_semaphore, #tpu.memory_space<semaphore_mem>>) src(%dma_wait3A_550 : memref<32x2x128xf32, #tpu.memory_space<vmem>>) dst(%dma_wait3A_545 : memref<32x2x128xf32, #tpu.memory_space<hbm>>)
      %dma_wait3A_551 = arith.constant 0 : i32
      %dma_wait3A_552 = arith.constant 0 : i32
      %dma_wait3A_553 = arith.constant 0 : i32
      %dma_wait3A_554 = tpu.memref_slice %arg6[%dma_wait3A_551, %dma_wait3A_552, %cond3A_468, %dma_wait3A_553] : memref<32x2x4x128xf32, #tpu.memory_space<vmem>> -> memref<32x2x1x128xf32, #tpu.memory_space<vmem>>
      %dma_wait3A_555 = tpu.memref_squeeze %dma_wait3A_554 : memref<32x2x1x128xf32, #tpu.memory_space<vmem>> -> memref<32x2x128xf32, #tpu.memory_space<vmem>>
      %dma_wait3A_556 = arith.constant 0 : i32
      %dma_wait3A_557 = arith.constant 0 : i32
      %dma_wait3A_558 = tpu.memref_slice %arg3[%cond3A_469, %select_n3A_149, %mul3A_190, %dma_wait3A_556, %dma_wait3A_557] : memref<4x67x64x2x128xf32, #tpu.memory_space<hbm>> -> memref<1x1x32x2x128xf32, #tpu.memory_space<hbm>>
      %dma_wait3A_559 = tpu.memref_squeeze %dma_wait3A_558 : memref<1x1x32x2x128xf32, #tpu.memory_space<hbm>> -> memref<32x2x128xf32, #tpu.memory_space<hbm>>
      %dma_wait3A_560 = arith.constant 0 : i32
      %dma_wait3A_561 = arith.constant 0 : i32
      %dma_wait3A_562 = tpu.memref_slice %arg3[%cond3A_469, %select_n3A_149, %mul3A_190, %dma_wait3A_560, %dma_wait3A_561] : memref<4x67x64x2x128xf32, #tpu.memory_space<hbm>> -> memref<1x1x32x2x128xf32, #tpu.memory_space<hbm>>
      %dma_wait3A_563 = tpu.memref_squeeze %dma_wait3A_562 : memref<1x1x32x2x128xf32, #tpu.memory_space<hbm>> -> memref<32x2x128xf32, #tpu.memory_space<hbm>>
      %dma_wait3A_564 = arith.constant 0 : i32
      %dma_wait3A_565 = arith.constant 0 : i32
      %dma_wait3A_566 = arith.constant 0 : i32
      %dma_wait3A_567 = tpu.memref_slice %arg6[%dma_wait3A_564, %dma_wait3A_565, %cond3A_468, %dma_wait3A_566] : memref<32x2x4x128xf32, #tpu.memory_space<vmem>> -> memref<32x2x1x128xf32, #tpu.memory_space<vmem>>
      %dma_wait3A_568 = tpu.memref_squeeze %dma_wait3A_567 : memref<32x2x1x128xf32, #tpu.memory_space<vmem>> -> memref<32x2x128xf32, #tpu.memory_space<vmem>>
      tpu.wait_dma2 semaphore(%arg12 : memref<!tpu.dma_semaphore, #tpu.memory_space<semaphore_mem>>) src(%dma_wait3A_568 : memref<32x2x128xf32, #tpu.memory_space<vmem>>) dst(%dma_wait3A_563 : memref<32x2x128xf32, #tpu.memory_space<hbm>>)
    } else {
    }
    %lt3A_472 = arith.constant 134 : i32
    %lt3A_473 = arith.cmpi slt, %add3A_192, %lt3A_472 : i32
    %convert_element_type3A_474 = arith.extui %lt3A_473 : i1 to i32
    %cond3A_475 = arith.constant 0 : i32
    %cond3A_476 = arith.constant 0 : i32
    %cond3A_477 = arith.constant 1 : i32
    %cond3A_478 = arith.constant 1 : i32
    %cond3A_479 = arith.constant 2 : i32
    %cond3A_480 = arith.constant 2 : i32
    %cond3A_481 = arith.constant 3 : i32
    %cond3A_482 = arith.constant 3 : i32
    %cond3A_483 = arith.constant 0 : i32
    %cond3A_484 = arith.cmpi ne, %convert_element_type3A_474, %cond3A_483 : i32
    scf.if %cond3A_484 {
      %dma_wait3A = arith.constant 0 : i32
      %dma_wait3A_498 = arith.constant 0 : i32
      %dma_wait3A_499 = arith.constant 0 : i32
      %dma_wait3A_500 = tpu.memref_slice %arg4[%dma_wait3A, %dma_wait3A_498, %cond3A_475, %dma_wait3A_499] : memref<32x2x4x128xf32, #tpu.memory_space<vmem>> -> memref<32x2x1x128xf32, #tpu.memory_space<vmem>>
      %dma_wait3A_501 = tpu.memref_squeeze %dma_wait3A_500 : memref<32x2x1x128xf32, #tpu.memory_space<vmem>> -> memref<32x2x128xf32, #tpu.memory_space<vmem>>
      %dma_wait3A_502 = arith.constant 0 : i32
      %dma_wait3A_503 = arith.constant 0 : i32
      %dma_wait3A_504 = tpu.memref_slice %arg3[%cond3A_476, %select_n3A_216, %mul3A_251, %dma_wait3A_502, %dma_wait3A_503] : memref<4x67x64x2x128xf32, #tpu.memory_space<hbm>> -> memref<1x1x32x2x128xf32, #tpu.memory_space<hbm>>
      %dma_wait3A_505 = tpu.memref_squeeze %dma_wait3A_504 : memref<1x1x32x2x128xf32, #tpu.memory_space<hbm>> -> memref<32x2x128xf32, #tpu.memory_space<hbm>>
      %dma_wait3A_506 = arith.constant 0 : i32
      %dma_wait3A_507 = arith.constant 0 : i32
      %dma_wait3A_508 = tpu.memref_slice %arg3[%cond3A_476, %select_n3A_216, %mul3A_251, %dma_wait3A_506, %dma_wait3A_507] : memref<4x67x64x2x128xf32, #tpu.memory_space<hbm>> -> memref<1x1x32x2x128xf32, #tpu.memory_space<hbm>>
      %dma_wait3A_509 = tpu.memref_squeeze %dma_wait3A_508 : memref<1x1x32x2x128xf32, #tpu.memory_space<hbm>> -> memref<32x2x128xf32, #tpu.memory_space<hbm>>
      %dma_wait3A_510 = arith.constant 0 : i32
      %dma_wait3A_511 = arith.constant 0 : i32
      %dma_wait3A_512 = arith.constant 0 : i32
      %dma_wait3A_513 = tpu.memref_slice %arg4[%dma_wait3A_510, %dma_wait3A_511, %cond3A_475, %dma_wait3A_512] : memref<32x2x4x128xf32, #tpu.memory_space<vmem>> -> memref<32x2x1x128xf32, #tpu.memory_space<vmem>>
      %dma_wait3A_514 = tpu.memref_squeeze %dma_wait3A_513 : memref<32x2x1x128xf32, #tpu.memory_space<vmem>> -> memref<32x2x128xf32, #tpu.memory_space<vmem>>
      tpu.wait_dma2 semaphore(%arg10 : memref<!tpu.dma_semaphore, #tpu.memory_space<semaphore_mem>>) src(%dma_wait3A_514 : memref<32x2x128xf32, #tpu.memory_space<vmem>>) dst(%dma_wait3A_509 : memref<32x2x128xf32, #tpu.memory_space<hbm>>)
      %dma_wait3A_515 = arith.constant 0 : i32
      %dma_wait3A_516 = arith.constant 0 : i32
      %dma_wait3A_517 = arith.constant 0 : i32
      %dma_wait3A_518 = tpu.memref_slice %arg4[%dma_wait3A_515, %dma_wait3A_516, %cond3A_477, %dma_wait3A_517] : memref<32x2x4x128xf32, #tpu.memory_space<vmem>> -> memref<32x2x1x128xf32, #tpu.memory_space<vmem>>
      %dma_wait3A_519 = tpu.memref_squeeze %dma_wait3A_518 : memref<32x2x1x128xf32, #tpu.memory_space<vmem>> -> memref<32x2x128xf32, #tpu.memory_space<vmem>>
      %dma_wait3A_520 = arith.constant 0 : i32
      %dma_wait3A_521 = arith.constant 0 : i32
      %dma_wait3A_522 = tpu.memref_slice %arg3[%cond3A_478, %select_n3A_216, %mul3A_253, %dma_wait3A_520, %dma_wait3A_521] : memref<4x67x64x2x128xf32, #tpu.memory_space<hbm>> -> memref<1x1x32x2x128xf32, #tpu.memory_space<hbm>>
      %dma_wait3A_523 = tpu.memref_squeeze %dma_wait3A_522 : memref<1x1x32x2x128xf32, #tpu.memory_space<hbm>> -> memref<32x2x128xf32, #tpu.memory_space<hbm>>
      %dma_wait3A_524 = arith.constant 0 : i32
      %dma_wait3A_525 = arith.constant 0 : i32
      %dma_wait3A_526 = tpu.memref_slice %arg3[%cond3A_478, %select_n3A_216, %mul3A_253, %dma_wait3A_524, %dma_wait3A_525] : memref<4x67x64x2x128xf32, #tpu.memory_space<hbm>> -> memref<1x1x32x2x128xf32, #tpu.memory_space<hbm>>
      %dma_wait3A_527 = tpu.memref_squeeze %dma_wait3A_526 : memref<1x1x32x2x128xf32, #tpu.memory_space<hbm>> -> memref<32x2x128xf32, #tpu.memory_space<hbm>>
      %dma_wait3A_528 = arith.constant 0 : i32
      %dma_wait3A_529 = arith.constant 0 : i32
      %dma_wait3A_530 = arith.constant 0 : i32
      %dma_wait3A_531 = tpu.memref_slice %arg4[%dma_wait3A_528, %dma_wait3A_529, %cond3A_477, %dma_wait3A_530] : memref<32x2x4x128xf32, #tpu.memory_space<vmem>> -> memref<32x2x1x128xf32, #tpu.memory_space<vmem>>
      %dma_wait3A_532 = tpu.memref_squeeze %dma_wait3A_531 : memref<32x2x1x128xf32, #tpu.memory_space<vmem>> -> memref<32x2x128xf32, #tpu.memory_space<vmem>>
      tpu.wait_dma2 semaphore(%arg10 : memref<!tpu.dma_semaphore, #tpu.memory_space<semaphore_mem>>) src(%dma_wait3A_532 : memref<32x2x128xf32, #tpu.memory_space<vmem>>) dst(%dma_wait3A_527 : memref<32x2x128xf32, #tpu.memory_space<hbm>>)
      %dma_wait3A_533 = arith.constant 0 : i32
      %dma_wait3A_534 = arith.constant 0 : i32
      %dma_wait3A_535 = arith.constant 0 : i32
      %dma_wait3A_536 = tpu.memref_slice %arg4[%dma_wait3A_533, %dma_wait3A_534, %cond3A_479, %dma_wait3A_535] : memref<32x2x4x128xf32, #tpu.memory_space<vmem>> -> memref<32x2x1x128xf32, #tpu.memory_space<vmem>>
      %dma_wait3A_537 = tpu.memref_squeeze %dma_wait3A_536 : memref<32x2x1x128xf32, #tpu.memory_space<vmem>> -> memref<32x2x128xf32, #tpu.memory_space<vmem>>
      %dma_wait3A_538 = arith.constant 0 : i32
      %dma_wait3A_539 = arith.constant 0 : i32
      %dma_wait3A_540 = tpu.memref_slice %arg3[%cond3A_480, %select_n3A_216, %mul3A_255, %dma_wait3A_538, %dma_wait3A_539] : memref<4x67x64x2x128xf32, #tpu.memory_space<hbm>> -> memref<1x1x32x2x128xf32, #tpu.memory_space<hbm>>
      %dma_wait3A_541 = tpu.memref_squeeze %dma_wait3A_540 : memref<1x1x32x2x128xf32, #tpu.memory_space<hbm>> -> memref<32x2x128xf32, #tpu.memory_space<hbm>>
      %dma_wait3A_542 = arith.constant 0 : i32
      %dma_wait3A_543 = arith.constant 0 : i32
      %dma_wait3A_544 = tpu.memref_slice %arg3[%cond3A_480, %select_n3A_216, %mul3A_255, %dma_wait3A_542, %dma_wait3A_543] : memref<4x67x64x2x128xf32, #tpu.memory_space<hbm>> -> memref<1x1x32x2x128xf32, #tpu.memory_space<hbm>>
      %dma_wait3A_545 = tpu.memref_squeeze %dma_wait3A_544 : memref<1x1x32x2x128xf32, #tpu.memory_space<hbm>> -> memref<32x2x128xf32, #tpu.memory_space<hbm>>
      %dma_wait3A_546 = arith.constant 0 : i32
      %dma_wait3A_547 = arith.constant 0 : i32
      %dma_wait3A_548 = arith.constant 0 : i32
      %dma_wait3A_549 = tpu.memref_slice %arg4[%dma_wait3A_546, %dma_wait3A_547, %cond3A_479, %dma_wait3A_548] : memref<32x2x4x128xf32, #tpu.memory_space<vmem>> -> memref<32x2x1x128xf32, #tpu.memory_space<vmem>>
      %dma_wait3A_550 = tpu.memref_squeeze %dma_wait3A_549 : memref<32x2x1x128xf32, #tpu.memory_space<vmem>> -> memref<32x2x128xf32, #tpu.memory_space<vmem>>
      tpu.wait_dma2 semaphore(%arg10 : memref<!tpu.dma_semaphore, #tpu.memory_space<semaphore_mem>>) src(%dma_wait3A_550 : memref<32x2x128xf32, #tpu.memory_space<vmem>>) dst(%dma_wait3A_545 : memref<32x2x128xf32, #tpu.memory_space<hbm>>)
      %dma_wait3A_551 = arith.constant 0 : i32
      %dma_wait3A_552 = arith.constant 0 : i32
      %dma_wait3A_553 = arith.constant 0 : i32
      %dma_wait3A_554 = tpu.memref_slice %arg4[%dma_wait3A_551, %dma_wait3A_552, %cond3A_481, %dma_wait3A_553] : memref<32x2x4x128xf32, #tpu.memory_space<vmem>> -> memref<32x2x1x128xf32, #tpu.memory_space<vmem>>
      %dma_wait3A_555 = tpu.memref_squeeze %dma_wait3A_554 : memref<32x2x1x128xf32, #tpu.memory_space<vmem>> -> memref<32x2x128xf32, #tpu.memory_space<vmem>>
      %dma_wait3A_556 = arith.constant 0 : i32
      %dma_wait3A_557 = arith.constant 0 : i32
      %dma_wait3A_558 = tpu.memref_slice %arg3[%cond3A_482, %select_n3A_216, %mul3A_257, %dma_wait3A_556, %dma_wait3A_557] : memref<4x67x64x2x128xf32, #tpu.memory_space<hbm>> -> memref<1x1x32x2x128xf32, #tpu.memory_space<hbm>>
      %dma_wait3A_559 = tpu.memref_squeeze %dma_wait3A_558 : memref<1x1x32x2x128xf32, #tpu.memory_space<hbm>> -> memref<32x2x128xf32, #tpu.memory_space<hbm>>
      %dma_wait3A_560 = arith.constant 0 : i32
      %dma_wait3A_561 = arith.constant 0 : i32
      %dma_wait3A_562 = tpu.memref_slice %arg3[%cond3A_482, %select_n3A_216, %mul3A_257, %dma_wait3A_560, %dma_wait3A_561] : memref<4x67x64x2x128xf32, #tpu.memory_space<hbm>> -> memref<1x1x32x2x128xf32, #tpu.memory_space<hbm>>
      %dma_wait3A_563 = tpu.memref_squeeze %dma_wait3A_562 : memref<1x1x32x2x128xf32, #tpu.memory_space<hbm>> -> memref<32x2x128xf32, #tpu.memory_space<hbm>>
      %dma_wait3A_564 = arith.constant 0 : i32
      %dma_wait3A_565 = arith.constant 0 : i32
      %dma_wait3A_566 = arith.constant 0 : i32
      %dma_wait3A_567 = tpu.memref_slice %arg4[%dma_wait3A_564, %dma_wait3A_565, %cond3A_481, %dma_wait3A_566] : memref<32x2x4x128xf32, #tpu.memory_space<vmem>> -> memref<32x2x1x128xf32, #tpu.memory_space<vmem>>
      %dma_wait3A_568 = tpu.memref_squeeze %dma_wait3A_567 : memref<32x2x1x128xf32, #tpu.memory_space<vmem>> -> memref<32x2x128xf32, #tpu.memory_space<vmem>>
      tpu.wait_dma2 semaphore(%arg10 : memref<!tpu.dma_semaphore, #tpu.memory_space<semaphore_mem>>) src(%dma_wait3A_568 : memref<32x2x128xf32, #tpu.memory_space<vmem>>) dst(%dma_wait3A_563 : memref<32x2x128xf32, #tpu.memory_space<hbm>>)
    } else {
    }
    %lt3A_485 = arith.constant 134 : i32
    %lt3A_486 = arith.cmpi slt, %add3A_259, %lt3A_485 : i32
    %convert_element_type3A_487 = arith.extui %lt3A_486 : i1 to i32
    %cond3A_488 = arith.constant 0 : i32
    %cond3A_489 = arith.constant 0 : i32
    %cond3A_490 = arith.constant 1 : i32
    %cond3A_491 = arith.constant 1 : i32
    %cond3A_492 = arith.constant 2 : i32
    %cond3A_493 = arith.constant 2 : i32
    %cond3A_494 = arith.constant 3 : i32
    %cond3A_495 = arith.constant 3 : i32
    %cond3A_496 = arith.constant 0 : i32
    %cond3A_497 = arith.cmpi ne, %convert_element_type3A_487, %cond3A_496 : i32
    scf.if %cond3A_497 {
      %dma_wait3A = arith.constant 0 : i32
      %dma_wait3A_498 = arith.constant 0 : i32
      %dma_wait3A_499 = arith.constant 0 : i32
      %dma_wait3A_500 = tpu.memref_slice %arg5[%dma_wait3A, %dma_wait3A_498, %cond3A_488, %dma_wait3A_499] : memref<32x2x4x128xf32, #tpu.memory_space<vmem>> -> memref<32x2x1x128xf32, #tpu.memory_space<vmem>>
      %dma_wait3A_501 = tpu.memref_squeeze %dma_wait3A_500 : memref<32x2x1x128xf32, #tpu.memory_space<vmem>> -> memref<32x2x128xf32, #tpu.memory_space<vmem>>
      %dma_wait3A_502 = arith.constant 0 : i32
      %dma_wait3A_503 = arith.constant 0 : i32
      %dma_wait3A_504 = tpu.memref_slice %arg3[%cond3A_489, %select_n3A_283, %mul3A_318, %dma_wait3A_502, %dma_wait3A_503] : memref<4x67x64x2x128xf32, #tpu.memory_space<hbm>> -> memref<1x1x32x2x128xf32, #tpu.memory_space<hbm>>
      %dma_wait3A_505 = tpu.memref_squeeze %dma_wait3A_504 : memref<1x1x32x2x128xf32, #tpu.memory_space<hbm>> -> memref<32x2x128xf32, #tpu.memory_space<hbm>>
      %dma_wait3A_506 = arith.constant 0 : i32
      %dma_wait3A_507 = arith.constant 0 : i32
      %dma_wait3A_508 = tpu.memref_slice %arg3[%cond3A_489, %select_n3A_283, %mul3A_318, %dma_wait3A_506, %dma_wait3A_507] : memref<4x67x64x2x128xf32, #tpu.memory_space<hbm>> -> memref<1x1x32x2x128xf32, #tpu.memory_space<hbm>>
      %dma_wait3A_509 = tpu.memref_squeeze %dma_wait3A_508 : memref<1x1x32x2x128xf32, #tpu.memory_space<hbm>> -> memref<32x2x128xf32, #tpu.memory_space<hbm>>
      %dma_wait3A_510 = arith.constant 0 : i32
      %dma_wait3A_511 = arith.constant 0 : i32
      %dma_wait3A_512 = arith.constant 0 : i32
      %dma_wait3A_513 = tpu.memref_slice %arg5[%dma_wait3A_510, %dma_wait3A_511, %cond3A_488, %dma_wait3A_512] : memref<32x2x4x128xf32, #tpu.memory_space<vmem>> -> memref<32x2x1x128xf32, #tpu.memory_space<vmem>>
      %dma_wait3A_514 = tpu.memref_squeeze %dma_wait3A_513 : memref<32x2x1x128xf32, #tpu.memory_space<vmem>> -> memref<32x2x128xf32, #tpu.memory_space<vmem>>
      tpu.wait_dma2 semaphore(%arg11 : memref<!tpu.dma_semaphore, #tpu.memory_space<semaphore_mem>>) src(%dma_wait3A_514 : memref<32x2x128xf32, #tpu.memory_space<vmem>>) dst(%dma_wait3A_509 : memref<32x2x128xf32, #tpu.memory_space<hbm>>)
      %dma_wait3A_515 = arith.constant 0 : i32
      %dma_wait3A_516 = arith.constant 0 : i32
      %dma_wait3A_517 = arith.constant 0 : i32
      %dma_wait3A_518 = tpu.memref_slice %arg5[%dma_wait3A_515, %dma_wait3A_516, %cond3A_490, %dma_wait3A_517] : memref<32x2x4x128xf32, #tpu.memory_space<vmem>> -> memref<32x2x1x128xf32, #tpu.memory_space<vmem>>
      %dma_wait3A_519 = tpu.memref_squeeze %dma_wait3A_518 : memref<32x2x1x128xf32, #tpu.memory_space<vmem>> -> memref<32x2x128xf32, #tpu.memory_space<vmem>>
      %dma_wait3A_520 = arith.constant 0 : i32
      %dma_wait3A_521 = arith.constant 0 : i32
      %dma_wait3A_522 = tpu.memref_slice %arg3[%cond3A_491, %select_n3A_283, %mul3A_320, %dma_wait3A_520, %dma_wait3A_521] : memref<4x67x64x2x128xf32, #tpu.memory_space<hbm>> -> memref<1x1x32x2x128xf32, #tpu.memory_space<hbm>>
      %dma_wait3A_523 = tpu.memref_squeeze %dma_wait3A_522 : memref<1x1x32x2x128xf32, #tpu.memory_space<hbm>> -> memref<32x2x128xf32, #tpu.memory_space<hbm>>
      %dma_wait3A_524 = arith.constant 0 : i32
      %dma_wait3A_525 = arith.constant 0 : i32
      %dma_wait3A_526 = tpu.memref_slice %arg3[%cond3A_491, %select_n3A_283, %mul3A_320, %dma_wait3A_524, %dma_wait3A_525] : memref<4x67x64x2x128xf32, #tpu.memory_space<hbm>> -> memref<1x1x32x2x128xf32, #tpu.memory_space<hbm>>
      %dma_wait3A_527 = tpu.memref_squeeze %dma_wait3A_526 : memref<1x1x32x2x128xf32, #tpu.memory_space<hbm>> -> memref<32x2x128xf32, #tpu.memory_space<hbm>>
      %dma_wait3A_528 = arith.constant 0 : i32
      %dma_wait3A_529 = arith.constant 0 : i32
      %dma_wait3A_530 = arith.constant 0 : i32
      %dma_wait3A_531 = tpu.memref_slice %arg5[%dma_wait3A_528, %dma_wait3A_529, %cond3A_490, %dma_wait3A_530] : memref<32x2x4x128xf32, #tpu.memory_space<vmem>> -> memref<32x2x1x128xf32, #tpu.memory_space<vmem>>
      %dma_wait3A_532 = tpu.memref_squeeze %dma_wait3A_531 : memref<32x2x1x128xf32, #tpu.memory_space<vmem>> -> memref<32x2x128xf32, #tpu.memory_space<vmem>>
      tpu.wait_dma2 semaphore(%arg11 : memref<!tpu.dma_semaphore, #tpu.memory_space<semaphore_mem>>) src(%dma_wait3A_532 : memref<32x2x128xf32, #tpu.memory_space<vmem>>) dst(%dma_wait3A_527 : memref<32x2x128xf32, #tpu.memory_space<hbm>>)
      %dma_wait3A_533 = arith.constant 0 : i32
      %dma_wait3A_534 = arith.constant 0 : i32
      %dma_wait3A_535 = arith.constant 0 : i32
      %dma_wait3A_536 = tpu.memref_slice %arg5[%dma_wait3A_533, %dma_wait3A_534, %cond3A_492, %dma_wait3A_535] : memref<32x2x4x128xf32, #tpu.memory_space<vmem>> -> memref<32x2x1x128xf32, #tpu.memory_space<vmem>>
      %dma_wait3A_537 = tpu.memref_squeeze %dma_wait3A_536 : memref<32x2x1x128xf32, #tpu.memory_space<vmem>> -> memref<32x2x128xf32, #tpu.memory_space<vmem>>
      %dma_wait3A_538 = arith.constant 0 : i32
      %dma_wait3A_539 = arith.constant 0 : i32
      %dma_wait3A_540 = tpu.memref_slice %arg3[%cond3A_493, %select_n3A_283, %mul3A_322, %dma_wait3A_538, %dma_wait3A_539] : memref<4x67x64x2x128xf32, #tpu.memory_space<hbm>> -> memref<1x1x32x2x128xf32, #tpu.memory_space<hbm>>
      %dma_wait3A_541 = tpu.memref_squeeze %dma_wait3A_540 : memref<1x1x32x2x128xf32, #tpu.memory_space<hbm>> -> memref<32x2x128xf32, #tpu.memory_space<hbm>>
      %dma_wait3A_542 = arith.constant 0 : i32
      %dma_wait3A_543 = arith.constant 0 : i32
      %dma_wait3A_544 = tpu.memref_slice %arg3[%cond3A_493, %select_n3A_283, %mul3A_322, %dma_wait3A_542, %dma_wait3A_543] : memref<4x67x64x2x128xf32, #tpu.memory_space<hbm>> -> memref<1x1x32x2x128xf32, #tpu.memory_space<hbm>>
      %dma_wait3A_545 = tpu.memref_squeeze %dma_wait3A_544 : memref<1x1x32x2x128xf32, #tpu.memory_space<hbm>> -> memref<32x2x128xf32, #tpu.memory_space<hbm>>
      %dma_wait3A_546 = arith.constant 0 : i32
      %dma_wait3A_547 = arith.constant 0 : i32
      %dma_wait3A_548 = arith.constant 0 : i32
      %dma_wait3A_549 = tpu.memref_slice %arg5[%dma_wait3A_546, %dma_wait3A_547, %cond3A_492, %dma_wait3A_548] : memref<32x2x4x128xf32, #tpu.memory_space<vmem>> -> memref<32x2x1x128xf32, #tpu.memory_space<vmem>>
      %dma_wait3A_550 = tpu.memref_squeeze %dma_wait3A_549 : memref<32x2x1x128xf32, #tpu.memory_space<vmem>> -> memref<32x2x128xf32, #tpu.memory_space<vmem>>
      tpu.wait_dma2 semaphore(%arg11 : memref<!tpu.dma_semaphore, #tpu.memory_space<semaphore_mem>>) src(%dma_wait3A_550 : memref<32x2x128xf32, #tpu.memory_space<vmem>>) dst(%dma_wait3A_545 : memref<32x2x128xf32, #tpu.memory_space<hbm>>)
      %dma_wait3A_551 = arith.constant 0 : i32
      %dma_wait3A_552 = arith.constant 0 : i32
      %dma_wait3A_553 = arith.constant 0 : i32
      %dma_wait3A_554 = tpu.memref_slice %arg5[%dma_wait3A_551, %dma_wait3A_552, %cond3A_494, %dma_wait3A_553] : memref<32x2x4x128xf32, #tpu.memory_space<vmem>> -> memref<32x2x1x128xf32, #tpu.memory_space<vmem>>
      %dma_wait3A_555 = tpu.memref_squeeze %dma_wait3A_554 : memref<32x2x1x128xf32, #tpu.memory_space<vmem>> -> memref<32x2x128xf32, #tpu.memory_space<vmem>>
      %dma_wait3A_556 = arith.constant 0 : i32
      %dma_wait3A_557 = arith.constant 0 : i32
      %dma_wait3A_558 = tpu.memref_slice %arg3[%cond3A_495, %select_n3A_283, %mul3A_324, %dma_wait3A_556, %dma_wait3A_557] : memref<4x67x64x2x128xf32, #tpu.memory_space<hbm>> -> memref<1x1x32x2x128xf32, #tpu.memory_space<hbm>>
      %dma_wait3A_559 = tpu.memref_squeeze %dma_wait3A_558 : memref<1x1x32x2x128xf32, #tpu.memory_space<hbm>> -> memref<32x2x128xf32, #tpu.memory_space<hbm>>
      %dma_wait3A_560 = arith.constant 0 : i32
      %dma_wait3A_561 = arith.constant 0 : i32
      %dma_wait3A_562 = tpu.memref_slice %arg3[%cond3A_495, %select_n3A_283, %mul3A_324, %dma_wait3A_560, %dma_wait3A_561] : memref<4x67x64x2x128xf32, #tpu.memory_space<hbm>> -> memref<1x1x32x2x128xf32, #tpu.memory_space<hbm>>
      %dma_wait3A_563 = tpu.memref_squeeze %dma_wait3A_562 : memref<1x1x32x2x128xf32, #tpu.memory_space<hbm>> -> memref<32x2x128xf32, #tpu.memory_space<hbm>>
      %dma_wait3A_564 = arith.constant 0 : i32
      %dma_wait3A_565 = arith.constant 0 : i32
      %dma_wait3A_566 = arith.constant 0 : i32
      %dma_wait3A_567 = tpu.memref_slice %arg5[%dma_wait3A_564, %dma_wait3A_565, %cond3A_494, %dma_wait3A_566] : memref<32x2x4x128xf32, #tpu.memory_space<vmem>> -> memref<32x2x1x128xf32, #tpu.memory_space<vmem>>
      %dma_wait3A_568 = tpu.memref_squeeze %dma_wait3A_567 : memref<32x2x1x128xf32, #tpu.memory_space<vmem>> -> memref<32x2x128xf32, #tpu.memory_space<vmem>>
      tpu.wait_dma2 semaphore(%arg11 : memref<!tpu.dma_semaphore, #tpu.memory_space<semaphore_mem>>) src(%dma_wait3A_568 : memref<32x2x128xf32, #tpu.memory_space<vmem>>) dst(%dma_wait3A_563 : memref<32x2x128xf32, #tpu.memory_space<hbm>>)
    } else {
    }
    return
  }
}

</mosaic_0001>

<sc_bundles>
// kernel: kernel.3.cloned.1.call-start
scs
__scs_entry_jumppad:
0x0: {  	(pc) =	sbr.rel $0x88, $3  }
0x1: {  	(tag) =	ssettag $0x0;
	lr =	simm.s32 $0x1  }
0x2: {  	[smem:$0x3FA0] =	sst lr;
	_ =	strace $0xD0000000  }
0x3: {  	_ = 	snop  }
0x4: {  	_ = 	snop  }
0x5: {  	_ = 	snop  }
0x6: {  	_ = 	snop  }
0x7: {  	_ = 	snop  }
__scs_overlays_trampoline_lowered:
0x8: {  	[smem:$0x3FAF] =	sst s0  }
0x9: {  	[smem:$0x3FB0] =	sst s1  }
0xa: {  	[smem:$0x3FB1] =	sst s2  }
0xb: {  	[smem:$0x3FB2] =	sst s3  }
0xc: {  	[smem:$0x3FB3] =	sst s4  }
0xd: {  	[smem:$0x3FB4] =	sst s5  }
0xe: {  	[smem:$0x3FB5] =	sst s6  }
0xf: {  	[smem:$0x3FB6] =	sst s7  }
0x10: {  	[smem:$0x3FB7] =	sst s8  }
0x11: {  	[smem:$0x3FB8] =	sst s9;
	s0 =	simm.s32 @!p0 $0x0  }
0x12: {  	s1 =	sld [smem:$0x3F9E];
	s0 =	simm.s32 @p0 $0x1  }
0x13: {  	[smem:$0x3FB9] =	sst s0;
	s0 =	simm.s32 @!p1 $0x0  }
0x14: {  	s2 =	sld [smem:$0x3F9D];
	s0 =	simm.s32 @p1 $0x1  }
0x15: {  	[smem:$0x3FBA] =	sst s0;
	s0 =	simm.s32 @!p2 $0x0  }
0x16: {  	s3 =	sld [smem:$0x3FDB];
	s0 =	simm.s32 @p2 $0x1  }
0x17: {  	s4 =	simm.s32 $0x1BF5;
	[smem:$0x3FBC] =	sst s0  }
0x18: {  	s0 =	sld [smem:$0x3F9F];
	_ =	swait.ge [sflag:s4], $0x0  }
0x19: {  	s7 =	sld [smem:$0x3FA0]  }
0x1a: {  	s8 =	sadd.s32 $0xFFFFE003, lr  }
0x1b: {  	s9 =	sadd.s32 $0xFFFFFEF7, lr;
	s5 =	simm.s32 $0xFFFFFFFF;
	p2 =	slt.u32 s8, $0xFFFFF086  }
0x1c: {  	p1 =	slt.u32 s9, $0xF7A;
	s5 =	simm.s32 @!p2 $0x0  }
0x1d: {  	s5 =	simm.s32 @p1 $0x1;
	p0 =	seq.s32 s7, s2  }
0x1e: {  	s7 =	smul.u32 @!p0 $0xF7A, s2;
	p2 =	seq.s32 @!p0 s5, $0x0  }
0x1f: {  	s9 =	smul.u32 $0xF7A, s1;
	s8 =	simm.s32 @!p0 $0x1BF5;
	p2 =	por !p2, p0  }
0x20: {  	[sflag:s8] =	ssyncset.s32 @!p0 $0xFFFFF086;
	s6 =	sadd.s32 @!p0 s3, s7;
	s7 =	simm.s32 @!p0 $0x108  }
0x21: {  	s3 =	sadd.s32 s3, s9;
	s6 =	sadd.s32 @!p0 $0x88, s6;
	s7 =	simm.s32 @p2 $0x1082  }
0x22: {  	[simem:s7], [sflag:s8] =	dma.local @!p0 [hbm:s6], $0xF7A  }
0x23: {  	s9 =	sor.u32 $0xD0000000, s2;
	s6 =	simm.s32 $0x108;
	_ =	swait.ge @!p0 [sflag:s8], $0x0  }
0x24: {  	s3 =	sadd.s32 $0x88, s3;
	s6 =	simm.s32 @!p1 $0x1082;
	[sflag:s4] =	ssyncset.s32 $0xFFFFF086  }
0x25: {  	[simem:s6], [sflag:s4] =	dma.local [hbm:s3], $0xF7A  }
0x26: {  	[smem:$0x3FA0] =	sst s1;
	(tag) =	ssettag s2;
	_ =	strace s9  }
0x27: {  	s1 =	sld [smem:$0x3FB0]  }
0x28: {  	s2 =	sld [smem:$0x3FB1]  }
0x29: {  	s4 =	sld [smem:$0x3FB3]  }
0x2a: {  	p0 =	seq.s32 s5, $0x0;
	s5 =	sld [smem:$0x3FB4]  }
0x2b: {  	s6 =	sld [smem:$0x3FB5]  }
0x2c: {  	s7 =	sld [smem:$0x3FB6]  }
0x2d: {  	s3 =	simm.s32 $0x108;
	s8 =	sld [smem:$0x3FB7]  }
0x2e: {  	s3 =	simm.s32 @!p0 $0x1082;
	s9 =	sld [smem:$0x3FB8]  }
0x2f: {  	lr =	sadd.s32 s0, s3;
	s0 =	sld [smem:$0x3FAF]  }
0x30: {  	s3 =	sld [smem:$0x3FB2]  }
0x31: {  	[smem:$0x3FBB] =	sst s10  }
0x32: {  	s10 =	sld [smem:$0x3FB9];
	_ =	sdelay $0x3  }
0x33: {  	p0 =	seq.s32 s10, $0x1;
	s10 =	sld [smem:$0x3FBB];
	_ =	sdelay $0x3  }
0x34: {  	[smem:$0x3FBB] =	sst s10  }
0x35: {  	s10 =	sld [smem:$0x3FBA];
	_ =	sdelay $0x3  }
0x36: {  	p1 =	seq.s32 s10, $0x1;
	s10 =	sld [smem:$0x3FBB];
	_ =	sdelay $0x3  }
0x37: {  	[smem:$0x3FBB] =	sst s10  }
0x38: {  	s10 =	sld [smem:$0x3FBC]  }
0x39: {  	_ = 	snop;
	(pc) =	sbr.ind lr, $3  }
0x3a: {  	_ = 	snop  }
0x3b: {  	_ = 	snop  }
0x3c: {  	p2 =	seq.s32 s10, $0x1;
	s10 =	sld [smem:$0x3FBB]  }
0x3d: {  	_ =	shalt  }
0x3e: {  	_ =	shalt  }
0x3f: {  	_ =	shalt  }
0x40: {  	_ =	shalt  }
0x41: {  	_ =	shalt  }
0x42: {  	_ =	shalt  }
0x43: {  	_ =	shalt  }
0x44: {  	_ =	shalt  }
0x45: {  	_ =	shalt  }
0x46: {  	_ =	shalt  }
0x47: {  	_ =	shalt  }
0x48: {  	_ =	shalt  }
0x49: {  	_ =	shalt  }
0x4a: {  	_ =	shalt  }
0x4b: {  	_ =	shalt  }
0x4c: {  	_ =	shalt  }
0x4d: {  	_ =	shalt  }
0x4e: {  	_ =	shalt  }
0x4f: {  	_ =	shalt  }
0x50: {  	_ =	shalt  }
0x51: {  	_ =	shalt  }
0x52: {  	_ =	shalt  }
0x53: {  	_ =	shalt  }
0x54: {  	_ =	shalt  }
0x55: {  	_ =	shalt  }
0x56: {  	_ =	shalt  }
0x57: {  	_ =	shalt  }
0x58: {  	_ =	shalt  }
0x59: {  	_ =	shalt  }
0x5a: {  	_ =	shalt  }
0x5b: {  	_ =	shalt  }
0x5c: {  	_ =	shalt  }
0x5d: {  	_ =	shalt  }
0x5e: {  	_ =	shalt  }
0x5f: {  	_ =	shalt  }
0x60: {  	_ =	shalt  }
0x61: {  	_ =	shalt  }
0x62: {  	_ =	shalt  }
0x63: {  	_ =	shalt  }
0x64: {  	_ =	shalt  }
0x65: {  	_ =	shalt  }
0x66: {  	_ =	shalt  }
0x67: {  	_ =	shalt  }
0x68: {  	_ =	shalt  }
0x69: {  	_ =	shalt  }
0x6a: {  	_ =	shalt  }
0x6b: {  	_ =	shalt  }
0x6c: {  	_ =	shalt  }
0x6d: {  	_ =	shalt  }
0x6e: {  	_ =	shalt  }
0x6f: {  	_ =	shalt  }
0x70: {  	_ =	shalt  }
0x71: {  	_ =	shalt  }
0x72: {  	_ =	shalt  }
0x73: {  	_ =	shalt  }
0x74: {  	_ =	shalt  }
0x75: {  	_ =	shalt  }
0x76: {  	_ =	shalt  }
0x77: {  	_ =	shalt  }
0x78: {  	_ =	shalt  }
0x79: {  	_ =	shalt  }
0x7a: {  	_ =	shalt  }
0x7b: {  	_ =	shalt  }
0x7c: {  	_ =	shalt  }
0x7d: {  	_ =	shalt  }
0x7e: {  	_ =	shalt  }
0x7f: {  	_ =	shalt  }
0x80: {  	_ =	shalt  }
0x81: {  	_ =	shalt  }
0x82: {  	_ =	shalt  }
0x83: {  	_ =	shalt  }
0x84: {  	_ =	shalt  }
0x85: {  	_ =	shalt  }
0x86: {  	_ =	shalt  }
0x87: {  	_ =	shalt  }
.Lfunc_end0:
.L_simem_size_0:
called_computation_lowered:
.L_overlay_start_0:
0x88: {  	s2 =	sld [smem:$0x3FD9]  }
0x89: {  	s3 =	sld [smem:$0x3FFE];
	_ =	sdelay $0x1  }
0x8a: {  	s1 =	srdreg.scid  }
0x8b: {  	s0 =	sand.u32 $0x1, s1  }
0x8c: {  	s18 =	sshll.u32 s0, $0xA;
	s2 =	sadd.s32 s3, s2  }
0x8d: {  	s2 =	sadd.s32 s2, s18  }
0x8e: {  	[smem:$0x3FC7] =	sst s2  }
0x8f: {  	_ = 	snop  }
0x90: {  	s2 =	sld [smem:$0x3FC9]  }
0x91: {  	s19 =	sld [smem:$0x3FD0];
	(tm) =	ssettm $0x1  }
0x92: {  	s4 =	sld [smem:$0x3FFB];
	_ =	sdelay $0x3  }
0x93: {  	_ =	strace s4  }
0x94: {  	s4 =	sld [smem:$0x3FFC];
	_ =	sdelay $0x3  }
0x95: {  	_ =	strace s4  }
0x96: {  	s4 =	sld [smem:$0x3FFD];
	_ =	sdelay $0x3  }
0x97: {  	_ =	strace s4  }
0x98: {  	_ =	strace $0x8FFFFFFF  }
0x99: {  	s20 =	sld [smem:$0x3FDB];
	_ =	sdelay $0x1  }
0x9a: {  	s5 =	simm.s32 $_scs_section_size  }
0x9b: {  	s6 =	simm.s32 $_size__tile_overlayer_lowered;
	s7 =	simm.s32 $_tile_overlayer_lowered  }
0x9c: {  	s23 =	simm.s32 $0x1BFF;
	s22 =	sshll.u32 s7, $0x1;
	s4 =	sadd.s32 s5, s20  }
0x9d: {  	s8 =	simm.s32 $0x0;
	s21 =	sshll.u32 s6, $0x1;
	s6 =	sadd.s32 s22, s4  }
0x9e: {  	[timem:s8], [sflag:s23] =	dma.local [hbm:s6], s21  }
0x9f: {  	_ =	swait.ge [sflag:s23], s21  }
0xa0: {  	s5 =	ssub.s32 $0x0, s21;
	[sflag:s23] =	ssyncset.done $0x0  }
0xa1: {  	[sflag:s23] =	ssyncadd.s32 s5;
	_ =	sdelay $0x1  }
0xa2: {  	s24 =	simm.s32 $0x1B8B  }
0xa3: {  	_ =	swait.ge [sflag:s24], $0x1  }
0xa4: {  	[sflag:s24] =	ssyncset.done $0x0  }
0xa5: {  	s25 =	simm.s32 $0x1B8E;
	[sflag:s24] =	ssyncadd.s32 $0xFFFFFFFF  }
0xa6: {  	s26 =	simm.s32 $execute0_lowered;
	[smem:$0x3FD2] =	sst s25  }
0xa7: {  	s5 =	sshll.u32 s26, $0x1;
	_ =	strace $0x80000046;
	[dreg:$0x1] =	wrdreg $0xFFFFFFFF  }
0xa8: {  	s28 =	simm.s32 $_size_execute0_lowered;
	s4 =	sadd.s32 s4, s5;
	[dreg:$0x0] =	wrdreg $0x0  }
0xa9: {  	s5 =	sshll.u32 s28, $0x1;
	[dreg:$0x2] =	wrdreg s4  }
0xaa: {  	[dreg:$0x3] =	wrdreg s5  }
0xab: {  	[dreg:$0x4] =	wrdreg $0xC0  }
0xac: {  	_ =	task [dreg:s8], $0x5FFFF  }
0xad: {  	[dreg:$0x1] =	wrdreg $0xFFFFFFFF  }
0xae: {  	[dreg:$0x0] =	wrdreg $0x60  }
0xaf: {  	[dreg:$0x2] =	wrdreg s2  }
0xb0: {  	[dreg:$0x3] =	wrdreg s19  }
0xb1: {  	[dreg:$0x4] =	wrdreg $0x9  }
0xb2: {  	_ =	task.clear_ibuf [dreg:s8], $0x5FFFF;
	_ =	strace $0x90000046  }
0xb3: {  	s29 =	simm.s32 $0x9;
	_ =	strace $0x80000048  }
0xb4: {  	_ =	swait.ge [sflag:s29], $0x1  }
0xb5: {  	[sflag:s29] =	ssyncadd.s32 $0xFFFFFFFF  }
0xb6: {  	_ =	strace $0x90000048  }
0xb7: {  	_ =	sfence  }
0xb8: {  	s30 =	sld [smem:$0x0];
	_ =	sdelay $0x2  }
0xb9: {  	s31 =	sshll.u32 s1, $0xD;
	s1 =	sshrl.u32 s1, $0x2  }
0xba: {  	s3 =	sand.u32 $0x4000, s31;
	s1 =	sadd.s32 s1, s30  }
0xbb: {  	s0 =	sor.u32 s3, s0;
	s1 =	sshll.u32 s1, $0x11  }
0xbc: {  	s0 =	sor.u32 s1, s0  }
0xbd: {  	s0 =	sadd.s32 $0x8F2B, s0  }
0xbe: {  	[sflag:s0] =	ssyncadd.remote.s32 $0x1  }
0xbf: {  	_ =	sfence.sel $0xFFFF  }
0xc0: {  	[dreg:$0x0] =	wrdreg $0xFFFFFFFF;
	(pc) =	sbr.abs _section_cstart, $3  }
0xc1: {  	[dreg:$0x1] =	wrdreg $0xFFFFFFFF  }
0xc2: {  	_ =	task.clear_ibuf [dreg:s8], $0x2FFFF;
	_ =	strace $0x9FFFFFFF  }
0xc3: {  	(tm) =	ssettm $0x7FFFFFFF  }
tec
execute0_lowered:
.L_overlay_start_1:
0x0: {  	(tag) =	ssettag $0x1  }
0x1: {  	s0 =	srdreg.scid  }
0x2: {  	s26 =	stileid.u32;
	s1 =	rddreg [dreg:$0x1]  }
0x3: {  	s4 =	simm.s32 $0x1;
	s29 =	simm.s32 $0x1;
	s3 =	sand.u32 $0x1, s0  }
0x4: {  	s0 =	rddreg [dreg:$0x0];
	s13 =	sor.u32 $0x10, s26;
	s20 =	smul.u32 $0x18000, s26  }
0x5: {  	s28 =	sshll.u32 s26, $0xE;
	s2 =	sor.u32 s3, s26;
	p1 =	seq.s32 s3, $0x1  }
0x6: {  	s5 =	smov.u32 s13;
	s8 =	ssub.s32 $0x2, s3;
	p0 =	seq.s32 s2, $0x0  }
0x7: {  	s9 =	sshll.u32 s3, $0xE;
	s13 =	sshll.u32 s13, $0xE;
	p0 =	por !p0, !p1  }
0x8: {  	s2 =	simm.s32 $0x0;
	s16 =	sshrl.u32 s8, $0x1;
	p0 =	por !p0, !p0  }
0x9: {  	[smem:$0x7FF] =	sst s2;
	s31 =	ssub.s32 s8, s16;
	s4 =	simm.s32 @!p0 $0x0  }
0xa: {  	s16 =	sshll.u32 s3, $0xD;
	_ =	strace $0x80000047;
	s7 =	ssub.s32 s26, s4  }
0xb: {  	p0 =	sgt.u32 s26, $0x8;
	s4 =	sadd.s32 $0x56, s26;
	s6 =	smul.u32 $0x18000, s7  }
0xc: {  	s5 =	smov.u32 @p0 s4;
	s7 =	sshll.u32 s7, $0xE;
	p0 =	sgt.u32 s26, $0x2  }
0xd: {  	s26 =	simm.s32 $0x0;
	s5 =	smul.u32 $0x18000, s5;
	s10 =	sor.u32 s16, s7  }
0xe: {  	s6 =	sor.u32 s9, s6;
	s21 =	sshrl.u32 s10, $0x3;
	s11 =	sadd.s32 $0x10C000, s10  }
0xf: {  	s12 =	sadd.s32 $0x218000, s10;
	s14 =	sadd.s32 $0x324000, s10;
	s17 =	sshrl.u32 s6, $0x3  }
0x10: {  	s18 =	sadd.s32 $0x8000, s6;
	s5 =	sor.u32 s9, s5;
	s11 =	sshrl.u32 s11, $0x3  }
0x11: {  	s12 =	sshrl.u32 s12, $0x3;
	s22 =	sshrl.u32 s14, $0x3;
	s3 =	sadd.s32 s0, s17  }
0x12: {  	s4 =	sshrl.u32 s18, $0x3;
	s19 =	sadd.s32 $0x8000, s5;
	s5 =	sshrl.u32 s5, $0x3  }
0x13: {  	s17 =	sor.u32 s9, s20;
	s10 =	sadd.s32 s1, s11;
	s11 =	sadd.s32 s1, s12  }
0x14: {  	s12 =	sadd.s32 s1, s22;
	s18 =	sor.u32 s16, s13;
	s16 =	sor.u32 s16, s28  }
0x15: {  	s28 =	smax.u32 s31, $0x1;
	s4 =	sadd.s32 s0, s4;
	s6 =	sshrl.u32 s19, $0x3  }
0x16: {  	s5 =	sadd.s32 s0, s5;
	s8 =	sadd.s32 $0x990000, s17;
	s9 =	sadd.s32 $0x998000, s17  }
0x17: {  	s23 =	sadd.s32 $0xB10000, s17;
	s15 =	sadd.s32 $0xB18000, s17;
	s25 =	sshrl.u32 s18, $0x3  }
0x18: {  	s19 =	sadd.s32 $0xC90000, s17;
	s17 =	sadd.s32 $0xC98000, s17;
	s16 =	sshrl.u32 s16, $0x3  }
0x19: {  	[dreg:$0x9] =	wrdreg s28;
	s6 =	sadd.s32 s0, s6;
	s8 =	sshrl.u32 s8, $0x3  }
0x1a: {  	s9 =	sshrl.u32 s9, $0x3;
	s14 =	sshrl.u32 s23, $0x3;
	s24 =	sshrl.u32 s15, $0x3  }
0x1b: {  	s15 =	sadd.s32 s1, s25;
	s30 =	sshrl.u32 s19, $0x3;
	s17 =	sshrl.u32 s17, $0x3  }
0x1c: {  	s16 =	sadd.s32 s1, s16;
	s7 =	sadd.s32 s0, s8;
	s8 =	sadd.s32 s0, s9  }
0x1d: {  	s9 =	sadd.s32 s1, s21;
	s13 =	sadd.s32 s0, s14;
	s14 =	sadd.s32 s0, s24  }
0x1e: {  	s18 =	sadd.s32 s0, s30;
	s0 =	sadd.s32 s0, s17;
	s19 =	sadd.s32 $0x31800, s16  }
0x1f: {  	s20 =	sadd.s32 $0x53000, s16;
	s21 =	sadd.s32 $0x74800, s16;
	s22 =	sadd.s32 $0x18000, s16  }
0x20: {  	s23 =	sadd.s32 $0x39800, s16;
	s24 =	sadd.s32 $0x5B000, s16;
	[dreg:$0x3] =	wrdreg s18  }
.Ltmp0:
0x21: {  	s1 =	sadd.s32 $0x20000, s16;
	[dreg:$0x4] =	wrdreg s0;
	(pc) =	sbr.rel .LBB2_1-.Ltmp0, $4  }
0x22: {  	s25 =	sadd.s32 $0x7C800, s16;
	s17 =	sadd.s32 $0x63000, s16;
	[dreg:$0x5] =	wrdreg s1  }
0x23: {  	s30 =	sadd.s32 $0x41800, s16;
	s31 =	sadd.s32 $0x43000, s15;
	[dreg:$0x7] =	wrdreg s17  }
0x24: {  	s18 =	sadd.s32 $0x10000, s16;
	s0 =	sadd.s32 $0x84800, s16;
	[dreg:$0x6] =	wrdreg s30  }
0x25: {  	s1 =	sadd.s32 $0x64800, s15;
	[dreg:$0x8] =	wrdreg s0;
	s0 =	sadd.s32 $0x21800, s15  }
.LBB2_64:
0x26: {  	[hbm4b:s28+s2] =	stream.linear.scatter [tilespmem:s16], [sflag:$0x5], $0x80, $0x38;
	[tilespmem:$0x18000] =	vst v63  }
0x27: {  	s29 =	simm.s32 $0x1;
	s26 =	rddreg [dreg:$0xa]  }
.LBB2_65:
0x28: {  	s16 =	simm.s32 $0x6  }
0x29: {  	_ =	swait.ge [sflag:s16], $0x2000  }
0x2a: {  	[sflag:s16] =	ssyncset.done $0x0  }
0x2b: {  	[sflag:s16] =	ssyncadd.s32 $0xFFFFE000  }
0x2c: {  	_ =	swait.ge [sflag:s16], $0x2000  }
0x2d: {  	[sflag:s16] =	ssyncset.done $0x0  }
0x2e: {  	[sflag:s16] =	ssyncadd.s32 $0xFFFFE000  }
0x2f: {  	_ =	swait.ge [sflag:s16], $0x2000  }
0x30: {  	[sflag:s16] =	ssyncset.done $0x0  }
0x31: {  	[sflag:s16] =	ssyncadd.s32 $0xFFFFE000  }
0x32: {  	_ =	swait.ge [sflag:s16], $0x2000  }
0x33: {  	[sflag:s16] =	ssyncset.done $0x0  }
0x34: {  	s30 =	simm.s32 $0x4;
	[sflag:s16] =	ssyncadd.s32 $0xFFFFE000  }
0x35: {  	_ =	swait.ge [sflag:s30], $0x2000  }
0x36: {  	[sflag:s30] =	ssyncset.done $0x0  }
0x37: {  	[sflag:s30] =	ssyncadd.s32 $0xFFFFE000  }
0x38: {  	_ =	swait.ge [sflag:s30], $0x2000  }
0x39: {  	[sflag:s30] =	ssyncset.done $0x0  }
0x3a: {  	[sflag:s30] =	ssyncadd.s32 $0xFFFFE000  }
0x3b: {  	_ =	swait.ge [sflag:s30], $0x2000  }
0x3c: {  	[sflag:s30] =	ssyncset.done $0x0  }
0x3d: {  	[sflag:s30] =	ssyncadd.s32 $0xFFFFE000  }
0x3e: {  	_ =	swait.ge [sflag:s30], $0x2000  }
0x3f: {  	[sflag:s30] =	ssyncset.done $0x0  }
0x40: {  	s16 =	simm.s32 @!p0 $0x5;
	[sflag:s30] =	ssyncadd.s32 $0xFFFFE000  }
0x41: {  	_ =	swait.ge @!p0 [sflag:s16], $0x2000  }
0x42: {  	[sflag:s16] =	ssyncset.done @!p0 $0x0  }
0x43: {  	[sflag:s16] =	ssyncadd.s32 @!p0 $0xFFFFE000  }
0x44: {  	_ =	swait.ge @!p0 [sflag:s16], $0x2000  }
0x45: {  	[sflag:s16] =	ssyncset.done @!p0 $0x0  }
0x46: {  	[sflag:s16] =	ssyncadd.s32 @!p0 $0xFFFFE000  }
0x47: {  	_ =	swait.ge @!p0 [sflag:s16], $0x2000  }
0x48: {  	[sflag:s16] =	ssyncset.done @!p0 $0x0  }
0x49: {  	[sflag:s16] =	ssyncadd.s32 @!p0 $0xFFFFE000  }
0x4a: {  	_ =	swait.ge @!p0 [sflag:s16], $0x2000  }
0x4b: {  	s26 =	sadd.s32 $0x1, s26;
	s17 =	rddreg [dreg:$0x9]  }
0x4c: {  	p1 =	sne.s32 s26, s17  }
.Ltmp1:
0x4d: {  	_ = 	snop;
	(pc) =	sbr.rel @!p1 .LBB2_66-.Ltmp1, $3  }
0x4e: {  	_ =	sdelay $0x1  }
0x4f: {  	[sflag:s16] =	ssyncset.done @!p0 $0x0  }
0x50: {  	[sflag:s16] =	ssyncadd.s32 @!p0 $0xFFFFE000  }
.LBB2_1:
0x51: {  	[dreg:$0xa] =	wrdreg s26;
	s16 =	simm.s32 $0x40  }
0x52: {  	s28 =	sadd.s32 $0x0, s3;
	s17 =	simm.s32 $0x400;
	s26 =	simm.s32 $0x0  }
.LBB2_2:
0x53: {  	[tilespmem:s26], [sflag:$0x1] =	stream.linear.gather [hbm4b:s28+s2], $0x200, $0x38;
	[tilespmem:$0x18000] =	vst v63  }
0x54: {  	s28 =	smov.u32 s16;
	s26 =	smov.u32 s17;
	p1 =	sne.s32 s16, $0x7C0  }
.Ltmp2:
0x55: {  	s16 =	sadd.s32 $0x40, s16;
	(pc) =	sbr.rel @p1 .LBB2_2-.Ltmp2, $2  }
0x56: {  	_ =	sdelay $0x2  }
0x57: {  	s17 =	sadd.s32 $0x400, s17;
	s28 =	sadd.s32 s28, s3  }
0x58: {  	[tilespmem:s26], [sflag:$0x1] =	stream.linear.gather [hbm4b:s28+s2], $0x200, $0x38;
	[tilespmem:$0x18000] =	vst v63  }
0x59: {  	s16 =	simm.s32 $0x200  }
0x5a: {  	s17 =	simm.s32 $0x40;
	s28 =	sadd.s32 $0x0, s4;
	s26 =	simm.s32 $0x600  }
.LBB2_4:
0x5b: {  	[tilespmem:s16], [sflag:$0x1] =	stream.linear.gather [hbm4b:s28+s2], $0x200, $0x38;
	[tilespmem:$0x18000] =	vst v63  }
0x5c: {  	s28 =	smov.u32 s17;
	s16 =	smov.u32 s26;
	p1 =	sne.s32 s17, $0x7C0  }
.Ltmp3:
0x5d: {  	s17 =	sadd.s32 $0x40, s17;
	(pc) =	sbr.rel @p1 .LBB2_4-.Ltmp3, $2  }
0x5e: {  	_ =	sdelay $0x2  }
0x5f: {  	s26 =	sadd.s32 $0x400, s26;
	s28 =	sadd.s32 s28, s4  }
0x60: {  	[tilespmem:s16], [sflag:$0x1] =	stream.linear.gather [hbm4b:s28+s2], $0x200, $0x38;
	[tilespmem:$0x18000] =	vst v63  }
0x61: {  	s16 =	simm.s32 $0x8000  }
0x62: {  	s17 =	simm.s32 $0x40;
	s28 =	sadd.s32 $0x0, s5;
	s26 =	simm.s32 $0x8400  }
.LBB2_6:
0x63: {  	[tilespmem:s16], [sflag:$0x2] =	stream.linear.gather [hbm4b:s28+s2], $0x200, $0x38;
	[tilespmem:$0x18000] =	vst v63  }
0x64: {  	s28 =	smov.u32 s17;
	s16 =	smov.u32 s26;
	p1 =	sne.s32 s17, $0x7C0  }
.Ltmp4:
0x65: {  	s17 =	sadd.s32 $0x40, s17;
	(pc) =	sbr.rel @p1 .LBB2_6-.Ltmp4, $2  }
0x66: {  	_ =	sdelay $0x2  }
0x67: {  	s26 =	sadd.s32 $0x400, s26;
	s28 =	sadd.s32 s28, s5  }
0x68: {  	[tilespmem:s16], [sflag:$0x2] =	stream.linear.gather [hbm4b:s28+s2], $0x200, $0x38;
	[tilespmem:$0x18000] =	vst v63  }
0x69: {  	s16 =	simm.s32 $0x8200  }
0x6a: {  	s17 =	simm.s32 $0x40;
	s28 =	sadd.s32 $0x0, s6;
	s26 =	simm.s32 $0x8600  }
.LBB2_8:
0x6b: {  	[tilespmem:s16], [sflag:$0x2] =	stream.linear.gather [hbm4b:s28+s2], $0x200, $0x38;
	[tilespmem:$0x18000] =	vst v63  }
0x6c: {  	s28 =	smov.u32 s17;
	s16 =	smov.u32 s26;
	p1 =	sne.s32 s17, $0x7C0  }
.Ltmp5:
0x6d: {  	s17 =	sadd.s32 $0x40, s17;
	(pc) =	sbr.rel @p1 .LBB2_8-.Ltmp5, $2  }
0x6e: {  	_ =	sdelay $0x2  }
0x6f: {  	s26 =	sadd.s32 $0x400, s26;
	s28 =	sadd.s32 s28, s6  }
0x70: {  	[tilespmem:s16], [sflag:$0x2] =	stream.linear.gather [hbm4b:s28+s2], $0x200, $0x38;
	[tilespmem:$0x18000] =	vst v63  }
0x71: {  	s16 =	simm.s32 $0x10000  }
0x72: {  	s17 =	simm.s32 $0x40;
	s28 =	sadd.s32 $0x0, s7;
	s26 =	simm.s32 $0x10400  }
.LBB2_10:
0x73: {  	[tilespmem:s16], [sflag:$0x3] =	stream.linear.gather [hbm4b:s28+s2], $0x200, $0x38;
	[tilespmem:$0x18000] =	vst v63  }
0x74: {  	s28 =	smov.u32 s17;
	s16 =	smov.u32 s26;
	p1 =	sne.s32 s17, $0x7C0  }
.Ltmp6:
0x75: {  	s17 =	sadd.s32 $0x40, s17;
	(pc) =	sbr.rel @p1 .LBB2_10-.Ltmp6, $2  }
0x76: {  	_ =	sdelay $0x2  }
0x77: {  	s26 =	sadd.s32 $0x400, s26;
	s28 =	sadd.s32 s28, s7  }
0x78: {  	[tilespmem:s16], [sflag:$0x3] =	stream.linear.gather [hbm4b:s28+s2], $0x200, $0x38;
	[tilespmem:$0x18000] =	vst v63  }
0x79: {  	s16 =	simm.s32 $0x10200  }
0x7a: {  	s17 =	simm.s32 $0x40;
	s28 =	sadd.s32 $0x0, s8;
	s26 =	simm.s32 $0x10600  }
.LBB2_12:
0x7b: {  	[tilespmem:s16], [sflag:$0x3] =	stream.linear.gather [hbm4b:s28+s2], $0x200, $0x38;
	[tilespmem:$0x18000] =	vst v63  }
0x7c: {  	s28 =	smov.u32 s17;
	s16 =	smov.u32 s26;
	p1 =	sne.s32 s17, $0x7C0  }
.Ltmp7:
0x7d: {  	s17 =	sadd.s32 $0x40, s17;
	(pc) =	sbr.rel @p1 .LBB2_12-.Ltmp7, $2  }
0x7e: {  	_ =	sdelay $0x2  }
0x7f: {  	s26 =	sadd.s32 $0x400, s26;
	s28 =	sadd.s32 s28, s8  }
0x80: {  	[tilespmem:s16], [sflag:$0x3] =	stream.linear.gather [hbm4b:s28+s2], $0x200, $0x38;
	[tilespmem:$0x18000] =	vst v63  }
0x81: {  	_ =	swait.ge [sflag:s29], $0x4000  }
0x82: {  	[sflag:s29] =	ssyncset.done $0x0  }
0x83: {  	[sflag:s29] =	ssyncadd.s32 $0xFFFFC000  }
0x84: {  	_ =	swait.ge [sflag:s29], $0x4000  }
0x85: {  	s16 =	simm.s32 $0x0;
	s17 =	simm.s32 $0x10;
	[sflag:s29] =	ssyncset.done $0x0  }
0x86: {  	s28 =	sadd.s32 $0x0, s9;
	s26 =	simm.s32 $0x200;
	[sflag:s29] =	ssyncadd.s32 $0xFFFFC000  }
.LBB2_14:
0x87: {  	[hbm4b:s28+s2] =	stream.linear.scatter [tilespmem:s16], [sflag:$0x4], $0x80, $0x38;
	[tilespmem:$0x18000] =	vst v63  }
0x88: {  	s28 =	smov.u32 s17;
	s16 =	smov.u32 s26;
	p1 =	sne.s32 s17, $0x3F0  }
.Ltmp8:
0x89: {  	s17 =	sadd.s32 $0x10, s17;
	(pc) =	sbr.rel @p1 .LBB2_14-.Ltmp8, $2  }
0x8a: {  	_ =	sdelay $0x2  }
0x8b: {  	s26 =	sadd.s32 $0x200, s26;
	s28 =	sadd.s32 s28, s9  }
0x8c: {  	[hbm4b:s28+s2] =	stream.linear.scatter [tilespmem:s16], [sflag:$0x4], $0x80, $0x38;
	[tilespmem:$0x18000] =	vst v63  }
0x8d: {  	s16 =	simm.s32 $0x80  }
0x8e: {  	s17 =	simm.s32 $0x10;
	s28 =	sadd.s32 $0x0, s10;
	s26 =	simm.s32 $0x280  }
.LBB2_16:
0x8f: {  	[hbm4b:s28+s2] =	stream.linear.scatter [tilespmem:s16], [sflag:$0x4], $0x80, $0x38;
	[tilespmem:$0x18000] =	vst v63  }
0x90: {  	s28 =	smov.u32 s17;
	s16 =	smov.u32 s26;
	p1 =	sne.s32 s17, $0x3F0  }
.Ltmp9:
0x91: {  	s17 =	sadd.s32 $0x10, s17;
	(pc) =	sbr.rel @p1 .LBB2_16-.Ltmp9, $2  }
0x92: {  	_ =	sdelay $0x2  }
0x93: {  	s26 =	sadd.s32 $0x200, s26;
	s28 =	sadd.s32 s28, s10  }
0x94: {  	[hbm4b:s28+s2] =	stream.linear.scatter [tilespmem:s16], [sflag:$0x4], $0x80, $0x38;
	[tilespmem:$0x18000] =	vst v63  }
0x95: {  	s16 =	simm.s32 $0x100  }
0x96: {  	s17 =	simm.s32 $0x10;
	s28 =	sadd.s32 $0x0, s11;
	s26 =	simm.s32 $0x300  }
.LBB2_18:
0x97: {  	[hbm4b:s28+s2] =	stream.linear.scatter [tilespmem:s16], [sflag:$0x4], $0x80, $0x38;
	[tilespmem:$0x18000] =	vst v63  }
0x98: {  	s28 =	smov.u32 s17;
	s16 =	smov.u32 s26;
	p1 =	sne.s32 s17, $0x3F0  }
.Ltmp10:
0x99: {  	s17 =	sadd.s32 $0x10, s17;
	(pc) =	sbr.rel @p1 .LBB2_18-.Ltmp10, $2  }
0x9a: {  	_ =	sdelay $0x2  }
0x9b: {  	s26 =	sadd.s32 $0x200, s26;
	s28 =	sadd.s32 s28, s11  }
0x9c: {  	[hbm4b:s28+s2] =	stream.linear.scatter [tilespmem:s16], [sflag:$0x4], $0x80, $0x38;
	[tilespmem:$0x18000] =	vst v63  }
0x9d: {  	s16 =	simm.s32 $0x180  }
0x9e: {  	s17 =	simm.s32 $0x10;
	s28 =	sadd.s32 $0x0, s12;
	s26 =	simm.s32 $0x380  }
.LBB2_20:
0x9f: {  	[hbm4b:s28+s2] =	stream.linear.scatter [tilespmem:s16], [sflag:$0x4], $0x80, $0x38;
	[tilespmem:$0x18000] =	vst v63  }
0xa0: {  	s28 =	smov.u32 s17;
	s16 =	smov.u32 s26;
	p1 =	sne.s32 s17, $0x3F0  }
.Ltmp11:
0xa1: {  	s17 =	sadd.s32 $0x10, s17;
	(pc) =	sbr.rel @p1 .LBB2_20-.Ltmp11, $2  }
0xa2: {  	_ =	sdelay $0x2  }
0xa3: {  	s26 =	sadd.s32 $0x200, s26;
	s28 =	sadd.s32 s28, s12  }
0xa4: {  	[hbm4b:s28+s2] =	stream.linear.scatter [tilespmem:s16], [sflag:$0x4], $0x80, $0x38;
	[tilespmem:$0x18000] =	vst v63  }
0xa5: {  	s30 =	simm.s32 $0x4  }
0xa6: {  	_ =	swait.ge [sflag:s30], $0x2000  }
0xa7: {  	[sflag:s30] =	ssyncset.done $0x0  }
0xa8: {  	[sflag:s30] =	ssyncadd.s32 $0xFFFFE000  }
0xa9: {  	_ =	swait.ge [sflag:s30], $0x2000  }
0xaa: {  	[sflag:s30] =	ssyncset.done $0x0  }
0xab: {  	[sflag:s30] =	ssyncadd.s32 $0xFFFFE000  }
0xac: {  	_ =	swait.ge [sflag:s30], $0x2000  }
0xad: {  	[sflag:s30] =	ssyncset.done $0x0  }
0xae: {  	[sflag:s30] =	ssyncadd.s32 $0xFFFFE000  }
0xaf: {  	_ =	swait.ge [sflag:s30], $0x2000  }
0xb0: {  	s16 =	simm.s32 $0x0;
	s17 =	simm.s32 $0x40;
	[sflag:s30] =	ssyncset.done $0x0  }
0xb1: {  	s28 =	sadd.s32 $0x0, s13;
	s26 =	simm.s32 $0x400;
	[sflag:s30] =	ssyncadd.s32 $0xFFFFE000  }
.LBB2_22:
0xb2: {  	[tilespmem:s16], [sflag:$0x1] =	stream.linear.gather [hbm4b:s28+s2], $0x200, $0x38;
	[tilespmem:$0x18000] =	vst v63  }
0xb3: {  	s28 =	smov.u32 s17;
	s16 =	smov.u32 s26;
	p1 =	sne.s32 s17, $0x7C0  }
.Ltmp12:
0xb4: {  	s17 =	sadd.s32 $0x40, s17;
	(pc) =	sbr.rel @p1 .LBB2_22-.Ltmp12, $2  }
0xb5: {  	_ =	sdelay $0x2  }
0xb6: {  	s26 =	sadd.s32 $0x400, s26;
	s28 =	sadd.s32 s28, s13  }
0xb7: {  	[tilespmem:s16], [sflag:$0x1] =	stream.linear.gather [hbm4b:s28+s2], $0x200, $0x38;
	[tilespmem:$0x18000] =	vst v63  }
0xb8: {  	s16 =	simm.s32 $0x200  }
0xb9: {  	s17 =	simm.s32 $0x40;
	s28 =	sadd.s32 $0x0, s14;
	s26 =	simm.s32 $0x600  }
.LBB2_24:
0xba: {  	[tilespmem:s16], [sflag:$0x1] =	stream.linear.gather [hbm4b:s28+s2], $0x200, $0x38;
	[tilespmem:$0x18000] =	vst v63  }
0xbb: {  	s28 =	smov.u32 s17;
	s16 =	smov.u32 s26;
	p1 =	sne.s32 s17, $0x7C0  }
.Ltmp13:
0xbc: {  	s17 =	sadd.s32 $0x40, s17;
	(pc) =	sbr.rel @p1 .LBB2_24-.Ltmp13, $2  }
0xbd: {  	_ =	sdelay $0x2  }
0xbe: {  	s26 =	sadd.s32 $0x400, s26;
	s28 =	sadd.s32 s28, s14  }
0xbf: {  	[tilespmem:s16], [sflag:$0x1] =	stream.linear.gather [hbm4b:s28+s2], $0x200, $0x38;
	[tilespmem:$0x18000] =	vst v63  }
0xc0: {  	s30 =	simm.s32 $0x2  }
0xc1: {  	_ =	swait.ge [sflag:s30], $0x4000  }
0xc2: {  	[sflag:s30] =	ssyncset.done $0x0  }
0xc3: {  	[sflag:s30] =	ssyncadd.s32 $0xFFFFC000  }
0xc4: {  	_ =	swait.ge [sflag:s30], $0x4000  }
0xc5: {  	s16 =	simm.s32 $0x8000;
	s17 =	simm.s32 $0x10;
	[sflag:s30] =	ssyncset.done $0x0  }
0xc6: {  	s28 =	sadd.s32 $0x0, s15;
	s26 =	simm.s32 $0x8200;
	[sflag:s30] =	ssyncadd.s32 $0xFFFFC000  }
.LBB2_26:
0xc7: {  	[hbm4b:s28+s2] =	stream.linear.scatter [tilespmem:s16], [sflag:$0x5], $0x80, $0x38;
	[tilespmem:$0x18000] =	vst v63  }
0xc8: {  	s28 =	smov.u32 s17;
	s16 =	smov.u32 s26;
	p1 =	sne.s32 s17, $0x3F0  }
.Ltmp14:
0xc9: {  	s17 =	sadd.s32 $0x10, s17;
	(pc) =	sbr.rel @p1 .LBB2_26-.Ltmp14, $2  }
0xca: {  	_ =	sdelay $0x2  }
0xcb: {  	s26 =	sadd.s32 $0x200, s26;
	s28 =	sadd.s32 s28, s15  }
0xcc: {  	[hbm4b:s28+s2] =	stream.linear.scatter [tilespmem:s16], [sflag:$0x5], $0x80, $0x38;
	[tilespmem:$0x18000] =	vst v63  }
0xcd: {  	s16 =	simm.s32 $0x8080  }
0xce: {  	s17 =	simm.s32 $0x10;
	s28 =	sadd.s32 $0x0, s0;
	s26 =	simm.s32 $0x8280  }
.LBB2_28:
0xcf: {  	[hbm4b:s28+s2] =	stream.linear.scatter [tilespmem:s16], [sflag:$0x5], $0x80, $0x38;
	[tilespmem:$0x18000] =	vst v63  }
0xd0: {  	s28 =	smov.u32 s17;
	s16 =	smov.u32 s26;
	p1 =	sne.s32 s17, $0x3F0  }
.Ltmp15:
0xd1: {  	s17 =	sadd.s32 $0x10, s17;
	(pc) =	sbr.rel @p1 .LBB2_28-.Ltmp15, $2  }
0xd2: {  	_ =	sdelay $0x2  }
0xd3: {  	s26 =	sadd.s32 $0x200, s26;
	s28 =	sadd.s32 s28, s0  }
0xd4: {  	[hbm4b:s28+s2] =	stream.linear.scatter [tilespmem:s16], [sflag:$0x5], $0x80, $0x38;
	[tilespmem:$0x18000] =	vst v63  }
0xd5: {  	s16 =	simm.s32 $0x8100  }
0xd6: {  	s17 =	simm.s32 $0x10;
	s28 =	sadd.s32 $0x0, s31;
	s26 =	simm.s32 $0x8300  }
.LBB2_30:
0xd7: {  	[hbm4b:s28+s2] =	stream.linear.scatter [tilespmem:s16], [sflag:$0x5], $0x80, $0x38;
	[tilespmem:$0x18000] =	vst v63  }
0xd8: {  	s28 =	smov.u32 s17;
	s16 =	smov.u32 s26;
	p1 =	sne.s32 s17, $0x3F0  }
.Ltmp16:
0xd9: {  	s17 =	sadd.s32 $0x10, s17;
	(pc) =	sbr.rel @p1 .LBB2_30-.Ltmp16, $2  }
0xda: {  	_ =	sdelay $0x2  }
0xdb: {  	s26 =	sadd.s32 $0x200, s26;
	s28 =	sadd.s32 s28, s31  }
0xdc: {  	[hbm4b:s28+s2] =	stream.linear.scatter [tilespmem:s16], [sflag:$0x5], $0x80, $0x38;
	[tilespmem:$0x18000] =	vst v63  }
0xdd: {  	s16 =	simm.s32 $0x8180  }
0xde: {  	s17 =	simm.s32 $0x10;
	s28 =	sadd.s32 $0x0, s1;
	s26 =	simm.s32 $0x8380  }
.LBB2_32:
0xdf: {  	[hbm4b:s28+s2] =	stream.linear.scatter [tilespmem:s16], [sflag:$0x5], $0x80, $0x38;
	[tilespmem:$0x18000] =	vst v63  }
0xe0: {  	s28 =	smov.u32 s17;
	s16 =	smov.u32 s26;
	p1 =	sne.s32 s17, $0x3F0  }
.Ltmp17:
0xe1: {  	s17 =	sadd.s32 $0x10, s17;
	(pc) =	sbr.rel @p1 .LBB2_32-.Ltmp17, $2  }
0xe2: {  	_ =	sdelay $0x2  }
0xe3: {  	s26 =	sadd.s32 $0x200, s26;
	s28 =	sadd.s32 s28, s1  }
0xe4: {  	[hbm4b:s28+s2] =	stream.linear.scatter [tilespmem:s16], [sflag:$0x5], $0x80, $0x38;
	[tilespmem:$0x18000] =	vst v63  }
0xe5: {  	s30 =	simm.s32 $0x5  }
0xe6: {  	_ =	swait.ge [sflag:s30], $0x2000  }
0xe7: {  	[sflag:s30] =	ssyncset.done $0x0  }
0xe8: {  	[sflag:s30] =	ssyncadd.s32 $0xFFFFE000  }
0xe9: {  	_ =	swait.ge [sflag:s30], $0x2000  }
0xea: {  	[sflag:s30] =	ssyncset.done $0x0  }
0xeb: {  	[sflag:s30] =	ssyncadd.s32 $0xFFFFE000  }
0xec: {  	_ =	swait.ge [sflag:s30], $0x2000  }
.Ltmp18:
0xed: {  	[sflag:s30] =	ssyncset.done $0x0;
	(pc) =	sbr.rel @p0 .LBB2_39-.Ltmp18, $4  }
0xee: {  	[sflag:s30] =	ssyncadd.s32 $0xFFFFE000  }
0xef: {  	_ =	swait.ge [sflag:s30], $0x2000  }
0xf0: {  	[sflag:s30] =	ssyncset.done $0x0  }
0xf1: {  	[sflag:s30] =	ssyncadd.s32 $0xFFFFE000  }
0xf2: {  	s16 =	simm.s32 $0x8000;
	s29 =	rddreg [dreg:$0x3]  }
0xf3: {  	s17 =	simm.s32 $0x40;
	s26 =	simm.s32 $0x8400;
	s28 =	sadd.s32 $0x0, s29  }
.LBB2_35:
0xf4: {  	[tilespmem:s16], [sflag:$0x2] =	stream.linear.gather [hbm4b:s28+s2], $0x200, $0x38;
	[tilespmem:$0x18000] =	vst v63  }
0xf5: {  	s28 =	smov.u32 s17;
	s16 =	smov.u32 s26;
	p1 =	sne.s32 s17, $0x7C0  }
.Ltmp19:
0xf6: {  	s17 =	sadd.s32 $0x40, s17;
	(pc) =	sbr.rel @p1 .LBB2_35-.Ltmp19, $2  }
0xf7: {  	_ =	sdelay $0x2  }
0xf8: {  	s26 =	sadd.s32 $0x400, s26;
	s28 =	sadd.s32 s28, s29  }
0xf9: {  	[tilespmem:s16], [sflag:$0x2] =	stream.linear.gather [hbm4b:s28+s2], $0x200, $0x38;
	[tilespmem:$0x18000] =	vst v63  }
0xfa: {  	s16 =	simm.s32 $0x8200;
	s29 =	rddreg [dreg:$0x4]  }
0xfb: {  	s17 =	simm.s32 $0x40;
	s26 =	simm.s32 $0x8600;
	s28 =	sadd.s32 $0x0, s29  }
.LBB2_37:
0xfc: {  	[tilespmem:s16], [sflag:$0x2] =	stream.linear.gather [hbm4b:s28+s2], $0x200, $0x38;
	[tilespmem:$0x18000] =	vst v63  }
0xfd: {  	s28 =	smov.u32 s17;
	s16 =	smov.u32 s26;
	p1 =	sne.s32 s17, $0x7C0  }
.Ltmp20:
0xfe: {  	s17 =	sadd.s32 $0x40, s17;
	(pc) =	sbr.rel @p1 .LBB2_37-.Ltmp20, $2  }
0xff: {  	_ =	sdelay $0x2  }
0x100: {  	s26 =	sadd.s32 $0x400, s26;
	s28 =	sadd.s32 s28, s29  }
0x101: {  	[tilespmem:s16], [sflag:$0x2] =	stream.linear.gather [hbm4b:s28+s2], $0x200, $0x38;
	[tilespmem:$0x18000] =	vst v63  }
0x102: {  	s29 =	simm.s32 $0x1  }
.LBB2_39:
0x103: {  	s16 =	simm.s32 $0x3  }
0x104: {  	_ =	swait.ge [sflag:s16], $0x4000  }
0x105: {  	[sflag:s16] =	ssyncset.done $0x0  }
0x106: {  	[sflag:s16] =	ssyncadd.s32 $0xFFFFC000  }
0x107: {  	_ =	swait.ge [sflag:s16], $0x4000  }
0x108: {  	s17 =	simm.s32 $0x10;
	s28 =	sadd.s32 $0x0, s18;
	[sflag:s16] =	ssyncset.done $0x0  }
0x109: {  	s26 =	simm.s32 $0x10200;
	[sflag:s16] =	ssyncadd.s32 $0xFFFFC000;
	s16 =	simm.s32 $0x10000  }
.LBB2_40:
0x10a: {  	[hbm4b:s28+s2] =	stream.linear.scatter [tilespmem:s16], [sflag:$0x6], $0x80, $0x38;
	[tilespmem:$0x18000] =	vst v63  }
0x10b: {  	s28 =	smov.u32 s17;
	s16 =	smov.u32 s26;
	p1 =	sne.s32 s17, $0x3F0  }
.Ltmp21:
0x10c: {  	s17 =	sadd.s32 $0x10, s17;
	(pc) =	sbr.rel @p1 .LBB2_40-.Ltmp21, $2  }
0x10d: {  	_ =	sdelay $0x2  }
0x10e: {  	s26 =	sadd.s32 $0x200, s26;
	s28 =	sadd.s32 s28, s18  }
0x10f: {  	[hbm4b:s28+s2] =	stream.linear.scatter [tilespmem:s16], [sflag:$0x6], $0x80, $0x38;
	[tilespmem:$0x18000] =	vst v63  }
0x110: {  	s16 =	simm.s32 $0x10080  }
0x111: {  	s17 =	simm.s32 $0x10;
	s28 =	sadd.s32 $0x0, s19;
	s26 =	simm.s32 $0x10280  }
.LBB2_42:
0x112: {  	[hbm4b:s28+s2] =	stream.linear.scatter [tilespmem:s16], [sflag:$0x6], $0x80, $0x38;
	[tilespmem:$0x18000] =	vst v63  }
0x113: {  	s28 =	smov.u32 s17;
	s16 =	smov.u32 s26;
	p1 =	sne.s32 s17, $0x3F0  }
.Ltmp22:
0x114: {  	s17 =	sadd.s32 $0x10, s17;
	(pc) =	sbr.rel @p1 .LBB2_42-.Ltmp22, $2  }
0x115: {  	_ =	sdelay $0x2  }
0x116: {  	s26 =	sadd.s32 $0x200, s26;
	s28 =	sadd.s32 s28, s19  }
0x117: {  	[hbm4b:s28+s2] =	stream.linear.scatter [tilespmem:s16], [sflag:$0x6], $0x80, $0x38;
	[tilespmem:$0x18000] =	vst v63  }
0x118: {  	s16 =	simm.s32 $0x10100  }
0x119: {  	s17 =	simm.s32 $0x10;
	s28 =	sadd.s32 $0x0, s20;
	s26 =	simm.s32 $0x10300  }
.LBB2_44:
0x11a: {  	[hbm4b:s28+s2] =	stream.linear.scatter [tilespmem:s16], [sflag:$0x6], $0x80, $0x38;
	[tilespmem:$0x18000] =	vst v63  }
0x11b: {  	s28 =	smov.u32 s17;
	s16 =	smov.u32 s26;
	p1 =	sne.s32 s17, $0x3F0  }
.Ltmp23:
0x11c: {  	s17 =	sadd.s32 $0x10, s17;
	(pc) =	sbr.rel @p1 .LBB2_44-.Ltmp23, $2  }
0x11d: {  	_ =	sdelay $0x2  }
0x11e: {  	s26 =	sadd.s32 $0x200, s26;
	s28 =	sadd.s32 s28, s20  }
0x11f: {  	[hbm4b:s28+s2] =	stream.linear.scatter [tilespmem:s16], [sflag:$0x6], $0x80, $0x38;
	[tilespmem:$0x18000] =	vst v63  }
0x120: {  	s16 =	simm.s32 $0x10180  }
0x121: {  	s17 =	simm.s32 $0x10;
	s28 =	sadd.s32 $0x0, s21;
	s26 =	simm.s32 $0x10380  }
.LBB2_46:
0x122: {  	[hbm4b:s28+s2] =	stream.linear.scatter [tilespmem:s16], [sflag:$0x6], $0x80, $0x38;
	[tilespmem:$0x18000] =	vst v63  }
0x123: {  	s28 =	smov.u32 s17;
	s16 =	smov.u32 s26;
	p1 =	sne.s32 s17, $0x3F0  }
.Ltmp24:
0x124: {  	s17 =	sadd.s32 $0x10, s17;
	(pc) =	sbr.rel @p1 .LBB2_46-.Ltmp24, $2  }
0x125: {  	_ =	sdelay $0x2  }
0x126: {  	s26 =	sadd.s32 $0x200, s26;
	s28 =	sadd.s32 s28, s21  }
0x127: {  	[hbm4b:s28+s2] =	stream.linear.scatter [tilespmem:s16], [sflag:$0x6], $0x80, $0x38;
	[tilespmem:$0x18000] =	vst v63  }
0x128: {  	_ =	swait.ge [sflag:s29], $0x4000  }
0x129: {  	[sflag:s29] =	ssyncset.done $0x0  }
0x12a: {  	[sflag:s29] =	ssyncadd.s32 $0xFFFFC000  }
0x12b: {  	_ =	swait.ge [sflag:s29], $0x4000  }
0x12c: {  	s16 =	simm.s32 $0x0;
	s17 =	simm.s32 $0x10;
	[sflag:s29] =	ssyncset.done $0x0  }
0x12d: {  	s28 =	sadd.s32 $0x0, s22;
	s26 =	simm.s32 $0x200;
	[sflag:s29] =	ssyncadd.s32 $0xFFFFC000  }
.LBB2_48:
0x12e: {  	[hbm4b:s28+s2] =	stream.linear.scatter [tilespmem:s16], [sflag:$0x4], $0x80, $0x38;
	[tilespmem:$0x18000] =	vst v63  }
0x12f: {  	s28 =	smov.u32 s17;
	s16 =	smov.u32 s26;
	p1 =	sne.s32 s17, $0x3F0  }
.Ltmp25:
0x130: {  	s17 =	sadd.s32 $0x10, s17;
	(pc) =	sbr.rel @p1 .LBB2_48-.Ltmp25, $2  }
0x131: {  	_ =	sdelay $0x2  }
0x132: {  	s26 =	sadd.s32 $0x200, s26;
	s28 =	sadd.s32 s28, s22  }
0x133: {  	[hbm4b:s28+s2] =	stream.linear.scatter [tilespmem:s16], [sflag:$0x4], $0x80, $0x38;
	[tilespmem:$0x18000] =	vst v63  }
0x134: {  	s16 =	simm.s32 $0x80  }
0x135: {  	s17 =	simm.s32 $0x10;
	s28 =	sadd.s32 $0x0, s23;
	s26 =	simm.s32 $0x280  }
.LBB2_50:
0x136: {  	[hbm4b:s28+s2] =	stream.linear.scatter [tilespmem:s16], [sflag:$0x4], $0x80, $0x38;
	[tilespmem:$0x18000] =	vst v63  }
0x137: {  	s28 =	smov.u32 s17;
	s16 =	smov.u32 s26;
	p1 =	sne.s32 s17, $0x3F0  }
.Ltmp26:
0x138: {  	s17 =	sadd.s32 $0x10, s17;
	(pc) =	sbr.rel @p1 .LBB2_50-.Ltmp26, $2  }
0x139: {  	_ =	sdelay $0x2  }
0x13a: {  	s26 =	sadd.s32 $0x200, s26;
	s28 =	sadd.s32 s28, s23  }
0x13b: {  	[hbm4b:s28+s2] =	stream.linear.scatter [tilespmem:s16], [sflag:$0x4], $0x80, $0x38;
	[tilespmem:$0x18000] =	vst v63  }
0x13c: {  	s16 =	simm.s32 $0x100  }
0x13d: {  	s17 =	simm.s32 $0x10;
	s28 =	sadd.s32 $0x0, s24;
	s26 =	simm.s32 $0x300  }
.LBB2_52:
0x13e: {  	[hbm4b:s28+s2] =	stream.linear.scatter [tilespmem:s16], [sflag:$0x4], $0x80, $0x38;
	[tilespmem:$0x18000] =	vst v63  }
0x13f: {  	s28 =	smov.u32 s17;
	s16 =	smov.u32 s26;
	p1 =	sne.s32 s17, $0x3F0  }
.Ltmp27:
0x140: {  	s17 =	sadd.s32 $0x10, s17;
	(pc) =	sbr.rel @p1 .LBB2_52-.Ltmp27, $2  }
0x141: {  	_ =	sdelay $0x2  }
0x142: {  	s26 =	sadd.s32 $0x200, s26;
	s28 =	sadd.s32 s28, s24  }
0x143: {  	[hbm4b:s28+s2] =	stream.linear.scatter [tilespmem:s16], [sflag:$0x4], $0x80, $0x38;
	[tilespmem:$0x18000] =	vst v63  }
0x144: {  	s16 =	simm.s32 $0x180  }
0x145: {  	s17 =	simm.s32 $0x10;
	s28 =	sadd.s32 $0x0, s25;
	s26 =	simm.s32 $0x380  }
.LBB2_54:
0x146: {  	[hbm4b:s28+s2] =	stream.linear.scatter [tilespmem:s16], [sflag:$0x4], $0x80, $0x38;
	[tilespmem:$0x18000] =	vst v63  }
0x147: {  	s28 =	smov.u32 s17;
	s16 =	smov.u32 s26;
	p1 =	sne.s32 s17, $0x3F0  }
.Ltmp28:
0x148: {  	s17 =	sadd.s32 $0x10, s17;
	(pc) =	sbr.rel @p1 .LBB2_54-.Ltmp28, $2  }
0x149: {  	_ =	sdelay $0x2  }
0x14a: {  	s26 =	sadd.s32 $0x200, s26;
	s28 =	sadd.s32 s28, s25  }
.Ltmp29:
0x14b: {  	(pc) =	sbr.rel @p0 .LBB2_65-.Ltmp29, $3  }
0x14c: {  	_ =	sdelay $0x1  }
0x14d: {  	[hbm4b:s28+s2] =	stream.linear.scatter [tilespmem:s16], [sflag:$0x4], $0x80, $0x38;
	[tilespmem:$0x18000] =	vst v63  }
0x14e: {  	s26 =	rddreg [dreg:$0xa]  }
0x14f: {  	s16 =	simm.s32 $0x2  }
0x150: {  	_ =	swait.ge [sflag:s16], $0x4000  }
0x151: {  	[sflag:s16] =	ssyncset.done $0x0  }
0x152: {  	[sflag:s16] =	ssyncadd.s32 $0xFFFFC000  }
0x153: {  	s17 =	simm.s32 $0x10;
	_ =	swait.ge [sflag:s16], $0x4000  }
0x154: {  	s26 =	simm.s32 $0x8200;
	[sflag:s16] =	ssyncset.done $0x0;
	s30 =	rddreg [dreg:$0x5]  }
0x155: {  	[sflag:s16] =	ssyncadd.s32 $0xFFFFC000;
	s16 =	simm.s32 $0x8000;
	s28 =	sadd.s32 $0x0, s30  }
.LBB2_57:
0x156: {  	[hbm4b:s28+s2] =	stream.linear.scatter [tilespmem:s16], [sflag:$0x5], $0x80, $0x38;
	[tilespmem:$0x18000] =	vst v63  }
0x157: {  	s28 =	smov.u32 s17;
	s16 =	smov.u32 s26;
	p1 =	sne.s32 s17, $0x3F0  }
.Ltmp30:
0x158: {  	s17 =	sadd.s32 $0x10, s17;
	(pc) =	sbr.rel @p1 .LBB2_57-.Ltmp30, $2  }
0x159: {  	_ =	sdelay $0x2  }
0x15a: {  	s26 =	sadd.s32 $0x200, s26;
	s28 =	sadd.s32 s28, s30  }
0x15b: {  	[hbm4b:s28+s2] =	stream.linear.scatter [tilespmem:s16], [sflag:$0x5], $0x80, $0x38;
	[tilespmem:$0x18000] =	vst v63  }
0x15c: {  	s16 =	simm.s32 $0x8080;
	s30 =	rddreg [dreg:$0x6]  }
0x15d: {  	s17 =	simm.s32 $0x10;
	s26 =	simm.s32 $0x8280;
	s28 =	sadd.s32 $0x0, s30  }
.LBB2_59:
0x15e: {  	[hbm4b:s28+s2] =	stream.linear.scatter [tilespmem:s16], [sflag:$0x5], $0x80, $0x38;
	[tilespmem:$0x18000] =	vst v63  }
0x15f: {  	s28 =	smov.u32 s17;
	s16 =	smov.u32 s26;
	p1 =	sne.s32 s17, $0x3F0  }
.Ltmp31:
0x160: {  	s17 =	sadd.s32 $0x10, s17;
	(pc) =	sbr.rel @p1 .LBB2_59-.Ltmp31, $2  }
0x161: {  	_ =	sdelay $0x2  }
0x162: {  	s26 =	sadd.s32 $0x200, s26;
	s28 =	sadd.s32 s28, s30  }
0x163: {  	[hbm4b:s28+s2] =	stream.linear.scatter [tilespmem:s16], [sflag:$0x5], $0x80, $0x38;
	[tilespmem:$0x18000] =	vst v63  }
0x164: {  	s16 =	simm.s32 $0x8100;
	s29 =	rddreg [dreg:$0x7]  }
0x165: {  	s17 =	simm.s32 $0x10;
	s26 =	simm.s32 $0x8300;
	s28 =	sadd.s32 $0x0, s29  }
.LBB2_61:
0x166: {  	[hbm4b:s28+s2] =	stream.linear.scatter [tilespmem:s16], [sflag:$0x5], $0x80, $0x38;
	[tilespmem:$0x18000] =	vst v63  }
0x167: {  	s28 =	smov.u32 s17;
	s16 =	smov.u32 s26;
	p1 =	sne.s32 s17, $0x3F0  }
.Ltmp32:
0x168: {  	s17 =	sadd.s32 $0x10, s17;
	(pc) =	sbr.rel @p1 .LBB2_61-.Ltmp32, $2  }
0x169: {  	_ =	sdelay $0x2  }
0x16a: {  	s26 =	sadd.s32 $0x200, s26;
	s28 =	sadd.s32 s28, s29  }
0x16b: {  	[hbm4b:s28+s2] =	stream.linear.scatter [tilespmem:s16], [sflag:$0x5], $0x80, $0x38;
	[tilespmem:$0x18000] =	vst v63  }
0x16c: {  	s16 =	simm.s32 $0x8180;
	s29 =	rddreg [dreg:$0x8]  }
0x16d: {  	s17 =	simm.s32 $0x10;
	s26 =	simm.s32 $0x8380;
	s28 =	sadd.s32 $0x0, s29  }
.LBB2_63:
0x16e: {  	[hbm4b:s28+s2] =	stream.linear.scatter [tilespmem:s16], [sflag:$0x5], $0x80, $0x38;
	[tilespmem:$0x18000] =	vst v63  }
0x16f: {  	s28 =	smov.u32 s17;
	s16 =	smov.u32 s26;
	p1 =	sne.s32 s17, $0x3F0  }
.Ltmp33:
0x170: {  	s17 =	sadd.s32 $0x10, s17;
	(pc) =	sbr.rel @p1 .LBB2_63-.Ltmp33, $2  }
0x171: {  	_ =	sdelay $0x2  }
0x172: {  	s26 =	sadd.s32 $0x200, s26;
	s28 =	sadd.s32 s28, s29  }
.Ltmp34:
0x173: {  	_ = 	snop;
	(pc) =	sbr.rel .LBB2_64-.Ltmp34, $1  }
0x174: {  	_ =	sdelay $0x3  }
.LBB2_66:
0x175: {  	_ =	sfence.sel $0x180000  }
0x176: {  	[bflag:$0x0] =	sbarrier.arrive $0xFFFF  }
0x177: {  	_ =	strace $0x90000047  }
0x178: {  	s0 =	stileid.u32;
	[bflag:$0x2] =	sbarrier.arrive $0xFFFF  }
0x179: {  	p0 =	sne.s32 s0, $0x0;
	s0 =	rddreg [dreg:$0x2]  }
0x17a: {  	s0 =	sadd.s32 @!p0 $0x100000, s0  }
0x17b: {  	[sflag:s0] =	ssyncadd.tile.s32 @!p0 $0x1;
	_ =	shalt  }
.Lfunc_end2:
_tile_overlayer_lowered:
.L_overlay_start_2:
0x17c: {  	(tag) =	ssettag $0x2  }
0x17d: {  	s0 =	rddreg [dreg:$0x0];
	s2 =	stileid.u32  }
0x17e: {  	s1 =	rddreg [dreg:$0x1];
	p0 =	sne.s32 s2, $0x0  }
0x17f: {  	s3 =	rddreg [dreg:$0x2];
	[bflag:$0x3] =	sbarrier.arrive $0xFFFF;
	s2 =	simm.s32 @!p0 $0x1C07  }
0x180: {  	[timem:s3], [sflag:s2] =	dma.local @!p0 [hbm:s0], s1  }
0x181: {  	s0 =	simm.s32 @!p0 $0x7  }
0x182: {  	_ =	swait.ge @!p0 [sflag:s0], s1  }
0x183: {  	s1 =	ssub.s32 @!p0 $0x0, s1;
	[sflag:s0] =	ssyncset.done @!p0 $0x0  }
0x184: {  	[sflag:s0] =	ssyncadd.s32 @!p0 s1  }
0x185: {  	[bflag:$0x3] =	sbarrier.arrive $0xFFFF  }
0x186: {  	_ =	shalt  }

</sc_bundles>
